<compile_context>
chip_gen: v7x
topology: tpu7x:2x2x1
jax: 0.10.2.dev20260603
libtpu: 0.0.44.dev20260713+nightly
codegen_flags: <defaults>
</compile_context>

<pallas_src>
import functools

import jax
import jax.numpy as jnp
from jax import lax
from jax.experimental import pallas as pl
from jax.experimental.pallas import tpu as pltpu
from jax.experimental.pallas import tpu_sc as plsc

B, T, EMB, H, V = 16, 2048, 128, 256, 32000
H2 = H * 2
F32 = jnp.float32

SC_CORES = 2
SC_SUBCORES = 16


def _ab_body(ids_ref, emb_hbm, ph_ref,
             wi0_ref, bi0_ref, wh0_ref, bh0_ref,
             wi1_ref, bi1_ref, wh1_ref, bh1_ref,
             x_ref, hh_ref, sem):
    copies = []
    for i in range(B):
        idx = ids_ref[i, 0]
        c = pltpu.make_async_copy(emb_hbm.at[pl.ds(idx, 1), :],
                                  x_ref.at[pl.ds(i, 1), :], sem)
        c.start()
        copies.append(c)
    for c in copies:
        c.wait()

    def gru(x, h, wi_ref, bi_ref, wh_ref, bh_ref):
        gi = lax.dot_general(x, wi_ref[...], (((1,), (1,)), ((), ())),
                             preferred_element_type=F32) + bi_ref[...][None, :]
        gh = lax.dot_general(h, wh_ref[...], (((1,), (1,)), ((), ())),
                             preferred_element_type=F32) + bh_ref[...][None, :]
        i_r, i_z, i_n = gi[:, :H2], gi[:, H2:2 * H2], gi[:, 2 * H2:]
        h_r, h_z, h_n = gh[:, :H2], gh[:, H2:2 * H2], gh[:, 2 * H2:]
        r = jax.nn.sigmoid(i_r + h_r)
        z = jax.nn.sigmoid(i_z + h_z)
        n = jnp.tanh(i_n + r * h_n)
        return (1.0 - z) * n + z * h

    x = x_ref[...]
    h0 = gru(x, ph_ref[0], wi0_ref, bi0_ref, wh0_ref, bh0_ref)
    h1 = gru(h0, ph_ref[1], wi1_ref, bi1_ref, wh1_ref, bh1_ref)
    hh_ref[0] = h0
    hh_ref[1] = h1


def _stage_ab(input_ids, emb_table, pre_hidden,
              W_ih0, b_ih0, W_hh0, b_hh0, W_ih1, b_ih1, W_hh1, b_hh1):
    vm = lambda: pl.BlockSpec(memory_space=pltpu.VMEM)
    return pl.pallas_call(
        _ab_body,
        grid=(1,),
        in_specs=[
            pl.BlockSpec(memory_space=pltpu.SMEM),
            pl.BlockSpec(memory_space=pl.ANY),
            vm(), vm(), vm(), vm(), vm(), vm(), vm(), vm(), vm(),
        ],
        out_specs=[vm(), vm()],
        out_shape=[jax.ShapeDtypeStruct((B, EMB), F32),
                   jax.ShapeDtypeStruct((2, B, H2), F32)],
        scratch_shapes=[pltpu.SemaphoreType.DMA],
    )(input_ids, emb_table, pre_hidden,
      W_ih0, b_ih0, W_hh0, b_hh0, W_ih1, b_ih1, W_hh1, b_hh1)


_TS = T // 128
_NBC = 2


def _c_body(e_ref, cov_ref, h1_ref, wal_ref, bal_ref, wcov_ref, bcov_ref,
            attn_ref, covnew_ref, ctx_ref, loss_ref, loss_scr):
    g = pl.program_id(0)
    e5 = e_ref[...]
    w_a = wal_ref[:, :H2]
    w_b = wal_ref[:, H2:2 * H2]
    w_c = wal_ref[:, 2 * H2:]
    h1rows = h1_ref[0]
    hdot = jnp.sum(h1rows * w_b, axis=1)
    c1 = jnp.sum(wcov_ref[...].reshape(1, H2) * w_c)
    c0 = jnp.sum(bcov_ref[...].reshape(1, H2) * w_c)
    base = hdot + c0 + bal_ref[0]
    cov3 = cov_ref[...]
    s = (jnp.sum(e5 * w_a[None, None, :, :], axis=3)
         + base[:, None, None] + c1 * cov3)
    s = jnp.tanh(s)
    m = jnp.max(s, axis=(1, 2), keepdims=True)
    p = jnp.exp(s - m)
    inv = 1.0 / jnp.sum(p, axis=(1, 2), keepdims=True)
    attn = p * inv
    for b in range(_NBC):
        e2 = e5[b].reshape(T, H2)
        pcol = attn[b].reshape(T)[:, None]
        ctx_ref[b, 0, :] = jnp.sum(e2 * pcol, axis=0)
    attn_ref[...] = attn
    covnew_ref[...] = cov3 + attn
    cl = jnp.sum(jnp.minimum(attn, cov3))
    prev = jnp.where(g == 0, 0.0, loss_scr[0])
    acc = prev + cl
    loss_scr[0] = acc
    loss_ref[...] = acc.reshape(1, 1)


def _stage_c(E, CoverageVector, h1, W_align, b_align, W_cov, b_cov):
    full = lambda s: pl.BlockSpec(s, lambda b: tuple(0 for _ in s))
    return pl.pallas_call(
        _c_body,
        grid=(B // _NBC,),
        in_specs=[
            pl.BlockSpec((_NBC, _TS, 128, H2), lambda g: (g, 0, 0, 0)),
            pl.BlockSpec((_NBC, _TS, 128), lambda g: (g, 0, 0)),
            pl.BlockSpec((1, _NBC, H2), lambda g: (g, 0, 0)),
            full((1, 3 * H2)),
            pl.BlockSpec(memory_space=pltpu.SMEM),
            full((H2, 1)),
            full((H2,)),
        ],
        out_specs=[
            pl.BlockSpec((_NBC, _TS, 128), lambda g: (g, 0, 0)),
            pl.BlockSpec((_NBC, _TS, 128), lambda g: (g, 0, 0)),
            pl.BlockSpec((_NBC, 1, H2), lambda g: (g, 0, 0)),
            pl.BlockSpec((1, 1), lambda g: (0, 0)),
        ],
        out_shape=[jax.ShapeDtypeStruct((B, _TS, 128), F32),
                   jax.ShapeDtypeStruct((B, _TS, 128), F32),
                   jax.ShapeDtypeStruct((B, 1, H2), F32),
                   jax.ShapeDtypeStruct((1, 1), F32)],
        scratch_shapes=[pltpu.SMEM((1,), F32)],
    )(E.reshape(B, _TS, 128, H2), CoverageVector.reshape(B, _TS, 128),
      h1.reshape(B // _NBC, _NBC, H2), W_align, b_align, W_cov, b_cov)


_VT = 3200
_NV = V // _VT


def _d_body(h1_ref, ctx_ref, xemb_ref, wfc1_ref, bfc1_ref,
            wfc2_ref, bfc2_ref, wgen_ref, bgen_ref,
            logits_ref, m_ref, l_ref, gen_ref,
            ni_scr, m_scr, l_scr):
    j = pl.program_id(0)

    @pl.when(j == 0)
    def _():
        cat = jnp.concatenate([h1_ref[...], ctx_ref[...]], axis=1)
        ni = jnp.tanh(
            lax.dot_general(cat, wfc1_ref[...], (((1,), (1,)), ((), ())),
                            preferred_element_type=F32)
            + bfc1_ref[...][None, :])
        ni_scr[...] = ni
        gcat = jnp.concatenate([ctx_ref[...], h1_ref[...], xemb_ref[...]],
                               axis=1)
        glog = jnp.sum(gcat * wgen_ref[...], axis=1) + bgen_ref[0]
        gen = jax.nn.sigmoid(glog)
        gen_ref[...] = jnp.broadcast_to(gen[:, None], (B, 128))
        m_scr[...] = jnp.full((B, 128), -jnp.inf, F32)
        l_scr[...] = jnp.zeros((B, 128), F32)

    lt = lax.dot_general(ni_scr[...], wfc2_ref[...], (((1,), (1,)), ((), ())),
                         preferred_element_type=F32) + bfc2_ref[...]
    logits_ref[...] = lt
    tm = jnp.max(lt, axis=1, keepdims=True)
    m_old = m_scr[:, 0:1]
    m_new = jnp.maximum(m_old, tm)
    corr = jnp.exp(m_old - m_new)
    tl = jnp.sum(jnp.exp(lt - m_new), axis=1, keepdims=True)
    l_new = l_scr[:, 0:1] * corr + tl
    m_scr[...] = jnp.broadcast_to(m_new, (B, 128))
    l_scr[...] = jnp.broadcast_to(l_new, (B, 128))

    @pl.when(j == _NV - 1)
    def _():
        m_ref[...] = m_scr[...]
        l_ref[...] = l_scr[...]


def _stage_d(h1, ctx, xemb, W_fc1, b_fc1, W_fc2, b_fc2, W_gen, b_gen):
    full = lambda s: pl.BlockSpec(s, lambda j: tuple(0 for _ in s))
    return pl.pallas_call(
        _d_body,
        grid=(_NV,),
        in_specs=[
            full((B, H2)), full((B, H2)), full((B, EMB)),
            full((4 * H, 4 * H)), full((4 * H,)),
            pl.BlockSpec((_VT, 4 * H), lambda j: (j, 0)),
            pl.BlockSpec((1, _VT), lambda j: (0, j)),
            full((1, 4 * H + EMB)),
            pl.BlockSpec(memory_space=pltpu.SMEM),
        ],
        out_specs=[
            pl.BlockSpec((B, _VT), lambda j: (0, j)),
            pl.BlockSpec((B, 128), lambda j: (0, 0)),
            pl.BlockSpec((B, 128), lambda j: (0, 0)),
            pl.BlockSpec((B, 128), lambda j: (0, 0)),
        ],
        out_shape=[jax.ShapeDtypeStruct((B, V), F32),
                   jax.ShapeDtypeStruct((B, 128), F32),
                   jax.ShapeDtypeStruct((B, 128), F32),
                   jax.ShapeDtypeStruct((B, 128), F32)],
        scratch_shapes=[pltpu.VMEM((B, 4 * H), F32),
                        pltpu.VMEM((B, 128), F32),
                        pltpu.VMEM((B, 128), F32)],
    )(h1, ctx, xemb, W_fc1, b_fc1, W_fc2, b_fc2.reshape(1, V), W_gen, b_gen)


_NB_LOCAL = B // SC_CORES


def _sc_scatter_body(attn_hbm, ids_hbm, zeros_hbm, out_hbm,
                     attn_v, ids_v, acc_sh, *idx_bufs):
    c = lax.axis_index("c")
    s = lax.axis_index("s")
    b = s * SC_CORES + c

    @pl.when(b < B)
    def _():
        pltpu.sync_copy(attn_hbm.at[b], attn_v)
        pltpu.sync_copy(ids_hbm.at[b], ids_v)

        row0 = s * V
        pltpu.sync_copy(zeros_hbm, acc_sh.at[pl.ds(row0, V)])

        for j in range(T // 128):
            for k in range(8):
                o = j * 128 + k * 16
                idx_bufs[j][pl.ds(k * 16, 16)] = ids_v[pl.ds(o, 16)] + row0
        for j in range(T // 128):
            pltpu.sync_copy(attn_v.at[pl.ds(j * 128, 128)],
                            acc_sh.at[idx_bufs[j]], add=True)

        pltpu.sync_copy(acc_sh.at[pl.ds(row0, V)], out_hbm.at[b])


@functools.cache
def _build_copy_scatter():
    mesh = plsc.VectorSubcoreMesh(core_axis_name="c", subcore_axis_name="s",
                                  num_cores=SC_CORES)
    return pl.kernel(
        _sc_scatter_body, mesh=mesh,
        out_type=jax.ShapeDtypeStruct((B, V), F32),
        scratch_types=[pltpu.VMEM((T,), F32),
                       pltpu.VMEM((T,), jnp.int32),
                       pltpu.VMEM_SHARED((_NB_LOCAL * V,), F32)]
                      + [pltpu.VMEM((128,), jnp.int32)
                         for _ in range(T // 128)],
    )


def _copy_scatter(attn2, ids2):
    return _build_copy_scatter()(attn2, ids2, jnp.zeros((V,), F32))


_VTE = 6400


def _e_body(logits_ref, copy_ref, m_ref, l_ref, gen_ref, out_ref):
    mcol = m_ref[:, 0:1]
    scale = (1.0 / l_ref[:, 0:1]) * gen_ref[:, 0:1]
    out_ref[...] = (jnp.exp(logits_ref[...] - mcol) * scale
                    + copy_ref[...] * (1.0 - gen_ref[:, 0:1]))


def _stage_e(logits, copy, m, l, gen):
    full = lambda s: pl.BlockSpec(s, lambda j: tuple(0 for _ in s))
    return pl.pallas_call(
        _e_body,
        grid=(V // _VTE,),
        in_specs=[
            pl.BlockSpec((B, _VTE), lambda j: (0, j)),
            pl.BlockSpec((B, _VTE), lambda j: (0, j)),
            full((B, 128)), full((B, 128)), full((B, 128)),
        ],
        out_specs=pl.BlockSpec((B, _VTE), lambda j: (0, j)),
        out_shape=jax.ShapeDtypeStruct((B, V), F32),
    )(logits, copy, m, l, gen)


def kernel(input_ids, pre_hidden, Encoder_outputs, sourceInput, CoverageVector,
           emb_table, W_ih0, b_ih0, W_hh0, b_hh0, W_ih1, b_ih1, W_hh1, b_hh1,
           W_cov, b_cov, W_align, b_align, W_fc1, b_fc1, W_fc2, b_fc2,
           W_gen, b_gen):
    xemb, hh = _stage_ab(input_ids.astype(jnp.int32), emb_table, pre_hidden,
                         W_ih0, b_ih0, W_hh0, b_hh0,
                         W_ih1, b_ih1, W_hh1, b_hh1)
    h1 = hh[1]
    attn2d, covnew2d, ctx3, loss11 = _stage_c(
        Encoder_outputs, CoverageVector, h1, W_align, b_align, W_cov, b_cov)
    attn3 = attn2d.reshape(B, 1, T)
    covnew = covnew2d.reshape(B, 1, T)
    ctx = ctx3[:, 0, :]
    copy = _copy_scatter(attn3.reshape(B, T),
                         sourceInput.astype(jnp.int32))
    logits, m, l, gen = _stage_d(
        h1, ctx, xemb, W_fc1, b_fc1, W_fc2, b_fc2, W_gen, b_gen)
    output = _stage_e(logits, copy, m, l, gen)
    return (output, hh, attn3, copy, covnew, loss11[0, 0])

# --- scband reference (transcript-rebuilt; emitter-appended) ---
"""Pipeline reference for scband-attention-copy-coverage-decoder-35373350650621 (READ-ONLY COPY).

The authoritative reference and input builder live on the scoring server;
editing this copy changes nothing except your own understanding.
"""

import jax, jax.numpy as jnp
import numpy as np

B, T, EMB, H, V = 16, 2048, 128, 256, 32000
H2 = H * 2

def setup_inputs(seed: int = 0) -> dict:
    key = jax.random.key(seed)
    ks = jax.random.split(key, 24)
    s = 0.02
    d = {}
    d["input_ids"] = jax.random.randint(ks[0], (B, 1), 0, V)
    d["pre_hidden"] = jax.random.normal(ks[1], (2, B, H2), jnp.float32)
    d["Encoder_outputs"] = jax.random.normal(ks[2], (B, T, H2), jnp.float32)
    d["sourceInput"] = jax.random.randint(ks[3], (B, T), 0, V)
    d["CoverageVector"] = jnp.zeros((B, 1, T), jnp.float32)
    d["emb_table"] = jax.random.normal(ks[4], (V, EMB), jnp.float32) * s
    d["W_ih0"] = jax.random.normal(ks[5], (3 * H2, EMB), jnp.float32) * s
    d["b_ih0"] = jnp.zeros((3 * H2,), jnp.float32)
    d["W_hh0"] = jax.random.normal(ks[6], (3 * H2, H2), jnp.float32) * s
    d["b_hh0"] = jnp.zeros((3 * H2,), jnp.float32)
    d["W_ih1"] = jax.random.normal(ks[7], (3 * H2, H2), jnp.float32) * s
    d["b_ih1"] = jnp.zeros((3 * H2,), jnp.float32)
    d["W_hh1"] = jax.random.normal(ks[8], (3 * H2, H2), jnp.float32) * s
    d["b_hh1"] = jnp.zeros((3 * H2,), jnp.float32)
    d["W_cov"] = jax.random.normal(ks[9], (H2, 1), jnp.float32) * s
    d["b_cov"] = jnp.zeros((H2,), jnp.float32)
    d["W_align"] = jax.random.normal(ks[10], (1, 3 * H2), jnp.float32) * s
    d["b_align"] = jnp.zeros((1,), jnp.float32)
    d["W_fc1"] = jax.random.normal(ks[11], (4 * H, 4 * H), jnp.float32) * s
    d["b_fc1"] = jnp.zeros((4 * H,), jnp.float32)
    d["W_fc2"] = jax.random.normal(ks[12], (V, 4 * H), jnp.float32) * s
    d["b_fc2"] = jnp.zeros((V,), jnp.float32)
    d["W_gen"] = jax.random.normal(ks[13], (1, 4 * H + EMB), jnp.float32) * s
    d["b_gen"] = jnp.zeros((1,), jnp.float32)
    return d

def _gru_cell(x, h, W_ih, b_ih, W_hh, b_hh):
    gi = x @ W_ih.T + b_ih
    gh = h @ W_hh.T + b_hh
    i_r, i_z, i_n = jnp.split(gi, 3, axis=-1)
    h_r, h_z, h_n = jnp.split(gh, 3, axis=-1)
    r = jax.nn.sigmoid(i_r + h_r)
    z = jax.nn.sigmoid(i_z + h_z)
    n = jnp.tanh(i_n + r * h_n)
    return (1.0 - z) * n + z * h

def reference(input_ids, pre_hidden, Encoder_outputs, sourceInput, CoverageVector, emb_table,
              W_ih0, b_ih0, W_hh0, b_hh0, W_ih1, b_ih1, W_hh1, b_hh1,
              W_cov, b_cov, W_align, b_align, W_fc1, b_fc1, W_fc2, b_fc2, W_gen, b_gen):
    Bsz, Tlen, H2d = Encoder_outputs.shape
    V_ = W_fc2.shape[0]
    embeddings = emb_table[input_ids[:, 0]][:, None, :]  # [B,1,EMB]; dropout = identity (eval)
    x = embeddings[:, 0, :]
    h0 = _gru_cell(x, pre_hidden[0], W_ih0, b_ih0, W_hh0, b_hh0)
    h1 = _gru_cell(h0, pre_hidden[1], W_ih1, b_ih1, W_hh1, b_hh1)
    current_hidden = jnp.stack([h0, h1], axis=0)
    last = h1.reshape(Bsz, 1, H2d)
    multi = jnp.broadcast_to(last, (Bsz, Tlen, H2d))
    temp_cov = jnp.transpose(CoverageVector, (0, 2, 1)) @ W_cov.T + b_cov  # [B,T,H2]
    combine = jnp.concatenate([Encoder_outputs, multi, temp_cov], axis=2)
    aw = jnp.tanh(combine @ W_align.T + b_align)  # [B,T,1]
    aw = jax.nn.softmax(aw, axis=1)
    attention_weights = jnp.transpose(aw, (0, 2, 1))  # [B,1,T]
    cv = jnp.transpose(CoverageVector, (0, 2, 1))
    ac = jnp.concatenate([aw, cv], axis=2)
    CoverageLoss = jnp.sum(jax.lax.stop_gradient(jnp.min(ac, axis=2)))
    CoverageVector_new = CoverageVector + attention_weights
    context = attention_weights @ Encoder_outputs  # [B,1,H2]
    ni = jnp.concatenate([last, context], axis=2)  # [B,1,4H]
    ni = jnp.tanh(ni @ W_fc1.T + b_fc1)
    ni = (ni @ W_fc2.T + b_fc2)[:, 0, :]  # [B,V]
    Pvocab = jax.nn.softmax(ni, axis=1)
    # copy distribution: scatter-add of attention mass into source token ids (segment reduce)
    attn_flat = attention_weights[:, 0, :]  # [B,T]
    flat_idx = (sourceInput + V_ * jnp.arange(Bsz, dtype=sourceInput.dtype)[:, None]).reshape(-1)
    copy = jnp.zeros((Bsz * V_,), jnp.float32).at[flat_idx].add(attn_flat.reshape(-1)).reshape(Bsz, V_)
    gen_input = jnp.concatenate([context, last, embeddings], axis=2)  # [B,1,4H+EMB]
    gen = jax.nn.sigmoid((gen_input @ W_gen.T + b_gen)[:, 0, :])  # [B,1]
    output = Pvocab * gen + copy * (1.0 - gen)
    return (output, current_hidden, attention_weights, copy, CoverageVector_new, CoverageLoss)

if __name__ == "__main__":
    import jax
    _d = setup_inputs()
    print(jax.jit(kernel)(*tuple(_d.values())))

</pallas_src>

<mosaic_0001>
#map = affine_map<(d0, d1) -> (0, 0)>
#map1 = affine_map<(d0, d1) -> (0)>
module attributes {stable_mosaic.version = 14 : i64} {
  func.func @_sc_scatter_body(%arg0: i32, %arg1: i32, %arg2: memref<16x2048xf32, #tpu.memory_space<hbm>>, %arg3: memref<16x2048xi32, #tpu.memory_space<hbm>>, %arg4: memref<32000xf32, #tpu.memory_space<hbm>>, %arg5: memref<16x32000xf32, #tpu.memory_space<hbm>>, %arg6: memref<2048xf32, #tpu.memory_space<vmem>>, %arg7: memref<2048xi32, #tpu.memory_space<vmem>>, %arg8: memref<256000xf32, #tpu.memory_space<vmem_shared>>, %arg9: memref<128xi32, #tpu.memory_space<vmem>>, %arg10: memref<128xi32, #tpu.memory_space<vmem>>, %arg11: memref<128xi32, #tpu.memory_space<vmem>>, %arg12: memref<128xi32, #tpu.memory_space<vmem>>, %arg13: memref<128xi32, #tpu.memory_space<vmem>>, %arg14: memref<128xi32, #tpu.memory_space<vmem>>, %arg15: memref<128xi32, #tpu.memory_space<vmem>>, %arg16: memref<128xi32, #tpu.memory_space<vmem>>, %arg17: memref<128xi32, #tpu.memory_space<vmem>>, %arg18: memref<128xi32, #tpu.memory_space<vmem>>, %arg19: memref<128xi32, #tpu.memory_space<vmem>>, %arg20: memref<128xi32, #tpu.memory_space<vmem>>, %arg21: memref<128xi32, #tpu.memory_space<vmem>>, %arg22: memref<128xi32, #tpu.memory_space<vmem>>, %arg23: memref<128xi32, #tpu.memory_space<vmem>>, %arg24: memref<128xi32, #tpu.memory_space<vmem>>) attributes {dimension_semantics = [#tpu.dimension_semantics<core_parallel>, #tpu.dimension_semantics<subcore_parallel>], iteration_bounds = array<i64: 2, 16>, scalar_prefetch = 0 : i64, scratch_operands = 19 : i64, tpu.core_type = #tpu.core_type<sc_vector_subcore>, window_params = [{transform_indices = #map}, {transform_indices = #map}, {transform_indices = #map1}, {transform_indices = #map}]} {
    %mul3A = arith.constant 2 : i32
    %mul3A_0 = arith.muli %arg1, %mul3A : i32
    %add3A = arith.addi %mul3A_0, %arg0 : i32
    %lt3A = arith.constant 16 : i32
    %lt3A_1 = arith.cmpi slt, %add3A, %lt3A : i32
    %convert_element_type3A = arith.extui %lt3A_1 : i1 to i32
    %cond3A = arith.constant 0 : i32
    %cond3A_2 = arith.cmpi ne, %convert_element_type3A, %cond3A : i32
    scf.if %cond3A_2 {
      "tpu.region"() ({
        %run_scoped3A = tpu.sem_alloc : memref<!tpu.dma_semaphore, #tpu.memory_space<semaphore_mem>>
        %dma_start3A = arith.constant 0 : i32
        %dma_start3A_1155 = tpu.memref_slice %arg2[%add3A, %dma_start3A] : memref<16x2048xf32, #tpu.memory_space<hbm>> -> memref<1x2048xf32, #tpu.memory_space<hbm>>
        %dma_start3A_1156 = tpu.memref_squeeze %dma_start3A_1155 : memref<1x2048xf32, #tpu.memory_space<hbm>> -> memref<2048xf32, #tpu.memory_space<hbm>>
        %dma_start3A_1157 = arith.constant 0 : i32
        %dma_start3A_1158 = tpu.memref_slice %arg2[%add3A, %dma_start3A_1157] : memref<16x2048xf32, #tpu.memory_space<hbm>> -> memref<1x2048xf32, #tpu.memory_space<hbm>>
        %dma_start3A_1159 = tpu.memref_squeeze %dma_start3A_1158 : memref<1x2048xf32, #tpu.memory_space<hbm>> -> memref<2048xf32, #tpu.memory_space<hbm>>
        tpu.enqueue_dma source(%dma_start3A_1159 : memref<2048xf32, #tpu.memory_space<hbm>>) target(%arg6 : memref<2048xf32, #tpu.memory_space<vmem>>) target_semaphore(%run_scoped3A : memref<!tpu.dma_semaphore, #tpu.memory_space<semaphore_mem>>)
        %dma_wait3A = arith.constant 0 : i32
        %dma_wait3A_1160 = tpu.memref_slice %arg2[%add3A, %dma_wait3A] : memref<16x2048xf32, #tpu.memory_space<hbm>> -> memref<1x2048xf32, #tpu.memory_space<hbm>>
        %dma_wait3A_1161 = tpu.memref_squeeze %dma_wait3A_1160 : memref<1x2048xf32, #tpu.memory_space<hbm>> -> memref<2048xf32, #tpu.memory_space<hbm>>
        %dma_wait3A_1162 = arith.constant 0 : i32
        %dma_wait3A_1163 = tpu.memref_slice %arg2[%add3A, %dma_wait3A_1162] : memref<16x2048xf32, #tpu.memory_space<hbm>> -> memref<1x2048xf32, #tpu.memory_space<hbm>>
        %dma_wait3A_1164 = tpu.memref_squeeze %dma_wait3A_1163 : memref<1x2048xf32, #tpu.memory_space<hbm>> -> memref<2048xf32, #tpu.memory_space<hbm>>
        tpu.wait_dma2 semaphore(%run_scoped3A : memref<!tpu.dma_semaphore, #tpu.memory_space<semaphore_mem>>) src(%dma_wait3A_1164 : memref<2048xf32, #tpu.memory_space<hbm>>) dst(%arg6 : memref<2048xf32, #tpu.memory_space<vmem>>)
        tpu.yield
      }) : () -> ()
      "tpu.region"() ({
        %run_scoped3A = tpu.sem_alloc : memref<!tpu.dma_semaphore, #tpu.memory_space<semaphore_mem>>
        %dma_start3A = arith.constant 0 : i32
        %dma_start3A_1155 = tpu.memref_slice %arg3[%add3A, %dma_start3A] : memref<16x2048xi32, #tpu.memory_space<hbm>> -> memref<1x2048xi32, #tpu.memory_space<hbm>>
        %dma_start3A_1156 = tpu.memref_squeeze %dma_start3A_1155 : memref<1x2048xi32, #tpu.memory_space<hbm>> -> memref<2048xi32, #tpu.memory_space<hbm>>
        %dma_start3A_1157 = arith.constant 0 : i32
        %dma_start3A_1158 = tpu.memref_slice %arg3[%add3A, %dma_start3A_1157] : memref<16x2048xi32, #tpu.memory_space<hbm>> -> memref<1x2048xi32, #tpu.memory_space<hbm>>
        %dma_start3A_1159 = tpu.memref_squeeze %dma_start3A_1158 : memref<1x2048xi32, #tpu.memory_space<hbm>> -> memref<2048xi32, #tpu.memory_space<hbm>>
        tpu.enqueue_dma source(%dma_start3A_1159 : memref<2048xi32, #tpu.memory_space<hbm>>) target(%arg7 : memref<2048xi32, #tpu.memory_space<vmem>>) target_semaphore(%run_scoped3A : memref<!tpu.dma_semaphore, #tpu.memory_space<semaphore_mem>>)
        %dma_wait3A = arith.constant 0 : i32
        %dma_wait3A_1160 = tpu.memref_slice %arg3[%add3A, %dma_wait3A] : memref<16x2048xi32, #tpu.memory_space<hbm>> -> memref<1x2048xi32, #tpu.memory_space<hbm>>
        %dma_wait3A_1161 = tpu.memref_squeeze %dma_wait3A_1160 : memref<1x2048xi32, #tpu.memory_space<hbm>> -> memref<2048xi32, #tpu.memory_space<hbm>>
        %dma_wait3A_1162 = arith.constant 0 : i32
        %dma_wait3A_1163 = tpu.memref_slice %arg3[%add3A, %dma_wait3A_1162] : memref<16x2048xi32, #tpu.memory_space<hbm>> -> memref<1x2048xi32, #tpu.memory_space<hbm>>
        %dma_wait3A_1164 = tpu.memref_squeeze %dma_wait3A_1163 : memref<1x2048xi32, #tpu.memory_space<hbm>> -> memref<2048xi32, #tpu.memory_space<hbm>>
        tpu.wait_dma2 semaphore(%run_scoped3A : memref<!tpu.dma_semaphore, #tpu.memory_space<semaphore_mem>>) src(%dma_wait3A_1164 : memref<2048xi32, #tpu.memory_space<hbm>>) dst(%arg7 : memref<2048xi32, #tpu.memory_space<vmem>>)
        tpu.yield
      }) : () -> ()
      %mul3A_3 = arith.constant 32000 : i32
      %mul3A_4 = arith.muli %arg1, %mul3A_3 : i32
      "tpu.region"() ({
        %run_scoped3A = tpu.sem_alloc : memref<!tpu.dma_semaphore, #tpu.memory_space<semaphore_mem>>
        %dma_start3A = tpu.memref_slice %arg8[%mul3A_4] : memref<256000xf32, #tpu.memory_space<vmem_shared>> -> memref<32000xf32, #tpu.memory_space<vmem_shared>>
        tpu.enqueue_dma source(%arg4 : memref<32000xf32, #tpu.memory_space<hbm>>) target(%dma_start3A : memref<32000xf32, #tpu.memory_space<vmem_shared>>) target_semaphore(%run_scoped3A : memref<!tpu.dma_semaphore, #tpu.memory_space<semaphore_mem>>)
        %dma_wait3A = tpu.memref_slice %arg8[%mul3A_4] : memref<256000xf32, #tpu.memory_space<vmem_shared>> -> memref<32000xf32, #tpu.memory_space<vmem_shared>>
        tpu.wait_dma2 semaphore(%run_scoped3A : memref<!tpu.dma_semaphore, #tpu.memory_space<semaphore_mem>>) src(%arg4 : memref<32000xf32, #tpu.memory_space<hbm>>) dst(%dma_wait3A : memref<32000xf32, #tpu.memory_space<vmem_shared>>)
        tpu.yield
      }) : () -> ()
      %get3A = arith.constant 0 : index
      %get3A_5 = tpu.vector_load %arg7[%get3A] {strides = array<i32>} : memref<2048xi32, #tpu.memory_space<vmem>>, vector<16xi32>,
      %get3A_6 = vector.shape_cast %get3A_5 : vector<16xi32> to vector<16xi32>
      %add3A_7 = vector.broadcast %mul3A_4 : i32 to vector<16xi32>
      %add3A_8 = arith.addi %get3A_6, %add3A_7 : vector<16xi32>
      %swap3A = arith.constant 0 : index
      %swap3A_9 = tpu.vector_load %arg9[%swap3A] {strides = array<i32>} : memref<128xi32, #tpu.memory_space<vmem>>, vector<16xi32>,
      %swap3A_10 = vector.shape_cast %swap3A_9 : vector<16xi32> to vector<16xi32>
      %swap3A_11 = vector.shape_cast %add3A_8 : vector<16xi32> to vector<16xi32>
      tpu.vector_store %arg9[%swap3A], %swap3A_11 {strides = array<i32>} : memref<128xi32, #tpu.memory_space<vmem>>, vector<16xi32>,
      %get3A_12 = arith.constant 16 : index
      %get3A_13 = tpu.vector_load %arg7[%get3A_12] {strides = array<i32>} : memref<2048xi32, #tpu.memory_space<vmem>>, vector<16xi32>,
      %get3A_14 = vector.shape_cast %get3A_13 : vector<16xi32> to vector<16xi32>
      %add3A_15 = vector.broadcast %mul3A_4 : i32 to vector<16xi32>
      %add3A_16 = arith.addi %get3A_14, %add3A_15 : vector<16xi32>
      %swap3A_17 = arith.constant 16 : index
      %swap3A_18 = tpu.vector_load %arg9[%swap3A_17] {strides = array<i32>} : memref<128xi32, #tpu.memory_space<vmem>>, vector<16xi32>,
      %swap3A_19 = vector.shape_cast %swap3A_18 : vector<16xi32> to vector<16xi32>
      %swap3A_20 = vector.shape_cast %add3A_16 : vector<16xi32> to vector<16xi32>
      tpu.vector_store %arg9[%swap3A_17], %swap3A_20 {strides = array<i32>} : memref<128xi32, #tpu.memory_space<vmem>>, vector<16xi32>,
      %get3A_21 = arith.constant 32 : index
      %get3A_22 = tpu.vector_load %arg7[%get3A_21] {strides = array<i32>} : memref<2048xi32, #tpu.memory_space<vmem>>, vector<16xi32>,
      %get3A_23 = vector.shape_cast %get3A_22 : vector<16xi32> to vector<16xi32>
      %add3A_24 = vector.broadcast %mul3A_4 : i32 to vector<16xi32>
      %add3A_25 = arith.addi %get3A_23, %add3A_24 : vector<16xi32>
      %swap3A_26 = arith.constant 32 : index
      %swap3A_27 = tpu.vector_load %arg9[%swap3A_26] {strides = array<i32>} : memref<128xi32, #tpu.memory_space<vmem>>, vector<16xi32>,
      %swap3A_28 = vector.shape_cast %swap3A_27 : vector<16xi32> to vector<16xi32>
      %swap3A_29 = vector.shape_cast %add3A_25 : vector<16xi32> to vector<16xi32>
      tpu.vector_store %arg9[%swap3A_26], %swap3A_29 {strides = array<i32>} : memref<128xi32, #tpu.memory_space<vmem>>, vector<16xi32>,
      %get3A_30 = arith.constant 48 : index
      %get3A_31 = tpu.vector_load %arg7[%get3A_30] {strides = array<i32>} : memref<2048xi32, #tpu.memory_space<vmem>>, vector<16xi32>,
      %get3A_32 = vector.shape_cast %get3A_31 : vector<16xi32> to vector<16xi32>
      %add3A_33 = vector.broadcast %mul3A_4 : i32 to vector<16xi32>
      %add3A_34 = arith.addi %get3A_32, %add3A_33 : vector<16xi32>
      %swap3A_35 = arith.constant 48 : index
      %swap3A_36 = tpu.vector_load %arg9[%swap3A_35] {strides = array<i32>} : memref<128xi32, #tpu.memory_space<vmem>>, vector<16xi32>,
      %swap3A_37 = vector.shape_cast %swap3A_36 : vector<16xi32> to vector<16xi32>
      %swap3A_38 = vector.shape_cast %add3A_34 : vector<16xi32> to vector<16xi32>
      tpu.vector_store %arg9[%swap3A_35], %swap3A_38 {strides = array<i32>} : memref<128xi32, #tpu.memory_space<vmem>>, vector<16xi32>,
      %get3A_39 = arith.constant 64 : index
      %get3A_40 = tpu.vector_load %arg7[%get3A_39] {strides = array<i32>} : memref<2048xi32, #tpu.memory_space<vmem>>, vector<16xi32>,
      %get3A_41 = vector.shape_cast %get3A_40 : vector<16xi32> to vector<16xi32>
      %add3A_42 = vector.broadcast %mul3A_4 : i32 to vector<16xi32>
      %add3A_43 = arith.addi %get3A_41, %add3A_42 : vector<16xi32>
      %swap3A_44 = arith.constant 64 : index
      %swap3A_45 = tpu.vector_load %arg9[%swap3A_44] {strides = array<i32>} : memref<128xi32, #tpu.memory_space<vmem>>, vector<16xi32>,
      %swap3A_46 = vector.shape_cast %swap3A_45 : vector<16xi32> to vector<16xi32>
      %swap3A_47 = vector.shape_cast %add3A_43 : vector<16xi32> to vector<16xi32>
      tpu.vector_store %arg9[%swap3A_44], %swap3A_47 {strides = array<i32>} : memref<128xi32, #tpu.memory_space<vmem>>, vector<16xi32>,
      %get3A_48 = arith.constant 80 : index
      %get3A_49 = tpu.vector_load %arg7[%get3A_48] {strides = array<i32>} : memref<2048xi32, #tpu.memory_space<vmem>>, vector<16xi32>,
      %get3A_50 = vector.shape_cast %get3A_49 : vector<16xi32> to vector<16xi32>
      %add3A_51 = vector.broadcast %mul3A_4 : i32 to vector<16xi32>
      %add3A_52 = arith.addi %get3A_50, %add3A_51 : vector<16xi32>
      %swap3A_53 = arith.constant 80 : index
      %swap3A_54 = tpu.vector_load %arg9[%swap3A_53] {strides = array<i32>} : memref<128xi32, #tpu.memory_space<vmem>>, vector<16xi32>,
      %swap3A_55 = vector.shape_cast %swap3A_54 : vector<16xi32> to vector<16xi32>
      %swap3A_56 = vector.shape_cast %add3A_52 : vector<16xi32> to vector<16xi32>
      tpu.vector_store %arg9[%swap3A_53], %swap3A_56 {strides = array<i32>} : memref<128xi32, #tpu.memory_space<vmem>>, vector<16xi32>,
      %get3A_57 = arith.constant 96 : index
      %get3A_58 = tpu.vector_load %arg7[%get3A_57] {strides = array<i32>} : memref<2048xi32, #tpu.memory_space<vmem>>, vector<16xi32>,
      %get3A_59 = vector.shape_cast %get3A_58 : vector<16xi32> to vector<16xi32>
      %add3A_60 = vector.broadcast %mul3A_4 : i32 to vector<16xi32>
      %add3A_61 = arith.addi %get3A_59, %add3A_60 : vector<16xi32>
      %swap3A_62 = arith.constant 96 : index
      %swap3A_63 = tpu.vector_load %arg9[%swap3A_62] {strides = array<i32>} : memref<128xi32, #tpu.memory_space<vmem>>, vector<16xi32>,
      %swap3A_64 = vector.shape_cast %swap3A_63 : vector<16xi32> to vector<16xi32>
      %swap3A_65 = vector.shape_cast %add3A_61 : vector<16xi32> to vector<16xi32>
      tpu.vector_store %arg9[%swap3A_62], %swap3A_65 {strides = array<i32>} : memref<128xi32, #tpu.memory_space<vmem>>, vector<16xi32>,
      %get3A_66 = arith.constant 112 : index
      %get3A_67 = tpu.vector_load %arg7[%get3A_66] {strides = array<i32>} : memref<2048xi32, #tpu.memory_space<vmem>>, vector<16xi32>,
      %get3A_68 = vector.shape_cast %get3A_67 : vector<16xi32> to vector<16xi32>
      %add3A_69 = vector.broadcast %mul3A_4 : i32 to vector<16xi32>
      %add3A_70 = arith.addi %get3A_68, %add3A_69 : vector<16xi32>
      %swap3A_71 = arith.constant 112 : index
      %swap3A_72 = tpu.vector_load %arg9[%swap3A_71] {strides = array<i32>} : memref<128xi32, #tpu.memory_space<vmem>>, vector<16xi32>,
      %swap3A_73 = vector.shape_cast %swap3A_72 : vector<16xi32> to vector<16xi32>
      %swap3A_74 = vector.shape_cast %add3A_70 : vector<16xi32> to vector<16xi32>
      tpu.vector_store %arg9[%swap3A_71], %swap3A_74 {strides = array<i32>} : memref<128xi32, #tpu.memory_space<vmem>>, vector<16xi32>,
      %get3A_75 = arith.constant 128 : index
      %get3A_76 = tpu.vector_load %arg7[%get3A_75] {strides = array<i32>} : memref<2048xi32, #tpu.memory_space<vmem>>, vector<16xi32>,
      %get3A_77 = vector.shape_cast %get3A_76 : vector<16xi32> to vector<16xi32>
      %add3A_78 = vector.broadcast %mul3A_4 : i32 to vector<16xi32>
      %add3A_79 = arith.addi %get3A_77, %add3A_78 : vector<16xi32>
      %swap3A_80 = arith.constant 0 : index
      %swap3A_81 = tpu.vector_load %arg10[%swap3A_80] {strides = array<i32>} : memref<128xi32, #tpu.memory_space<vmem>>, vector<16xi32>,
      %swap3A_82 = vector.shape_cast %swap3A_81 : vector<16xi32> to vector<16xi32>
      %swap3A_83 = vector.shape_cast %add3A_79 : vector<16xi32> to vector<16xi32>
      tpu.vector_store %arg10[%swap3A_80], %swap3A_83 {strides = array<i32>} : memref<128xi32, #tpu.memory_space<vmem>>, vector<16xi32>,
      %get3A_84 = arith.constant 144 : index
      %get3A_85 = tpu.vector_load %arg7[%get3A_84] {strides = array<i32>} : memref<2048xi32, #tpu.memory_space<vmem>>, vector<16xi32>,
      %get3A_86 = vector.shape_cast %get3A_85 : vector<16xi32> to vector<16xi32>
      %add3A_87 = vector.broadcast %mul3A_4 : i32 to vector<16xi32>
      %add3A_88 = arith.addi %get3A_86, %add3A_87 : vector<16xi32>
      %swap3A_89 = arith.constant 16 : index
      %swap3A_90 = tpu.vector_load %arg10[%swap3A_89] {strides = array<i32>} : memref<128xi32, #tpu.memory_space<vmem>>, vector<16xi32>,
      %swap3A_91 = vector.shape_cast %swap3A_90 : vector<16xi32> to vector<16xi32>
      %swap3A_92 = vector.shape_cast %add3A_88 : vector<16xi32> to vector<16xi32>
      tpu.vector_store %arg10[%swap3A_89], %swap3A_92 {strides = array<i32>} : memref<128xi32, #tpu.memory_space<vmem>>, vector<16xi32>,
      %get3A_93 = arith.constant 160 : index
      %get3A_94 = tpu.vector_load %arg7[%get3A_93] {strides = array<i32>} : memref<2048xi32, #tpu.memory_space<vmem>>, vector<16xi32>,
      %get3A_95 = vector.shape_cast %get3A_94 : vector<16xi32> to vector<16xi32>
      %add3A_96 = vector.broadcast %mul3A_4 : i32 to vector<16xi32>
      %add3A_97 = arith.addi %get3A_95, %add3A_96 : vector<16xi32>
      %swap3A_98 = arith.constant 32 : index
      %swap3A_99 = tpu.vector_load %arg10[%swap3A_98] {strides = array<i32>} : memref<128xi32, #tpu.memory_space<vmem>>, vector<16xi32>,
      %swap3A_100 = vector.shape_cast %swap3A_99 : vector<16xi32> to vector<16xi32>
      %swap3A_101 = vector.shape_cast %add3A_97 : vector<16xi32> to vector<16xi32>
      tpu.vector_store %arg10[%swap3A_98], %swap3A_101 {strides = array<i32>} : memref<128xi32, #tpu.memory_space<vmem>>, vector<16xi32>,
      %get3A_102 = arith.constant 176 : index
      %get3A_103 = tpu.vector_load %arg7[%get3A_102] {strides = array<i32>} : memref<2048xi32, #tpu.memory_space<vmem>>, vector<16xi32>,
      %get3A_104 = vector.shape_cast %get3A_103 : vector<16xi32> to vector<16xi32>
      %add3A_105 = vector.broadcast %mul3A_4 : i32 to vector<16xi32>
      %add3A_106 = arith.addi %get3A_104, %add3A_105 : vector<16xi32>
      %swap3A_107 = arith.constant 48 : index
      %swap3A_108 = tpu.vector_load %arg10[%swap3A_107] {strides = array<i32>} : memref<128xi32, #tpu.memory_space<vmem>>, vector<16xi32>,
      %swap3A_109 = vector.shape_cast %swap3A_108 : vector<16xi32> to vector<16xi32>
      %swap3A_110 = vector.shape_cast %add3A_106 : vector<16xi32> to vector<16xi32>
      tpu.vector_store %arg10[%swap3A_107], %swap3A_110 {strides = array<i32>} : memref<128xi32, #tpu.memory_space<vmem>>, vector<16xi32>,
      %get3A_111 = arith.constant 192 : index
      %get3A_112 = tpu.vector_load %arg7[%get3A_111] {strides = array<i32>} : memref<2048xi32, #tpu.memory_space<vmem>>, vector<16xi32>,
      %get3A_113 = vector.shape_cast %get3A_112 : vector<16xi32> to vector<16xi32>
      %add3A_114 = vector.broadcast %mul3A_4 : i32 to vector<16xi32>
      %add3A_115 = arith.addi %get3A_113, %add3A_114 : vector<16xi32>
      %swap3A_116 = arith.constant 64 : index
      %swap3A_117 = tpu.vector_load %arg10[%swap3A_116] {strides = array<i32>} : memref<128xi32, #tpu.memory_space<vmem>>, vector<16xi32>,
      %swap3A_118 = vector.shape_cast %swap3A_117 : vector<16xi32> to vector<16xi32>
      %swap3A_119 = vector.shape_cast %add3A_115 : vector<16xi32> to vector<16xi32>
      tpu.vector_store %arg10[%swap3A_116], %swap3A_119 {strides = array<i32>} : memref<128xi32, #tpu.memory_space<vmem>>, vector<16xi32>,
      %get3A_120 = arith.constant 208 : index
      %get3A_121 = tpu.vector_load %arg7[%get3A_120] {strides = array<i32>} : memref<2048xi32, #tpu.memory_space<vmem>>, vector<16xi32>,
      %get3A_122 = vector.shape_cast %get3A_121 : vector<16xi32> to vector<16xi32>
      %add3A_123 = vector.broadcast %mul3A_4 : i32 to vector<16xi32>
      %add3A_124 = arith.addi %get3A_122, %add3A_123 : vector<16xi32>
      %swap3A_125 = arith.constant 80 : index
      %swap3A_126 = tpu.vector_load %arg10[%swap3A_125] {strides = array<i32>} : memref<128xi32, #tpu.memory_space<vmem>>, vector<16xi32>,
      %swap3A_127 = vector.shape_cast %swap3A_126 : vector<16xi32> to vector<16xi32>
      %swap3A_128 = vector.shape_cast %add3A_124 : vector<16xi32> to vector<16xi32>
      tpu.vector_store %arg10[%swap3A_125], %swap3A_128 {strides = array<i32>} : memref<128xi32, #tpu.memory_space<vmem>>, vector<16xi32>,
      %get3A_129 = arith.constant 224 : index
      %get3A_130 = tpu.vector_load %arg7[%get3A_129] {strides = array<i32>} : memref<2048xi32, #tpu.memory_space<vmem>>, vector<16xi32>,
      %get3A_131 = vector.shape_cast %get3A_130 : vector<16xi32> to vector<16xi32>
      %add3A_132 = vector.broadcast %mul3A_4 : i32 to vector<16xi32>
      %add3A_133 = arith.addi %get3A_131, %add3A_132 : vector<16xi32>
      %swap3A_134 = arith.constant 96 : index
      %swap3A_135 = tpu.vector_load %arg10[%swap3A_134] {strides = array<i32>} : memref<128xi32, #tpu.memory_space<vmem>>, vector<16xi32>,
      %swap3A_136 = vector.shape_cast %swap3A_135 : vector<16xi32> to vector<16xi32>
      %swap3A_137 = vector.shape_cast %add3A_133 : vector<16xi32> to vector<16xi32>
      tpu.vector_store %arg10[%swap3A_134], %swap3A_137 {strides = array<i32>} : memref<128xi32, #tpu.memory_space<vmem>>, vector<16xi32>,
      %get3A_138 = arith.constant 240 : index
      %get3A_139 = tpu.vector_load %arg7[%get3A_138] {strides = array<i32>} : memref<2048xi32, #tpu.memory_space<vmem>>, vector<16xi32>,
      %get3A_140 = vector.shape_cast %get3A_139 : vector<16xi32> to vector<16xi32>
      %add3A_141 = vector.broadcast %mul3A_4 : i32 to vector<16xi32>
      %add3A_142 = arith.addi %get3A_140, %add3A_141 : vector<16xi32>
      %swap3A_143 = arith.constant 112 : index
      %swap3A_144 = tpu.vector_load %arg10[%swap3A_143] {strides = array<i32>} : memref<128xi32, #tpu.memory_space<vmem>>, vector<16xi32>,
      %swap3A_145 = vector.shape_cast %swap3A_144 : vector<16xi32> to vector<16xi32>
      %swap3A_146 = vector.shape_cast %add3A_142 : vector<16xi32> to vector<16xi32>
      tpu.vector_store %arg10[%swap3A_143], %swap3A_146 {strides = array<i32>} : memref<128xi32, #tpu.memory_space<vmem>>, vector<16xi32>,
      %get3A_147 = arith.constant 256 : index
      %get3A_148 = tpu.vector_load %arg7[%get3A_147] {strides = array<i32>} : memref<2048xi32, #tpu.memory_space<vmem>>, vector<16xi32>,
      %get3A_149 = vector.shape_cast %get3A_148 : vector<16xi32> to vector<16xi32>
      %add3A_150 = vector.broadcast %mul3A_4 : i32 to vector<16xi32>
      %add3A_151 = arith.addi %get3A_149, %add3A_150 : vector<16xi32>
      %swap3A_152 = arith.constant 0 : index
      %swap3A_153 = tpu.vector_load %arg11[%swap3A_152] {strides = array<i32>} : memref<128xi32, #tpu.memory_space<vmem>>, vector<16xi32>,
      %swap3A_154 = vector.shape_cast %swap3A_153 : vector<16xi32> to vector<16xi32>
      %swap3A_155 = vector.shape_cast %add3A_151 : vector<16xi32> to vector<16xi32>
      tpu.vector_store %arg11[%swap3A_152], %swap3A_155 {strides = array<i32>} : memref<128xi32, #tpu.memory_space<vmem>>, vector<16xi32>,
      %get3A_156 = arith.constant 272 : index
      %get3A_157 = tpu.vector_load %arg7[%get3A_156] {strides = array<i32>} : memref<2048xi32, #tpu.memory_space<vmem>>, vector<16xi32>,
      %get3A_158 = vector.shape_cast %get3A_157 : vector<16xi32> to vector<16xi32>
      %add3A_159 = vector.broadcast %mul3A_4 : i32 to vector<16xi32>
      %add3A_160 = arith.addi %get3A_158, %add3A_159 : vector<16xi32>
      %swap3A_161 = arith.constant 16 : index
      %swap3A_162 = tpu.vector_load %arg11[%swap3A_161] {strides = array<i32>} : memref<128xi32, #tpu.memory_space<vmem>>, vector<16xi32>,
      %swap3A_163 = vector.shape_cast %swap3A_162 : vector<16xi32> to vector<16xi32>
      %swap3A_164 = vector.shape_cast %add3A_160 : vector<16xi32> to vector<16xi32>
      tpu.vector_store %arg11[%swap3A_161], %swap3A_164 {strides = array<i32>} : memref<128xi32, #tpu.memory_space<vmem>>, vector<16xi32>,
      %get3A_165 = arith.constant 288 : index
      %get3A_166 = tpu.vector_load %arg7[%get3A_165] {strides = array<i32>} : memref<2048xi32, #tpu.memory_space<vmem>>, vector<16xi32>,
      %get3A_167 = vector.shape_cast %get3A_166 : vector<16xi32> to vector<16xi32>
      %add3A_168 = vector.broadcast %mul3A_4 : i32 to vector<16xi32>
      %add3A_169 = arith.addi %get3A_167, %add3A_168 : vector<16xi32>
      %swap3A_170 = arith.constant 32 : index
      %swap3A_171 = tpu.vector_load %arg11[%swap3A_170] {strides = array<i32>} : memref<128xi32, #tpu.memory_space<vmem>>, vector<16xi32>,
      %swap3A_172 = vector.shape_cast %swap3A_171 : vector<16xi32> to vector<16xi32>
      %swap3A_173 = vector.shape_cast %add3A_169 : vector<16xi32> to vector<16xi32>
      tpu.vector_store %arg11[%swap3A_170], %swap3A_173 {strides = array<i32>} : memref<128xi32, #tpu.memory_space<vmem>>, vector<16xi32>,
      %get3A_174 = arith.constant 304 : index
      %get3A_175 = tpu.vector_load %arg7[%get3A_174] {strides = array<i32>} : memref<2048xi32, #tpu.memory_space<vmem>>, vector<16xi32>,
      %get3A_176 = vector.shape_cast %get3A_175 : vector<16xi32> to vector<16xi32>
      %add3A_177 = vector.broadcast %mul3A_4 : i32 to vector<16xi32>
      %add3A_178 = arith.addi %get3A_176, %add3A_177 : vector<16xi32>
      %swap3A_179 = arith.constant 48 : index
      %swap3A_180 = tpu.vector_load %arg11[%swap3A_179] {strides = array<i32>} : memref<128xi32, #tpu.memory_space<vmem>>, vector<16xi32>,
      %swap3A_181 = vector.shape_cast %swap3A_180 : vector<16xi32> to vector<16xi32>
      %swap3A_182 = vector.shape_cast %add3A_178 : vector<16xi32> to vector<16xi32>
      tpu.vector_store %arg11[%swap3A_179], %swap3A_182 {strides = array<i32>} : memref<128xi32, #tpu.memory_space<vmem>>, vector<16xi32>,
      %get3A_183 = arith.constant 320 : index
      %get3A_184 = tpu.vector_load %arg7[%get3A_183] {strides = array<i32>} : memref<2048xi32, #tpu.memory_space<vmem>>, vector<16xi32>,
      %get3A_185 = vector.shape_cast %get3A_184 : vector<16xi32> to vector<16xi32>
      %add3A_186 = vector.broadcast %mul3A_4 : i32 to vector<16xi32>
      %add3A_187 = arith.addi %get3A_185, %add3A_186 : vector<16xi32>
      %swap3A_188 = arith.constant 64 : index
      %swap3A_189 = tpu.vector_load %arg11[%swap3A_188] {strides = array<i32>} : memref<128xi32, #tpu.memory_space<vmem>>, vector<16xi32>,
      %swap3A_190 = vector.shape_cast %swap3A_189 : vector<16xi32> to vector<16xi32>
      %swap3A_191 = vector.shape_cast %add3A_187 : vector<16xi32> to vector<16xi32>
      tpu.vector_store %arg11[%swap3A_188], %swap3A_191 {strides = array<i32>} : memref<128xi32, #tpu.memory_space<vmem>>, vector<16xi32>,
      %get3A_192 = arith.constant 336 : index
      %get3A_193 = tpu.vector_load %arg7[%get3A_192] {strides = array<i32>} : memref<2048xi32, #tpu.memory_space<vmem>>, vector<16xi32>,
      %get3A_194 = vector.shape_cast %get3A_193 : vector<16xi32> to vector<16xi32>
      %add3A_195 = vector.broadcast %mul3A_4 : i32 to vector<16xi32>
      %add3A_196 = arith.addi %get3A_194, %add3A_195 : vector<16xi32>
      %swap3A_197 = arith.constant 80 : index
      %swap3A_198 = tpu.vector_load %arg11[%swap3A_197] {strides = array<i32>} : memref<128xi32, #tpu.memory_space<vmem>>, vector<16xi32>,
      %swap3A_199 = vector.shape_cast %swap3A_198 : vector<16xi32> to vector<16xi32>
      %swap3A_200 = vector.shape_cast %add3A_196 : vector<16xi32> to vector<16xi32>
      tpu.vector_store %arg11[%swap3A_197], %swap3A_200 {strides = array<i32>} : memref<128xi32, #tpu.memory_space<vmem>>, vector<16xi32>,
      %get3A_201 = arith.constant 352 : index
      %get3A_202 = tpu.vector_load %arg7[%get3A_201] {strides = array<i32>} : memref<2048xi32, #tpu.memory_space<vmem>>, vector<16xi32>,
      %get3A_203 = vector.shape_cast %get3A_202 : vector<16xi32> to vector<16xi32>
      %add3A_204 = vector.broadcast %mul3A_4 : i32 to vector<16xi32>
      %add3A_205 = arith.addi %get3A_203, %add3A_204 : vector<16xi32>
      %swap3A_206 = arith.constant 96 : index
      %swap3A_207 = tpu.vector_load %arg11[%swap3A_206] {strides = array<i32>} : memref<128xi32, #tpu.memory_space<vmem>>, vector<16xi32>,
      %swap3A_208 = vector.shape_cast %swap3A_207 : vector<16xi32> to vector<16xi32>
      %swap3A_209 = vector.shape_cast %add3A_205 : vector<16xi32> to vector<16xi32>
      tpu.vector_store %arg11[%swap3A_206], %swap3A_209 {strides = array<i32>} : memref<128xi32, #tpu.memory_space<vmem>>, vector<16xi32>,
      %get3A_210 = arith.constant 368 : index
      %get3A_211 = tpu.vector_load %arg7[%get3A_210] {strides = array<i32>} : memref<2048xi32, #tpu.memory_space<vmem>>, vector<16xi32>,
      %get3A_212 = vector.shape_cast %get3A_211 : vector<16xi32> to vector<16xi32>
      %add3A_213 = vector.broadcast %mul3A_4 : i32 to vector<16xi32>
      %add3A_214 = arith.addi %get3A_212, %add3A_213 : vector<16xi32>
      %swap3A_215 = arith.constant 112 : index
      %swap3A_216 = tpu.vector_load %arg11[%swap3A_215] {strides = array<i32>} : memref<128xi32, #tpu.memory_space<vmem>>, vector<16xi32>,
      %swap3A_217 = vector.shape_cast %swap3A_216 : vector<16xi32> to vector<16xi32>
      %swap3A_218 = vector.shape_cast %add3A_214 : vector<16xi32> to vector<16xi32>
      tpu.vector_store %arg11[%swap3A_215], %swap3A_218 {strides = array<i32>} : memref<128xi32, #tpu.memory_space<vmem>>, vector<16xi32>,
      %get3A_219 = arith.constant 384 : index
      %get3A_220 = tpu.vector_load %arg7[%get3A_219] {strides = array<i32>} : memref<2048xi32, #tpu.memory_space<vmem>>, vector<16xi32>,
      %get3A_221 = vector.shape_cast %get3A_220 : vector<16xi32> to vector<16xi32>
      %add3A_222 = vector.broadcast %mul3A_4 : i32 to vector<16xi32>
      %add3A_223 = arith.addi %get3A_221, %add3A_222 : vector<16xi32>
      %swap3A_224 = arith.constant 0 : index
      %swap3A_225 = tpu.vector_load %arg12[%swap3A_224] {strides = array<i32>} : memref<128xi32, #tpu.memory_space<vmem>>, vector<16xi32>,
      %swap3A_226 = vector.shape_cast %swap3A_225 : vector<16xi32> to vector<16xi32>
      %swap3A_227 = vector.shape_cast %add3A_223 : vector<16xi32> to vector<16xi32>
      tpu.vector_store %arg12[%swap3A_224], %swap3A_227 {strides = array<i32>} : memref<128xi32, #tpu.memory_space<vmem>>, vector<16xi32>,
      %get3A_228 = arith.constant 400 : index
      %get3A_229 = tpu.vector_load %arg7[%get3A_228] {strides = array<i32>} : memref<2048xi32, #tpu.memory_space<vmem>>, vector<16xi32>,
      %get3A_230 = vector.shape_cast %get3A_229 : vector<16xi32> to vector<16xi32>
      %add3A_231 = vector.broadcast %mul3A_4 : i32 to vector<16xi32>
      %add3A_232 = arith.addi %get3A_230, %add3A_231 : vector<16xi32>
      %swap3A_233 = arith.constant 16 : index
      %swap3A_234 = tpu.vector_load %arg12[%swap3A_233] {strides = array<i32>} : memref<128xi32, #tpu.memory_space<vmem>>, vector<16xi32>,
      %swap3A_235 = vector.shape_cast %swap3A_234 : vector<16xi32> to vector<16xi32>
      %swap3A_236 = vector.shape_cast %add3A_232 : vector<16xi32> to vector<16xi32>
      tpu.vector_store %arg12[%swap3A_233], %swap3A_236 {strides = array<i32>} : memref<128xi32, #tpu.memory_space<vmem>>, vector<16xi32>,
      %get3A_237 = arith.constant 416 : index
      %get3A_238 = tpu.vector_load %arg7[%get3A_237] {strides = array<i32>} : memref<2048xi32, #tpu.memory_space<vmem>>, vector<16xi32>,
      %get3A_239 = vector.shape_cast %get3A_238 : vector<16xi32> to vector<16xi32>
      %add3A_240 = vector.broadcast %mul3A_4 : i32 to vector<16xi32>
      %add3A_241 = arith.addi %get3A_239, %add3A_240 : vector<16xi32>
      %swap3A_242 = arith.constant 32 : index
      %swap3A_243 = tpu.vector_load %arg12[%swap3A_242] {strides = array<i32>} : memref<128xi32, #tpu.memory_space<vmem>>, vector<16xi32>,
      %swap3A_244 = vector.shape_cast %swap3A_243 : vector<16xi32> to vector<16xi32>
      %swap3A_245 = vector.shape_cast %add3A_241 : vector<16xi32> to vector<16xi32>
      tpu.vector_store %arg12[%swap3A_242], %swap3A_245 {strides = array<i32>} : memref<128xi32, #tpu.memory_space<vmem>>, vector<16xi32>,
      %get3A_246 = arith.constant 432 : index
      %get3A_247 = tpu.vector_load %arg7[%get3A_246] {strides = array<i32>} : memref<2048xi32, #tpu.memory_space<vmem>>, vector<16xi32>,
      %get3A_248 = vector.shape_cast %get3A_247 : vector<16xi32> to vector<16xi32>
      %add3A_249 = vector.broadcast %mul3A_4 : i32 to vector<16xi32>
      %add3A_250 = arith.addi %get3A_248, %add3A_249 : vector<16xi32>
      %swap3A_251 = arith.constant 48 : index
      %swap3A_252 = tpu.vector_load %arg12[%swap3A_251] {strides = array<i32>} : memref<128xi32, #tpu.memory_space<vmem>>, vector<16xi32>,
      %swap3A_253 = vector.shape_cast %swap3A_252 : vector<16xi32> to vector<16xi32>
      %swap3A_254 = vector.shape_cast %add3A_250 : vector<16xi32> to vector<16xi32>
      tpu.vector_store %arg12[%swap3A_251], %swap3A_254 {strides = array<i32>} : memref<128xi32, #tpu.memory_space<vmem>>, vector<16xi32>,
      %get3A_255 = arith.constant 448 : index
      %get3A_256 = tpu.vector_load %arg7[%get3A_255] {strides = array<i32>} : memref<2048xi32, #tpu.memory_space<vmem>>, vector<16xi32>,
      %get3A_257 = vector.shape_cast %get3A_256 : vector<16xi32> to vector<16xi32>
      %add3A_258 = vector.broadcast %mul3A_4 : i32 to vector<16xi32>
      %add3A_259 = arith.addi %get3A_257, %add3A_258 : vector<16xi32>
      %swap3A_260 = arith.constant 64 : index
      %swap3A_261 = tpu.vector_load %arg12[%swap3A_260] {strides = array<i32>} : memref<128xi32, #tpu.memory_space<vmem>>, vector<16xi32>,
      %swap3A_262 = vector.shape_cast %swap3A_261 : vector<16xi32> to vector<16xi32>
      %swap3A_263 = vector.shape_cast %add3A_259 : vector<16xi32> to vector<16xi32>
      tpu.vector_store %arg12[%swap3A_260], %swap3A_263 {strides = array<i32>} : memref<128xi32, #tpu.memory_space<vmem>>, vector<16xi32>,
      %get3A_264 = arith.constant 464 : index
      %get3A_265 = tpu.vector_load %arg7[%get3A_264] {strides = array<i32>} : memref<2048xi32, #tpu.memory_space<vmem>>, vector<16xi32>,
      %get3A_266 = vector.shape_cast %get3A_265 : vector<16xi32> to vector<16xi32>
      %add3A_267 = vector.broadcast %mul3A_4 : i32 to vector<16xi32>
      %add3A_268 = arith.addi %get3A_266, %add3A_267 : vector<16xi32>
      %swap3A_269 = arith.constant 80 : index
      %swap3A_270 = tpu.vector_load %arg12[%swap3A_269] {strides = array<i32>} : memref<128xi32, #tpu.memory_space<vmem>>, vector<16xi32>,
      %swap3A_271 = vector.shape_cast %swap3A_270 : vector<16xi32> to vector<16xi32>
      %swap3A_272 = vector.shape_cast %add3A_268 : vector<16xi32> to vector<16xi32>
      tpu.vector_store %arg12[%swap3A_269], %swap3A_272 {strides = array<i32>} : memref<128xi32, #tpu.memory_space<vmem>>, vector<16xi32>,
      %get3A_273 = arith.constant 480 : index
      %get3A_274 = tpu.vector_load %arg7[%get3A_273] {strides = array<i32>} : memref<2048xi32, #tpu.memory_space<vmem>>, vector<16xi32>,
      %get3A_275 = vector.shape_cast %get3A_274 : vector<16xi32> to vector<16xi32>
      %add3A_276 = vector.broadcast %mul3A_4 : i32 to vector<16xi32>
      %add3A_277 = arith.addi %get3A_275, %add3A_276 : vector<16xi32>
      %swap3A_278 = arith.constant 96 : index
      %swap3A_279 = tpu.vector_load %arg12[%swap3A_278] {strides = array<i32>} : memref<128xi32, #tpu.memory_space<vmem>>, vector<16xi32>,
      %swap3A_280 = vector.shape_cast %swap3A_279 : vector<16xi32> to vector<16xi32>
      %swap3A_281 = vector.shape_cast %add3A_277 : vector<16xi32> to vector<16xi32>
      tpu.vector_store %arg12[%swap3A_278], %swap3A_281 {strides = array<i32>} : memref<128xi32, #tpu.memory_space<vmem>>, vector<16xi32>,
      %get3A_282 = arith.constant 496 : index
      %get3A_283 = tpu.vector_load %arg7[%get3A_282] {strides = array<i32>} : memref<2048xi32, #tpu.memory_space<vmem>>, vector<16xi32>,
      %get3A_284 = vector.shape_cast %get3A_283 : vector<16xi32> to vector<16xi32>
      %add3A_285 = vector.broadcast %mul3A_4 : i32 to vector<16xi32>
      %add3A_286 = arith.addi %get3A_284, %add3A_285 : vector<16xi32>
      %swap3A_287 = arith.constant 112 : index
      %swap3A_288 = tpu.vector_load %arg12[%swap3A_287] {strides = array<i32>} : memref<128xi32, #tpu.memory_space<vmem>>, vector<16xi32>,
      %swap3A_289 = vector.shape_cast %swap3A_288 : vector<16xi32> to vector<16xi32>
      %swap3A_290 = vector.shape_cast %add3A_286 : vector<16xi32> to vector<16xi32>
      tpu.vector_store %arg12[%swap3A_287], %swap3A_290 {strides = array<i32>} : memref<128xi32, #tpu.memory_space<vmem>>, vector<16xi32>,
      %get3A_291 = arith.constant 512 : index
      %get3A_292 = tpu.vector_load %arg7[%get3A_291] {strides = array<i32>} : memref<2048xi32, #tpu.memory_space<vmem>>, vector<16xi32>,
      %get3A_293 = vector.shape_cast %get3A_292 : vector<16xi32> to vector<16xi32>
      %add3A_294 = vector.broadcast %mul3A_4 : i32 to vector<16xi32>
      %add3A_295 = arith.addi %get3A_293, %add3A_294 : vector<16xi32>
      %swap3A_296 = arith.constant 0 : index
      %swap3A_297 = tpu.vector_load %arg13[%swap3A_296] {strides = array<i32>} : memref<128xi32, #tpu.memory_space<vmem>>, vector<16xi32>,
      %swap3A_298 = vector.shape_cast %swap3A_297 : vector<16xi32> to vector<16xi32>
      %swap3A_299 = vector.shape_cast %add3A_295 : vector<16xi32> to vector<16xi32>
      tpu.vector_store %arg13[%swap3A_296], %swap3A_299 {strides = array<i32>} : memref<128xi32, #tpu.memory_space<vmem>>, vector<16xi32>,
      %get3A_300 = arith.constant 528 : index
      %get3A_301 = tpu.vector_load %arg7[%get3A_300] {strides = array<i32>} : memref<2048xi32, #tpu.memory_space<vmem>>, vector<16xi32>,
      %get3A_302 = vector.shape_cast %get3A_301 : vector<16xi32> to vector<16xi32>
      %add3A_303 = vector.broadcast %mul3A_4 : i32 to vector<16xi32>
      %add3A_304 = arith.addi %get3A_302, %add3A_303 : vector<16xi32>
      %swap3A_305 = arith.constant 16 : index
      %swap3A_306 = tpu.vector_load %arg13[%swap3A_305] {strides = array<i32>} : memref<128xi32, #tpu.memory_space<vmem>>, vector<16xi32>,
      %swap3A_307 = vector.shape_cast %swap3A_306 : vector<16xi32> to vector<16xi32>
      %swap3A_308 = vector.shape_cast %add3A_304 : vector<16xi32> to vector<16xi32>
      tpu.vector_store %arg13[%swap3A_305], %swap3A_308 {strides = array<i32>} : memref<128xi32, #tpu.memory_space<vmem>>, vector<16xi32>,
      %get3A_309 = arith.constant 544 : index
      %get3A_310 = tpu.vector_load %arg7[%get3A_309] {strides = array<i32>} : memref<2048xi32, #tpu.memory_space<vmem>>, vector<16xi32>,
      %get3A_311 = vector.shape_cast %get3A_310 : vector<16xi32> to vector<16xi32>
      %add3A_312 = vector.broadcast %mul3A_4 : i32 to vector<16xi32>
      %add3A_313 = arith.addi %get3A_311, %add3A_312 : vector<16xi32>
      %swap3A_314 = arith.constant 32 : index
      %swap3A_315 = tpu.vector_load %arg13[%swap3A_314] {strides = array<i32>} : memref<128xi32, #tpu.memory_space<vmem>>, vector<16xi32>,
      %swap3A_316 = vector.shape_cast %swap3A_315 : vector<16xi32> to vector<16xi32>
      %swap3A_317 = vector.shape_cast %add3A_313 : vector<16xi32> to vector<16xi32>
      tpu.vector_store %arg13[%swap3A_314], %swap3A_317 {strides = array<i32>} : memref<128xi32, #tpu.memory_space<vmem>>, vector<16xi32>,
      %get3A_318 = arith.constant 560 : index
      %get3A_319 = tpu.vector_load %arg7[%get3A_318] {strides = array<i32>} : memref<2048xi32, #tpu.memory_space<vmem>>, vector<16xi32>,
      %get3A_320 = vector.shape_cast %get3A_319 : vector<16xi32> to vector<16xi32>
      %add3A_321 = vector.broadcast %mul3A_4 : i32 to vector<16xi32>
      %add3A_322 = arith.addi %get3A_320, %add3A_321 : vector<16xi32>
      %swap3A_323 = arith.constant 48 : index
      %swap3A_324 = tpu.vector_load %arg13[%swap3A_323] {strides = array<i32>} : memref<128xi32, #tpu.memory_space<vmem>>, vector<16xi32>,
      %swap3A_325 = vector.shape_cast %swap3A_324 : vector<16xi32> to vector<16xi32>
      %swap3A_326 = vector.shape_cast %add3A_322 : vector<16xi32> to vector<16xi32>
      tpu.vector_store %arg13[%swap3A_323], %swap3A_326 {strides = array<i32>} : memref<128xi32, #tpu.memory_space<vmem>>, vector<16xi32>,
      %get3A_327 = arith.constant 576 : index
      %get3A_328 = tpu.vector_load %arg7[%get3A_327] {strides = array<i32>} : memref<2048xi32, #tpu.memory_space<vmem>>, vector<16xi32>,
      %get3A_329 = vector.shape_cast %get3A_328 : vector<16xi32> to vector<16xi32>
      %add3A_330 = vector.broadcast %mul3A_4 : i32 to vector<16xi32>
      %add3A_331 = arith.addi %get3A_329, %add3A_330 : vector<16xi32>
      %swap3A_332 = arith.constant 64 : index
      %swap3A_333 = tpu.vector_load %arg13[%swap3A_332] {strides = array<i32>} : memref<128xi32, #tpu.memory_space<vmem>>, vector<16xi32>,
      %swap3A_334 = vector.shape_cast %swap3A_333 : vector<16xi32> to vector<16xi32>
      %swap3A_335 = vector.shape_cast %add3A_331 : vector<16xi32> to vector<16xi32>
      tpu.vector_store %arg13[%swap3A_332], %swap3A_335 {strides = array<i32>} : memref<128xi32, #tpu.memory_space<vmem>>, vector<16xi32>,
      %get3A_336 = arith.constant 592 : index
      %get3A_337 = tpu.vector_load %arg7[%get3A_336] {strides = array<i32>} : memref<2048xi32, #tpu.memory_space<vmem>>, vector<16xi32>,
      %get3A_338 = vector.shape_cast %get3A_337 : vector<16xi32> to vector<16xi32>
      %add3A_339 = vector.broadcast %mul3A_4 : i32 to vector<16xi32>
      %add3A_340 = arith.addi %get3A_338, %add3A_339 : vector<16xi32>
      %swap3A_341 = arith.constant 80 : index
      %swap3A_342 = tpu.vector_load %arg13[%swap3A_341] {strides = array<i32>} : memref<128xi32, #tpu.memory_space<vmem>>, vector<16xi32>,
      %swap3A_343 = vector.shape_cast %swap3A_342 : vector<16xi32> to vector<16xi32>
      %swap3A_344 = vector.shape_cast %add3A_340 : vector<16xi32> to vector<16xi32>
      tpu.vector_store %arg13[%swap3A_341], %swap3A_344 {strides = array<i32>} : memref<128xi32, #tpu.memory_space<vmem>>, vector<16xi32>,
      %get3A_345 = arith.constant 608 : index
      %get3A_346 = tpu.vector_load %arg7[%get3A_345] {strides = array<i32>} : memref<2048xi32, #tpu.memory_space<vmem>>, vector<16xi32>,
      %get3A_347 = vector.shape_cast %get3A_346 : vector<16xi32> to vector<16xi32>
      %add3A_348 = vector.broadcast %mul3A_4 : i32 to vector<16xi32>
      %add3A_349 = arith.addi %get3A_347, %add3A_348 : vector<16xi32>
      %swap3A_350 = arith.constant 96 : index
      %swap3A_351 = tpu.vector_load %arg13[%swap3A_350] {strides = array<i32>} : memref<128xi32, #tpu.memory_space<vmem>>, vector<16xi32>,
      %swap3A_352 = vector.shape_cast %swap3A_351 : vector<16xi32> to vector<16xi32>
      %swap3A_353 = vector.shape_cast %add3A_349 : vector<16xi32> to vector<16xi32>
      tpu.vector_store %arg13[%swap3A_350], %swap3A_353 {strides = array<i32>} : memref<128xi32, #tpu.memory_space<vmem>>, vector<16xi32>,
      %get3A_354 = arith.constant 624 : index
      %get3A_355 = tpu.vector_load %arg7[%get3A_354] {strides = array<i32>} : memref<2048xi32, #tpu.memory_space<vmem>>, vector<16xi32>,
      %get3A_356 = vector.shape_cast %get3A_355 : vector<16xi32> to vector<16xi32>
      %add3A_357 = vector.broadcast %mul3A_4 : i32 to vector<16xi32>
      %add3A_358 = arith.addi %get3A_356, %add3A_357 : vector<16xi32>
      %swap3A_359 = arith.constant 112 : index
      %swap3A_360 = tpu.vector_load %arg13[%swap3A_359] {strides = array<i32>} : memref<128xi32, #tpu.memory_space<vmem>>, vector<16xi32>,
      %swap3A_361 = vector.shape_cast %swap3A_360 : vector<16xi32> to vector<16xi32>
      %swap3A_362 = vector.shape_cast %add3A_358 : vector<16xi32> to vector<16xi32>
      tpu.vector_store %arg13[%swap3A_359], %swap3A_362 {strides = array<i32>} : memref<128xi32, #tpu.memory_space<vmem>>, vector<16xi32>,
      %get3A_363 = arith.constant 640 : index
      %get3A_364 = tpu.vector_load %arg7[%get3A_363] {strides = array<i32>} : memref<2048xi32, #tpu.memory_space<vmem>>, vector<16xi32>,
      %get3A_365 = vector.shape_cast %get3A_364 : vector<16xi32> to vector<16xi32>
      %add3A_366 = vector.broadcast %mul3A_4 : i32 to vector<16xi32>
      %add3A_367 = arith.addi %get3A_365, %add3A_366 : vector<16xi32>
      %swap3A_368 = arith.constant 0 : index
      %swap3A_369 = tpu.vector_load %arg14[%swap3A_368] {strides = array<i32>} : memref<128xi32, #tpu.memory_space<vmem>>, vector<16xi32>,
      %swap3A_370 = vector.shape_cast %swap3A_369 : vector<16xi32> to vector<16xi32>
      %swap3A_371 = vector.shape_cast %add3A_367 : vector<16xi32> to vector<16xi32>
      tpu.vector_store %arg14[%swap3A_368], %swap3A_371 {strides = array<i32>} : memref<128xi32, #tpu.memory_space<vmem>>, vector<16xi32>,
      %get3A_372 = arith.constant 656 : index
      %get3A_373 = tpu.vector_load %arg7[%get3A_372] {strides = array<i32>} : memref<2048xi32, #tpu.memory_space<vmem>>, vector<16xi32>,
      %get3A_374 = vector.shape_cast %get3A_373 : vector<16xi32> to vector<16xi32>
      %add3A_375 = vector.broadcast %mul3A_4 : i32 to vector<16xi32>
      %add3A_376 = arith.addi %get3A_374, %add3A_375 : vector<16xi32>
      %swap3A_377 = arith.constant 16 : index
      %swap3A_378 = tpu.vector_load %arg14[%swap3A_377] {strides = array<i32>} : memref<128xi32, #tpu.memory_space<vmem>>, vector<16xi32>,
      %swap3A_379 = vector.shape_cast %swap3A_378 : vector<16xi32> to vector<16xi32>
      %swap3A_380 = vector.shape_cast %add3A_376 : vector<16xi32> to vector<16xi32>
      tpu.vector_store %arg14[%swap3A_377], %swap3A_380 {strides = array<i32>} : memref<128xi32, #tpu.memory_space<vmem>>, vector<16xi32>,
      %get3A_381 = arith.constant 672 : index
      %get3A_382 = tpu.vector_load %arg7[%get3A_381] {strides = array<i32>} : memref<2048xi32, #tpu.memory_space<vmem>>, vector<16xi32>,
      %get3A_383 = vector.shape_cast %get3A_382 : vector<16xi32> to vector<16xi32>
      %add3A_384 = vector.broadcast %mul3A_4 : i32 to vector<16xi32>
      %add3A_385 = arith.addi %get3A_383, %add3A_384 : vector<16xi32>
      %swap3A_386 = arith.constant 32 : index
      %swap3A_387 = tpu.vector_load %arg14[%swap3A_386] {strides = array<i32>} : memref<128xi32, #tpu.memory_space<vmem>>, vector<16xi32>,
      %swap3A_388 = vector.shape_cast %swap3A_387 : vector<16xi32> to vector<16xi32>
      %swap3A_389 = vector.shape_cast %add3A_385 : vector<16xi32> to vector<16xi32>
      tpu.vector_store %arg14[%swap3A_386], %swap3A_389 {strides = array<i32>} : memref<128xi32, #tpu.memory_space<vmem>>, vector<16xi32>,
      %get3A_390 = arith.constant 688 : index
      %get3A_391 = tpu.vector_load %arg7[%get3A_390] {strides = array<i32>} : memref<2048xi32, #tpu.memory_space<vmem>>, vector<16xi32>,
      %get3A_392 = vector.shape_cast %get3A_391 : vector<16xi32> to vector<16xi32>
      %add3A_393 = vector.broadcast %mul3A_4 : i32 to vector<16xi32>
      %add3A_394 = arith.addi %get3A_392, %add3A_393 : vector<16xi32>
      %swap3A_395 = arith.constant 48 : index
      %swap3A_396 = tpu.vector_load %arg14[%swap3A_395] {strides = array<i32>} : memref<128xi32, #tpu.memory_space<vmem>>, vector<16xi32>,
      %swap3A_397 = vector.shape_cast %swap3A_396 : vector<16xi32> to vector<16xi32>
      %swap3A_398 = vector.shape_cast %add3A_394 : vector<16xi32> to vector<16xi32>
      tpu.vector_store %arg14[%swap3A_395], %swap3A_398 {strides = array<i32>} : memref<128xi32, #tpu.memory_space<vmem>>, vector<16xi32>,
      %get3A_399 = arith.constant 704 : index
      %get3A_400 = tpu.vector_load %arg7[%get3A_399] {strides = array<i32>} : memref<2048xi32, #tpu.memory_space<vmem>>, vector<16xi32>,
      %get3A_401 = vector.shape_cast %get3A_400 : vector<16xi32> to vector<16xi32>
      %add3A_402 = vector.broadcast %mul3A_4 : i32 to vector<16xi32>
      %add3A_403 = arith.addi %get3A_401, %add3A_402 : vector<16xi32>
      %swap3A_404 = arith.constant 64 : index
      %swap3A_405 = tpu.vector_load %arg14[%swap3A_404] {strides = array<i32>} : memref<128xi32, #tpu.memory_space<vmem>>, vector<16xi32>,
      %swap3A_406 = vector.shape_cast %swap3A_405 : vector<16xi32> to vector<16xi32>
      %swap3A_407 = vector.shape_cast %add3A_403 : vector<16xi32> to vector<16xi32>
      tpu.vector_store %arg14[%swap3A_404], %swap3A_407 {strides = array<i32>} : memref<128xi32, #tpu.memory_space<vmem>>, vector<16xi32>,
      %get3A_408 = arith.constant 720 : index
      %get3A_409 = tpu.vector_load %arg7[%get3A_408] {strides = array<i32>} : memref<2048xi32, #tpu.memory_space<vmem>>, vector<16xi32>,
      %get3A_410 = vector.shape_cast %get3A_409 : vector<16xi32> to vector<16xi32>
      %add3A_411 = vector.broadcast %mul3A_4 : i32 to vector<16xi32>
      %add3A_412 = arith.addi %get3A_410, %add3A_411 : vector<16xi32>
      %swap3A_413 = arith.constant 80 : index
      %swap3A_414 = tpu.vector_load %arg14[%swap3A_413] {strides = array<i32>} : memref<128xi32, #tpu.memory_space<vmem>>, vector<16xi32>,
      %swap3A_415 = vector.shape_cast %swap3A_414 : vector<16xi32> to vector<16xi32>
      %swap3A_416 = vector.shape_cast %add3A_412 : vector<16xi32> to vector<16xi32>
      tpu.vector_store %arg14[%swap3A_413], %swap3A_416 {strides = array<i32>} : memref<128xi32, #tpu.memory_space<vmem>>, vector<16xi32>,
      %get3A_417 = arith.constant 736 : index
      %get3A_418 = tpu.vector_load %arg7[%get3A_417] {strides = array<i32>} : memref<2048xi32, #tpu.memory_space<vmem>>, vector<16xi32>,
      %get3A_419 = vector.shape_cast %get3A_418 : vector<16xi32> to vector<16xi32>
      %add3A_420 = vector.broadcast %mul3A_4 : i32 to vector<16xi32>
      %add3A_421 = arith.addi %get3A_419, %add3A_420 : vector<16xi32>
      %swap3A_422 = arith.constant 96 : index
      %swap3A_423 = tpu.vector_load %arg14[%swap3A_422] {strides = array<i32>} : memref<128xi32, #tpu.memory_space<vmem>>, vector<16xi32>,
      %swap3A_424 = vector.shape_cast %swap3A_423 : vector<16xi32> to vector<16xi32>
      %swap3A_425 = vector.shape_cast %add3A_421 : vector<16xi32> to vector<16xi32>
      tpu.vector_store %arg14[%swap3A_422], %swap3A_425 {strides = array<i32>} : memref<128xi32, #tpu.memory_space<vmem>>, vector<16xi32>,
      %get3A_426 = arith.constant 752 : index
      %get3A_427 = tpu.vector_load %arg7[%get3A_426] {strides = array<i32>} : memref<2048xi32, #tpu.memory_space<vmem>>, vector<16xi32>,
      %get3A_428 = vector.shape_cast %get3A_427 : vector<16xi32> to vector<16xi32>
      %add3A_429 = vector.broadcast %mul3A_4 : i32 to vector<16xi32>
      %add3A_430 = arith.addi %get3A_428, %add3A_429 : vector<16xi32>
      %swap3A_431 = arith.constant 112 : index
      %swap3A_432 = tpu.vector_load %arg14[%swap3A_431] {strides = array<i32>} : memref<128xi32, #tpu.memory_space<vmem>>, vector<16xi32>,
      %swap3A_433 = vector.shape_cast %swap3A_432 : vector<16xi32> to vector<16xi32>
      %swap3A_434 = vector.shape_cast %add3A_430 : vector<16xi32> to vector<16xi32>
      tpu.vector_store %arg14[%swap3A_431], %swap3A_434 {strides = array<i32>} : memref<128xi32, #tpu.memory_space<vmem>>, vector<16xi32>,
      %get3A_435 = arith.constant 768 : index
      %get3A_436 = tpu.vector_load %arg7[%get3A_435] {strides = array<i32>} : memref<2048xi32, #tpu.memory_space<vmem>>, vector<16xi32>,
      %get3A_437 = vector.shape_cast %get3A_436 : vector<16xi32> to vector<16xi32>
      %add3A_438 = vector.broadcast %mul3A_4 : i32 to vector<16xi32>
      %add3A_439 = arith.addi %get3A_437, %add3A_438 : vector<16xi32>
      %swap3A_440 = arith.constant 0 : index
      %swap3A_441 = tpu.vector_load %arg15[%swap3A_440] {strides = array<i32>} : memref<128xi32, #tpu.memory_space<vmem>>, vector<16xi32>,
      %swap3A_442 = vector.shape_cast %swap3A_441 : vector<16xi32> to vector<16xi32>
      %swap3A_443 = vector.shape_cast %add3A_439 : vector<16xi32> to vector<16xi32>
      tpu.vector_store %arg15[%swap3A_440], %swap3A_443 {strides = array<i32>} : memref<128xi32, #tpu.memory_space<vmem>>, vector<16xi32>,
      %get3A_444 = arith.constant 784 : index
      %get3A_445 = tpu.vector_load %arg7[%get3A_444] {strides = array<i32>} : memref<2048xi32, #tpu.memory_space<vmem>>, vector<16xi32>,
      %get3A_446 = vector.shape_cast %get3A_445 : vector<16xi32> to vector<16xi32>
      %add3A_447 = vector.broadcast %mul3A_4 : i32 to vector<16xi32>
      %add3A_448 = arith.addi %get3A_446, %add3A_447 : vector<16xi32>
      %swap3A_449 = arith.constant 16 : index
      %swap3A_450 = tpu.vector_load %arg15[%swap3A_449] {strides = array<i32>} : memref<128xi32, #tpu.memory_space<vmem>>, vector<16xi32>,
      %swap3A_451 = vector.shape_cast %swap3A_450 : vector<16xi32> to vector<16xi32>
      %swap3A_452 = vector.shape_cast %add3A_448 : vector<16xi32> to vector<16xi32>
      tpu.vector_store %arg15[%swap3A_449], %swap3A_452 {strides = array<i32>} : memref<128xi32, #tpu.memory_space<vmem>>, vector<16xi32>,
      %get3A_453 = arith.constant 800 : index
      %get3A_454 = tpu.vector_load %arg7[%get3A_453] {strides = array<i32>} : memref<2048xi32, #tpu.memory_space<vmem>>, vector<16xi32>,
      %get3A_455 = vector.shape_cast %get3A_454 : vector<16xi32> to vector<16xi32>
      %add3A_456 = vector.broadcast %mul3A_4 : i32 to vector<16xi32>
      %add3A_457 = arith.addi %get3A_455, %add3A_456 : vector<16xi32>
      %swap3A_458 = arith.constant 32 : index
      %swap3A_459 = tpu.vector_load %arg15[%swap3A_458] {strides = array<i32>} : memref<128xi32, #tpu.memory_space<vmem>>, vector<16xi32>,
      %swap3A_460 = vector.shape_cast %swap3A_459 : vector<16xi32> to vector<16xi32>
      %swap3A_461 = vector.shape_cast %add3A_457 : vector<16xi32> to vector<16xi32>
      tpu.vector_store %arg15[%swap3A_458], %swap3A_461 {strides = array<i32>} : memref<128xi32, #tpu.memory_space<vmem>>, vector<16xi32>,
      %get3A_462 = arith.constant 816 : index
      %get3A_463 = tpu.vector_load %arg7[%get3A_462] {strides = array<i32>} : memref<2048xi32, #tpu.memory_space<vmem>>, vector<16xi32>,
      %get3A_464 = vector.shape_cast %get3A_463 : vector<16xi32> to vector<16xi32>
      %add3A_465 = vector.broadcast %mul3A_4 : i32 to vector<16xi32>
      %add3A_466 = arith.addi %get3A_464, %add3A_465 : vector<16xi32>
      %swap3A_467 = arith.constant 48 : index
      %swap3A_468 = tpu.vector_load %arg15[%swap3A_467] {strides = array<i32>} : memref<128xi32, #tpu.memory_space<vmem>>, vector<16xi32>,
      %swap3A_469 = vector.shape_cast %swap3A_468 : vector<16xi32> to vector<16xi32>
      %swap3A_470 = vector.shape_cast %add3A_466 : vector<16xi32> to vector<16xi32>
      tpu.vector_store %arg15[%swap3A_467], %swap3A_470 {strides = array<i32>} : memref<128xi32, #tpu.memory_space<vmem>>, vector<16xi32>,
      %get3A_471 = arith.constant 832 : index
      %get3A_472 = tpu.vector_load %arg7[%get3A_471] {strides = array<i32>} : memref<2048xi32, #tpu.memory_space<vmem>>, vector<16xi32>,
      %get3A_473 = vector.shape_cast %get3A_472 : vector<16xi32> to vector<16xi32>
      %add3A_474 = vector.broadcast %mul3A_4 : i32 to vector<16xi32>
      %add3A_475 = arith.addi %get3A_473, %add3A_474 : vector<16xi32>
      %swap3A_476 = arith.constant 64 : index
      %swap3A_477 = tpu.vector_load %arg15[%swap3A_476] {strides = array<i32>} : memref<128xi32, #tpu.memory_space<vmem>>, vector<16xi32>,
      %swap3A_478 = vector.shape_cast %swap3A_477 : vector<16xi32> to vector<16xi32>
      %swap3A_479 = vector.shape_cast %add3A_475 : vector<16xi32> to vector<16xi32>
      tpu.vector_store %arg15[%swap3A_476], %swap3A_479 {strides = array<i32>} : memref<128xi32, #tpu.memory_space<vmem>>, vector<16xi32>,
      %get3A_480 = arith.constant 848 : index
      %get3A_481 = tpu.vector_load %arg7[%get3A_480] {strides = array<i32>} : memref<2048xi32, #tpu.memory_space<vmem>>, vector<16xi32>,
      %get3A_482 = vector.shape_cast %get3A_481 : vector<16xi32> to vector<16xi32>
      %add3A_483 = vector.broadcast %mul3A_4 : i32 to vector<16xi32>
      %add3A_484 = arith.addi %get3A_482, %add3A_483 : vector<16xi32>
      %swap3A_485 = arith.constant 80 : index
      %swap3A_486 = tpu.vector_load %arg15[%swap3A_485] {strides = array<i32>} : memref<128xi32, #tpu.memory_space<vmem>>, vector<16xi32>,
      %swap3A_487 = vector.shape_cast %swap3A_486 : vector<16xi32> to vector<16xi32>
      %swap3A_488 = vector.shape_cast %add3A_484 : vector<16xi32> to vector<16xi32>
      tpu.vector_store %arg15[%swap3A_485], %swap3A_488 {strides = array<i32>} : memref<128xi32, #tpu.memory_space<vmem>>, vector<16xi32>,
      %get3A_489 = arith.constant 864 : index
      %get3A_490 = tpu.vector_load %arg7[%get3A_489] {strides = array<i32>} : memref<2048xi32, #tpu.memory_space<vmem>>, vector<16xi32>,
      %get3A_491 = vector.shape_cast %get3A_490 : vector<16xi32> to vector<16xi32>
      %add3A_492 = vector.broadcast %mul3A_4 : i32 to vector<16xi32>
      %add3A_493 = arith.addi %get3A_491, %add3A_492 : vector<16xi32>
      %swap3A_494 = arith.constant 96 : index
      %swap3A_495 = tpu.vector_load %arg15[%swap3A_494] {strides = array<i32>} : memref<128xi32, #tpu.memory_space<vmem>>, vector<16xi32>,
      %swap3A_496 = vector.shape_cast %swap3A_495 : vector<16xi32> to vector<16xi32>
      %swap3A_497 = vector.shape_cast %add3A_493 : vector<16xi32> to vector<16xi32>
      tpu.vector_store %arg15[%swap3A_494], %swap3A_497 {strides = array<i32>} : memref<128xi32, #tpu.memory_space<vmem>>, vector<16xi32>,
      %get3A_498 = arith.constant 880 : index
      %get3A_499 = tpu.vector_load %arg7[%get3A_498] {strides = array<i32>} : memref<2048xi32, #tpu.memory_space<vmem>>, vector<16xi32>,
      %get3A_500 = vector.shape_cast %get3A_499 : vector<16xi32> to vector<16xi32>
      %add3A_501 = vector.broadcast %mul3A_4 : i32 to vector<16xi32>
      %add3A_502 = arith.addi %get3A_500, %add3A_501 : vector<16xi32>
      %swap3A_503 = arith.constant 112 : index
      %swap3A_504 = tpu.vector_load %arg15[%swap3A_503] {strides = array<i32>} : memref<128xi32, #tpu.memory_space<vmem>>, vector<16xi32>,
      %swap3A_505 = vector.shape_cast %swap3A_504 : vector<16xi32> to vector<16xi32>
      %swap3A_506 = vector.shape_cast %add3A_502 : vector<16xi32> to vector<16xi32>
      tpu.vector_store %arg15[%swap3A_503], %swap3A_506 {strides = array<i32>} : memref<128xi32, #tpu.memory_space<vmem>>, vector<16xi32>,
      %get3A_507 = arith.constant 896 : index
      %get3A_508 = tpu.vector_load %arg7[%get3A_507] {strides = array<i32>} : memref<2048xi32, #tpu.memory_space<vmem>>, vector<16xi32>,
      %get3A_509 = vector.shape_cast %get3A_508 : vector<16xi32> to vector<16xi32>
      %add3A_510 = vector.broadcast %mul3A_4 : i32 to vector<16xi32>
      %add3A_511 = arith.addi %get3A_509, %add3A_510 : vector<16xi32>
      %swap3A_512 = arith.constant 0 : index
      %swap3A_513 = tpu.vector_load %arg16[%swap3A_512] {strides = array<i32>} : memref<128xi32, #tpu.memory_space<vmem>>, vector<16xi32>,
      %swap3A_514 = vector.shape_cast %swap3A_513 : vector<16xi32> to vector<16xi32>
      %swap3A_515 = vector.shape_cast %add3A_511 : vector<16xi32> to vector<16xi32>
      tpu.vector_store %arg16[%swap3A_512], %swap3A_515 {strides = array<i32>} : memref<128xi32, #tpu.memory_space<vmem>>, vector<16xi32>,
      %get3A_516 = arith.constant 912 : index
      %get3A_517 = tpu.vector_load %arg7[%get3A_516] {strides = array<i32>} : memref<2048xi32, #tpu.memory_space<vmem>>, vector<16xi32>,
      %get3A_518 = vector.shape_cast %get3A_517 : vector<16xi32> to vector<16xi32>
      %add3A_519 = vector.broadcast %mul3A_4 : i32 to vector<16xi32>
      %add3A_520 = arith.addi %get3A_518, %add3A_519 : vector<16xi32>
      %swap3A_521 = arith.constant 16 : index
      %swap3A_522 = tpu.vector_load %arg16[%swap3A_521] {strides = array<i32>} : memref<128xi32, #tpu.memory_space<vmem>>, vector<16xi32>,
      %swap3A_523 = vector.shape_cast %swap3A_522 : vector<16xi32> to vector<16xi32>
      %swap3A_524 = vector.shape_cast %add3A_520 : vector<16xi32> to vector<16xi32>
      tpu.vector_store %arg16[%swap3A_521], %swap3A_524 {strides = array<i32>} : memref<128xi32, #tpu.memory_space<vmem>>, vector<16xi32>,
      %get3A_525 = arith.constant 928 : index
      %get3A_526 = tpu.vector_load %arg7[%get3A_525] {strides = array<i32>} : memref<2048xi32, #tpu.memory_space<vmem>>, vector<16xi32>,
      %get3A_527 = vector.shape_cast %get3A_526 : vector<16xi32> to vector<16xi32>
      %add3A_528 = vector.broadcast %mul3A_4 : i32 to vector<16xi32>
      %add3A_529 = arith.addi %get3A_527, %add3A_528 : vector<16xi32>
      %swap3A_530 = arith.constant 32 : index
      %swap3A_531 = tpu.vector_load %arg16[%swap3A_530] {strides = array<i32>} : memref<128xi32, #tpu.memory_space<vmem>>, vector<16xi32>,
      %swap3A_532 = vector.shape_cast %swap3A_531 : vector<16xi32> to vector<16xi32>
      %swap3A_533 = vector.shape_cast %add3A_529 : vector<16xi32> to vector<16xi32>
      tpu.vector_store %arg16[%swap3A_530], %swap3A_533 {strides = array<i32>} : memref<128xi32, #tpu.memory_space<vmem>>, vector<16xi32>,
      %get3A_534 = arith.constant 944 : index
      %get3A_535 = tpu.vector_load %arg7[%get3A_534] {strides = array<i32>} : memref<2048xi32, #tpu.memory_space<vmem>>, vector<16xi32>,
      %get3A_536 = vector.shape_cast %get3A_535 : vector<16xi32> to vector<16xi32>
      %add3A_537 = vector.broadcast %mul3A_4 : i32 to vector<16xi32>
      %add3A_538 = arith.addi %get3A_536, %add3A_537 : vector<16xi32>
      %swap3A_539 = arith.constant 48 : index
      %swap3A_540 = tpu.vector_load %arg16[%swap3A_539] {strides = array<i32>} : memref<128xi32, #tpu.memory_space<vmem>>, vector<16xi32>,
      %swap3A_541 = vector.shape_cast %swap3A_540 : vector<16xi32> to vector<16xi32>
      %swap3A_542 = vector.shape_cast %add3A_538 : vector<16xi32> to vector<16xi32>
      tpu.vector_store %arg16[%swap3A_539], %swap3A_542 {strides = array<i32>} : memref<128xi32, #tpu.memory_space<vmem>>, vector<16xi32>,
      %get3A_543 = arith.constant 960 : index
      %get3A_544 = tpu.vector_load %arg7[%get3A_543] {strides = array<i32>} : memref<2048xi32, #tpu.memory_space<vmem>>, vector<16xi32>,
      %get3A_545 = vector.shape_cast %get3A_544 : vector<16xi32> to vector<16xi32>
      %add3A_546 = vector.broadcast %mul3A_4 : i32 to vector<16xi32>
      %add3A_547 = arith.addi %get3A_545, %add3A_546 : vector<16xi32>
      %swap3A_548 = arith.constant 64 : index
      %swap3A_549 = tpu.vector_load %arg16[%swap3A_548] {strides = array<i32>} : memref<128xi32, #tpu.memory_space<vmem>>, vector<16xi32>,
      %swap3A_550 = vector.shape_cast %swap3A_549 : vector<16xi32> to vector<16xi32>
      %swap3A_551 = vector.shape_cast %add3A_547 : vector<16xi32> to vector<16xi32>
      tpu.vector_store %arg16[%swap3A_548], %swap3A_551 {strides = array<i32>} : memref<128xi32, #tpu.memory_space<vmem>>, vector<16xi32>,
      %get3A_552 = arith.constant 976 : index
      %get3A_553 = tpu.vector_load %arg7[%get3A_552] {strides = array<i32>} : memref<2048xi32, #tpu.memory_space<vmem>>, vector<16xi32>,
      %get3A_554 = vector.shape_cast %get3A_553 : vector<16xi32> to vector<16xi32>
      %add3A_555 = vector.broadcast %mul3A_4 : i32 to vector<16xi32>
      %add3A_556 = arith.addi %get3A_554, %add3A_555 : vector<16xi32>
      %swap3A_557 = arith.constant 80 : index
      %swap3A_558 = tpu.vector_load %arg16[%swap3A_557] {strides = array<i32>} : memref<128xi32, #tpu.memory_space<vmem>>, vector<16xi32>,
      %swap3A_559 = vector.shape_cast %swap3A_558 : vector<16xi32> to vector<16xi32>
      %swap3A_560 = vector.shape_cast %add3A_556 : vector<16xi32> to vector<16xi32>
      tpu.vector_store %arg16[%swap3A_557], %swap3A_560 {strides = array<i32>} : memref<128xi32, #tpu.memory_space<vmem>>, vector<16xi32>,
      %get3A_561 = arith.constant 992 : index
      %get3A_562 = tpu.vector_load %arg7[%get3A_561] {strides = array<i32>} : memref<2048xi32, #tpu.memory_space<vmem>>, vector<16xi32>,
      %get3A_563 = vector.shape_cast %get3A_562 : vector<16xi32> to vector<16xi32>
      %add3A_564 = vector.broadcast %mul3A_4 : i32 to vector<16xi32>
      %add3A_565 = arith.addi %get3A_563, %add3A_564 : vector<16xi32>
      %swap3A_566 = arith.constant 96 : index
      %swap3A_567 = tpu.vector_load %arg16[%swap3A_566] {strides = array<i32>} : memref<128xi32, #tpu.memory_space<vmem>>, vector<16xi32>,
      %swap3A_568 = vector.shape_cast %swap3A_567 : vector<16xi32> to vector<16xi32>
      %swap3A_569 = vector.shape_cast %add3A_565 : vector<16xi32> to vector<16xi32>
      tpu.vector_store %arg16[%swap3A_566], %swap3A_569 {strides = array<i32>} : memref<128xi32, #tpu.memory_space<vmem>>, vector<16xi32>,
      %get3A_570 = arith.constant 1008 : index
      %get3A_571 = tpu.vector_load %arg7[%get3A_570] {strides = array<i32>} : memref<2048xi32, #tpu.memory_space<vmem>>, vector<16xi32>,
      %get3A_572 = vector.shape_cast %get3A_571 : vector<16xi32> to vector<16xi32>
      %add3A_573 = vector.broadcast %mul3A_4 : i32 to vector<16xi32>
      %add3A_574 = arith.addi %get3A_572, %add3A_573 : vector<16xi32>
      %swap3A_575 = arith.constant 112 : index
      %swap3A_576 = tpu.vector_load %arg16[%swap3A_575] {strides = array<i32>} : memref<128xi32, #tpu.memory_space<vmem>>, vector<16xi32>,
      %swap3A_577 = vector.shape_cast %swap3A_576 : vector<16xi32> to vector<16xi32>
      %swap3A_578 = vector.shape_cast %add3A_574 : vector<16xi32> to vector<16xi32>
      tpu.vector_store %arg16[%swap3A_575], %swap3A_578 {strides = array<i32>} : memref<128xi32, #tpu.memory_space<vmem>>, vector<16xi32>,
      %get3A_579 = arith.constant 1024 : index
      %get3A_580 = tpu.vector_load %arg7[%get3A_579] {strides = array<i32>} : memref<2048xi32, #tpu.memory_space<vmem>>, vector<16xi32>,
      %get3A_581 = vector.shape_cast %get3A_580 : vector<16xi32> to vector<16xi32>
      %add3A_582 = vector.broadcast %mul3A_4 : i32 to vector<16xi32>
      %add3A_583 = arith.addi %get3A_581, %add3A_582 : vector<16xi32>
      %swap3A_584 = arith.constant 0 : index
      %swap3A_585 = tpu.vector_load %arg17[%swap3A_584] {strides = array<i32>} : memref<128xi32, #tpu.memory_space<vmem>>, vector<16xi32>,
      %swap3A_586 = vector.shape_cast %swap3A_585 : vector<16xi32> to vector<16xi32>
      %swap3A_587 = vector.shape_cast %add3A_583 : vector<16xi32> to vector<16xi32>
      tpu.vector_store %arg17[%swap3A_584], %swap3A_587 {strides = array<i32>} : memref<128xi32, #tpu.memory_space<vmem>>, vector<16xi32>,
      %get3A_588 = arith.constant 1040 : index
      %get3A_589 = tpu.vector_load %arg7[%get3A_588] {strides = array<i32>} : memref<2048xi32, #tpu.memory_space<vmem>>, vector<16xi32>,
      %get3A_590 = vector.shape_cast %get3A_589 : vector<16xi32> to vector<16xi32>
      %add3A_591 = vector.broadcast %mul3A_4 : i32 to vector<16xi32>
      %add3A_592 = arith.addi %get3A_590, %add3A_591 : vector<16xi32>
      %swap3A_593 = arith.constant 16 : index
      %swap3A_594 = tpu.vector_load %arg17[%swap3A_593] {strides = array<i32>} : memref<128xi32, #tpu.memory_space<vmem>>, vector<16xi32>,
      %swap3A_595 = vector.shape_cast %swap3A_594 : vector<16xi32> to vector<16xi32>
      %swap3A_596 = vector.shape_cast %add3A_592 : vector<16xi32> to vector<16xi32>
      tpu.vector_store %arg17[%swap3A_593], %swap3A_596 {strides = array<i32>} : memref<128xi32, #tpu.memory_space<vmem>>, vector<16xi32>,
      %get3A_597 = arith.constant 1056 : index
      %get3A_598 = tpu.vector_load %arg7[%get3A_597] {strides = array<i32>} : memref<2048xi32, #tpu.memory_space<vmem>>, vector<16xi32>,
      %get3A_599 = vector.shape_cast %get3A_598 : vector<16xi32> to vector<16xi32>
      %add3A_600 = vector.broadcast %mul3A_4 : i32 to vector<16xi32>
      %add3A_601 = arith.addi %get3A_599, %add3A_600 : vector<16xi32>
      %swap3A_602 = arith.constant 32 : index
      %swap3A_603 = tpu.vector_load %arg17[%swap3A_602] {strides = array<i32>} : memref<128xi32, #tpu.memory_space<vmem>>, vector<16xi32>,
      %swap3A_604 = vector.shape_cast %swap3A_603 : vector<16xi32> to vector<16xi32>
      %swap3A_605 = vector.shape_cast %add3A_601 : vector<16xi32> to vector<16xi32>
      tpu.vector_store %arg17[%swap3A_602], %swap3A_605 {strides = array<i32>} : memref<128xi32, #tpu.memory_space<vmem>>, vector<16xi32>,
      %get3A_606 = arith.constant 1072 : index
      %get3A_607 = tpu.vector_load %arg7[%get3A_606] {strides = array<i32>} : memref<2048xi32, #tpu.memory_space<vmem>>, vector<16xi32>,
      %get3A_608 = vector.shape_cast %get3A_607 : vector<16xi32> to vector<16xi32>
      %add3A_609 = vector.broadcast %mul3A_4 : i32 to vector<16xi32>
      %add3A_610 = arith.addi %get3A_608, %add3A_609 : vector<16xi32>
      %swap3A_611 = arith.constant 48 : index
      %swap3A_612 = tpu.vector_load %arg17[%swap3A_611] {strides = array<i32>} : memref<128xi32, #tpu.memory_space<vmem>>, vector<16xi32>,
      %swap3A_613 = vector.shape_cast %swap3A_612 : vector<16xi32> to vector<16xi32>
      %swap3A_614 = vector.shape_cast %add3A_610 : vector<16xi32> to vector<16xi32>
      tpu.vector_store %arg17[%swap3A_611], %swap3A_614 {strides = array<i32>} : memref<128xi32, #tpu.memory_space<vmem>>, vector<16xi32>,
      %get3A_615 = arith.constant 1088 : index
      %get3A_616 = tpu.vector_load %arg7[%get3A_615] {strides = array<i32>} : memref<2048xi32, #tpu.memory_space<vmem>>, vector<16xi32>,
      %get3A_617 = vector.shape_cast %get3A_616 : vector<16xi32> to vector<16xi32>
      %add3A_618 = vector.broadcast %mul3A_4 : i32 to vector<16xi32>
      %add3A_619 = arith.addi %get3A_617, %add3A_618 : vector<16xi32>
      %swap3A_620 = arith.constant 64 : index
      %swap3A_621 = tpu.vector_load %arg17[%swap3A_620] {strides = array<i32>} : memref<128xi32, #tpu.memory_space<vmem>>, vector<16xi32>,
      %swap3A_622 = vector.shape_cast %swap3A_621 : vector<16xi32> to vector<16xi32>
      %swap3A_623 = vector.shape_cast %add3A_619 : vector<16xi32> to vector<16xi32>
      tpu.vector_store %arg17[%swap3A_620], %swap3A_623 {strides = array<i32>} : memref<128xi32, #tpu.memory_space<vmem>>, vector<16xi32>,
      %get3A_624 = arith.constant 1104 : index
      %get3A_625 = tpu.vector_load %arg7[%get3A_624] {strides = array<i32>} : memref<2048xi32, #tpu.memory_space<vmem>>, vector<16xi32>,
      %get3A_626 = vector.shape_cast %get3A_625 : vector<16xi32> to vector<16xi32>
      %add3A_627 = vector.broadcast %mul3A_4 : i32 to vector<16xi32>
      %add3A_628 = arith.addi %get3A_626, %add3A_627 : vector<16xi32>
      %swap3A_629 = arith.constant 80 : index
      %swap3A_630 = tpu.vector_load %arg17[%swap3A_629] {strides = array<i32>} : memref<128xi32, #tpu.memory_space<vmem>>, vector<16xi32>,
      %swap3A_631 = vector.shape_cast %swap3A_630 : vector<16xi32> to vector<16xi32>
      %swap3A_632 = vector.shape_cast %add3A_628 : vector<16xi32> to vector<16xi32>
      tpu.vector_store %arg17[%swap3A_629], %swap3A_632 {strides = array<i32>} : memref<128xi32, #tpu.memory_space<vmem>>, vector<16xi32>,
      %get3A_633 = arith.constant 1120 : index
      %get3A_634 = tpu.vector_load %arg7[%get3A_633] {strides = array<i32>} : memref<2048xi32, #tpu.memory_space<vmem>>, vector<16xi32>,
      %get3A_635 = vector.shape_cast %get3A_634 : vector<16xi32> to vector<16xi32>
      %add3A_636 = vector.broadcast %mul3A_4 : i32 to vector<16xi32>
      %add3A_637 = arith.addi %get3A_635, %add3A_636 : vector<16xi32>
      %swap3A_638 = arith.constant 96 : index
      %swap3A_639 = tpu.vector_load %arg17[%swap3A_638] {strides = array<i32>} : memref<128xi32, #tpu.memory_space<vmem>>, vector<16xi32>,
      %swap3A_640 = vector.shape_cast %swap3A_639 : vector<16xi32> to vector<16xi32>
      %swap3A_641 = vector.shape_cast %add3A_637 : vector<16xi32> to vector<16xi32>
      tpu.vector_store %arg17[%swap3A_638], %swap3A_641 {strides = array<i32>} : memref<128xi32, #tpu.memory_space<vmem>>, vector<16xi32>,
      %get3A_642 = arith.constant 1136 : index
      %get3A_643 = tpu.vector_load %arg7[%get3A_642] {strides = array<i32>} : memref<2048xi32, #tpu.memory_space<vmem>>, vector<16xi32>,
      %get3A_644 = vector.shape_cast %get3A_643 : vector<16xi32> to vector<16xi32>
      %add3A_645 = vector.broadcast %mul3A_4 : i32 to vector<16xi32>
      %add3A_646 = arith.addi %get3A_644, %add3A_645 : vector<16xi32>
      %swap3A_647 = arith.constant 112 : index
      %swap3A_648 = tpu.vector_load %arg17[%swap3A_647] {strides = array<i32>} : memref<128xi32, #tpu.memory_space<vmem>>, vector<16xi32>,
      %swap3A_649 = vector.shape_cast %swap3A_648 : vector<16xi32> to vector<16xi32>
      %swap3A_650 = vector.shape_cast %add3A_646 : vector<16xi32> to vector<16xi32>
      tpu.vector_store %arg17[%swap3A_647], %swap3A_650 {strides = array<i32>} : memref<128xi32, #tpu.memory_space<vmem>>, vector<16xi32>,
      %get3A_651 = arith.constant 1152 : index
      %get3A_652 = tpu.vector_load %arg7[%get3A_651] {strides = array<i32>} : memref<2048xi32, #tpu.memory_space<vmem>>, vector<16xi32>,
      %get3A_653 = vector.shape_cast %get3A_652 : vector<16xi32> to vector<16xi32>
      %add3A_654 = vector.broadcast %mul3A_4 : i32 to vector<16xi32>
      %add3A_655 = arith.addi %get3A_653, %add3A_654 : vector<16xi32>
      %swap3A_656 = arith.constant 0 : index
      %swap3A_657 = tpu.vector_load %arg18[%swap3A_656] {strides = array<i32>} : memref<128xi32, #tpu.memory_space<vmem>>, vector<16xi32>,
      %swap3A_658 = vector.shape_cast %swap3A_657 : vector<16xi32> to vector<16xi32>
      %swap3A_659 = vector.shape_cast %add3A_655 : vector<16xi32> to vector<16xi32>
      tpu.vector_store %arg18[%swap3A_656], %swap3A_659 {strides = array<i32>} : memref<128xi32, #tpu.memory_space<vmem>>, vector<16xi32>,
      %get3A_660 = arith.constant 1168 : index
      %get3A_661 = tpu.vector_load %arg7[%get3A_660] {strides = array<i32>} : memref<2048xi32, #tpu.memory_space<vmem>>, vector<16xi32>,
      %get3A_662 = vector.shape_cast %get3A_661 : vector<16xi32> to vector<16xi32>
      %add3A_663 = vector.broadcast %mul3A_4 : i32 to vector<16xi32>
      %add3A_664 = arith.addi %get3A_662, %add3A_663 : vector<16xi32>
      %swap3A_665 = arith.constant 16 : index
      %swap3A_666 = tpu.vector_load %arg18[%swap3A_665] {strides = array<i32>} : memref<128xi32, #tpu.memory_space<vmem>>, vector<16xi32>,
      %swap3A_667 = vector.shape_cast %swap3A_666 : vector<16xi32> to vector<16xi32>
      %swap3A_668 = vector.shape_cast %add3A_664 : vector<16xi32> to vector<16xi32>
      tpu.vector_store %arg18[%swap3A_665], %swap3A_668 {strides = array<i32>} : memref<128xi32, #tpu.memory_space<vmem>>, vector<16xi32>,
      %get3A_669 = arith.constant 1184 : index
      %get3A_670 = tpu.vector_load %arg7[%get3A_669] {strides = array<i32>} : memref<2048xi32, #tpu.memory_space<vmem>>, vector<16xi32>,
      %get3A_671 = vector.shape_cast %get3A_670 : vector<16xi32> to vector<16xi32>
      %add3A_672 = vector.broadcast %mul3A_4 : i32 to vector<16xi32>
      %add3A_673 = arith.addi %get3A_671, %add3A_672 : vector<16xi32>
      %swap3A_674 = arith.constant 32 : index
      %swap3A_675 = tpu.vector_load %arg18[%swap3A_674] {strides = array<i32>} : memref<128xi32, #tpu.memory_space<vmem>>, vector<16xi32>,
      %swap3A_676 = vector.shape_cast %swap3A_675 : vector<16xi32> to vector<16xi32>
      %swap3A_677 = vector.shape_cast %add3A_673 : vector<16xi32> to vector<16xi32>
      tpu.vector_store %arg18[%swap3A_674], %swap3A_677 {strides = array<i32>} : memref<128xi32, #tpu.memory_space<vmem>>, vector<16xi32>,
      %get3A_678 = arith.constant 1200 : index
      %get3A_679 = tpu.vector_load %arg7[%get3A_678] {strides = array<i32>} : memref<2048xi32, #tpu.memory_space<vmem>>, vector<16xi32>,
      %get3A_680 = vector.shape_cast %get3A_679 : vector<16xi32> to vector<16xi32>
      %add3A_681 = vector.broadcast %mul3A_4 : i32 to vector<16xi32>
      %add3A_682 = arith.addi %get3A_680, %add3A_681 : vector<16xi32>
      %swap3A_683 = arith.constant 48 : index
      %swap3A_684 = tpu.vector_load %arg18[%swap3A_683] {strides = array<i32>} : memref<128xi32, #tpu.memory_space<vmem>>, vector<16xi32>,
      %swap3A_685 = vector.shape_cast %swap3A_684 : vector<16xi32> to vector<16xi32>
      %swap3A_686 = vector.shape_cast %add3A_682 : vector<16xi32> to vector<16xi32>
      tpu.vector_store %arg18[%swap3A_683], %swap3A_686 {strides = array<i32>} : memref<128xi32, #tpu.memory_space<vmem>>, vector<16xi32>,
      %get3A_687 = arith.constant 1216 : index
      %get3A_688 = tpu.vector_load %arg7[%get3A_687] {strides = array<i32>} : memref<2048xi32, #tpu.memory_space<vmem>>, vector<16xi32>,
      %get3A_689 = vector.shape_cast %get3A_688 : vector<16xi32> to vector<16xi32>
      %add3A_690 = vector.broadcast %mul3A_4 : i32 to vector<16xi32>
      %add3A_691 = arith.addi %get3A_689, %add3A_690 : vector<16xi32>
      %swap3A_692 = arith.constant 64 : index
      %swap3A_693 = tpu.vector_load %arg18[%swap3A_692] {strides = array<i32>} : memref<128xi32, #tpu.memory_space<vmem>>, vector<16xi32>,
      %swap3A_694 = vector.shape_cast %swap3A_693 : vector<16xi32> to vector<16xi32>
      %swap3A_695 = vector.shape_cast %add3A_691 : vector<16xi32> to vector<16xi32>
      tpu.vector_store %arg18[%swap3A_692], %swap3A_695 {strides = array<i32>} : memref<128xi32, #tpu.memory_space<vmem>>, vector<16xi32>,
      %get3A_696 = arith.constant 1232 : index
      %get3A_697 = tpu.vector_load %arg7[%get3A_696] {strides = array<i32>} : memref<2048xi32, #tpu.memory_space<vmem>>, vector<16xi32>,
      %get3A_698 = vector.shape_cast %get3A_697 : vector<16xi32> to vector<16xi32>
      %add3A_699 = vector.broadcast %mul3A_4 : i32 to vector<16xi32>
      %add3A_700 = arith.addi %get3A_698, %add3A_699 : vector<16xi32>
      %swap3A_701 = arith.constant 80 : index
      %swap3A_702 = tpu.vector_load %arg18[%swap3A_701] {strides = array<i32>} : memref<128xi32, #tpu.memory_space<vmem>>, vector<16xi32>,
      %swap3A_703 = vector.shape_cast %swap3A_702 : vector<16xi32> to vector<16xi32>
      %swap3A_704 = vector.shape_cast %add3A_700 : vector<16xi32> to vector<16xi32>
      tpu.vector_store %arg18[%swap3A_701], %swap3A_704 {strides = array<i32>} : memref<128xi32, #tpu.memory_space<vmem>>, vector<16xi32>,
      %get3A_705 = arith.constant 1248 : index
      %get3A_706 = tpu.vector_load %arg7[%get3A_705] {strides = array<i32>} : memref<2048xi32, #tpu.memory_space<vmem>>, vector<16xi32>,
      %get3A_707 = vector.shape_cast %get3A_706 : vector<16xi32> to vector<16xi32>
      %add3A_708 = vector.broadcast %mul3A_4 : i32 to vector<16xi32>
      %add3A_709 = arith.addi %get3A_707, %add3A_708 : vector<16xi32>
      %swap3A_710 = arith.constant 96 : index
      %swap3A_711 = tpu.vector_load %arg18[%swap3A_710] {strides = array<i32>} : memref<128xi32, #tpu.memory_space<vmem>>, vector<16xi32>,
      %swap3A_712 = vector.shape_cast %swap3A_711 : vector<16xi32> to vector<16xi32>
      %swap3A_713 = vector.shape_cast %add3A_709 : vector<16xi32> to vector<16xi32>
      tpu.vector_store %arg18[%swap3A_710], %swap3A_713 {strides = array<i32>} : memref<128xi32, #tpu.memory_space<vmem>>, vector<16xi32>,
      %get3A_714 = arith.constant 1264 : index
      %get3A_715 = tpu.vector_load %arg7[%get3A_714] {strides = array<i32>} : memref<2048xi32, #tpu.memory_space<vmem>>, vector<16xi32>,
      %get3A_716 = vector.shape_cast %get3A_715 : vector<16xi32> to vector<16xi32>
      %add3A_717 = vector.broadcast %mul3A_4 : i32 to vector<16xi32>
      %add3A_718 = arith.addi %get3A_716, %add3A_717 : vector<16xi32>
      %swap3A_719 = arith.constant 112 : index
      %swap3A_720 = tpu.vector_load %arg18[%swap3A_719] {strides = array<i32>} : memref<128xi32, #tpu.memory_space<vmem>>, vector<16xi32>,
      %swap3A_721 = vector.shape_cast %swap3A_720 : vector<16xi32> to vector<16xi32>
      %swap3A_722 = vector.shape_cast %add3A_718 : vector<16xi32> to vector<16xi32>
      tpu.vector_store %arg18[%swap3A_719], %swap3A_722 {strides = array<i32>} : memref<128xi32, #tpu.memory_space<vmem>>, vector<16xi32>,
      %get3A_723 = arith.constant 1280 : index
      %get3A_724 = tpu.vector_load %arg7[%get3A_723] {strides = array<i32>} : memref<2048xi32, #tpu.memory_space<vmem>>, vector<16xi32>,
      %get3A_725 = vector.shape_cast %get3A_724 : vector<16xi32> to vector<16xi32>
      %add3A_726 = vector.broadcast %mul3A_4 : i32 to vector<16xi32>
      %add3A_727 = arith.addi %get3A_725, %add3A_726 : vector<16xi32>
      %swap3A_728 = arith.constant 0 : index
      %swap3A_729 = tpu.vector_load %arg19[%swap3A_728] {strides = array<i32>} : memref<128xi32, #tpu.memory_space<vmem>>, vector<16xi32>,
      %swap3A_730 = vector.shape_cast %swap3A_729 : vector<16xi32> to vector<16xi32>
      %swap3A_731 = vector.shape_cast %add3A_727 : vector<16xi32> to vector<16xi32>
      tpu.vector_store %arg19[%swap3A_728], %swap3A_731 {strides = array<i32>} : memref<128xi32, #tpu.memory_space<vmem>>, vector<16xi32>,
      %get3A_732 = arith.constant 1296 : index
      %get3A_733 = tpu.vector_load %arg7[%get3A_732] {strides = array<i32>} : memref<2048xi32, #tpu.memory_space<vmem>>, vector<16xi32>,
      %get3A_734 = vector.shape_cast %get3A_733 : vector<16xi32> to vector<16xi32>
      %add3A_735 = vector.broadcast %mul3A_4 : i32 to vector<16xi32>
      %add3A_736 = arith.addi %get3A_734, %add3A_735 : vector<16xi32>
      %swap3A_737 = arith.constant 16 : index
      %swap3A_738 = tpu.vector_load %arg19[%swap3A_737] {strides = array<i32>} : memref<128xi32, #tpu.memory_space<vmem>>, vector<16xi32>,
      %swap3A_739 = vector.shape_cast %swap3A_738 : vector<16xi32> to vector<16xi32>
      %swap3A_740 = vector.shape_cast %add3A_736 : vector<16xi32> to vector<16xi32>
      tpu.vector_store %arg19[%swap3A_737], %swap3A_740 {strides = array<i32>} : memref<128xi32, #tpu.memory_space<vmem>>, vector<16xi32>,
      %get3A_741 = arith.constant 1312 : index
      %get3A_742 = tpu.vector_load %arg7[%get3A_741] {strides = array<i32>} : memref<2048xi32, #tpu.memory_space<vmem>>, vector<16xi32>,
      %get3A_743 = vector.shape_cast %get3A_742 : vector<16xi32> to vector<16xi32>
      %add3A_744 = vector.broadcast %mul3A_4 : i32 to vector<16xi32>
      %add3A_745 = arith.addi %get3A_743, %add3A_744 : vector<16xi32>
      %swap3A_746 = arith.constant 32 : index
      %swap3A_747 = tpu.vector_load %arg19[%swap3A_746] {strides = array<i32>} : memref<128xi32, #tpu.memory_space<vmem>>, vector<16xi32>,
      %swap3A_748 = vector.shape_cast %swap3A_747 : vector<16xi32> to vector<16xi32>
      %swap3A_749 = vector.shape_cast %add3A_745 : vector<16xi32> to vector<16xi32>
      tpu.vector_store %arg19[%swap3A_746], %swap3A_749 {strides = array<i32>} : memref<128xi32, #tpu.memory_space<vmem>>, vector<16xi32>,
      %get3A_750 = arith.constant 1328 : index
      %get3A_751 = tpu.vector_load %arg7[%get3A_750] {strides = array<i32>} : memref<2048xi32, #tpu.memory_space<vmem>>, vector<16xi32>,
      %get3A_752 = vector.shape_cast %get3A_751 : vector<16xi32> to vector<16xi32>
      %add3A_753 = vector.broadcast %mul3A_4 : i32 to vector<16xi32>
      %add3A_754 = arith.addi %get3A_752, %add3A_753 : vector<16xi32>
      %swap3A_755 = arith.constant 48 : index
      %swap3A_756 = tpu.vector_load %arg19[%swap3A_755] {strides = array<i32>} : memref<128xi32, #tpu.memory_space<vmem>>, vector<16xi32>,
      %swap3A_757 = vector.shape_cast %swap3A_756 : vector<16xi32> to vector<16xi32>
      %swap3A_758 = vector.shape_cast %add3A_754 : vector<16xi32> to vector<16xi32>
      tpu.vector_store %arg19[%swap3A_755], %swap3A_758 {strides = array<i32>} : memref<128xi32, #tpu.memory_space<vmem>>, vector<16xi32>,
      %get3A_759 = arith.constant 1344 : index
      %get3A_760 = tpu.vector_load %arg7[%get3A_759] {strides = array<i32>} : memref<2048xi32, #tpu.memory_space<vmem>>, vector<16xi32>,
      %get3A_761 = vector.shape_cast %get3A_760 : vector<16xi32> to vector<16xi32>
      %add3A_762 = vector.broadcast %mul3A_4 : i32 to vector<16xi32>
      %add3A_763 = arith.addi %get3A_761, %add3A_762 : vector<16xi32>
      %swap3A_764 = arith.constant 64 : index
      %swap3A_765 = tpu.vector_load %arg19[%swap3A_764] {strides = array<i32>} : memref<128xi32, #tpu.memory_space<vmem>>, vector<16xi32>,
      %swap3A_766 = vector.shape_cast %swap3A_765 : vector<16xi32> to vector<16xi32>
      %swap3A_767 = vector.shape_cast %add3A_763 : vector<16xi32> to vector<16xi32>
      tpu.vector_store %arg19[%swap3A_764], %swap3A_767 {strides = array<i32>} : memref<128xi32, #tpu.memory_space<vmem>>, vector<16xi32>,
      %get3A_768 = arith.constant 1360 : index
      %get3A_769 = tpu.vector_load %arg7[%get3A_768] {strides = array<i32>} : memref<2048xi32, #tpu.memory_space<vmem>>, vector<16xi32>,
      %get3A_770 = vector.shape_cast %get3A_769 : vector<16xi32> to vector<16xi32>
      %add3A_771 = vector.broadcast %mul3A_4 : i32 to vector<16xi32>
      %add3A_772 = arith.addi %get3A_770, %add3A_771 : vector<16xi32>
      %swap3A_773 = arith.constant 80 : index
      %swap3A_774 = tpu.vector_load %arg19[%swap3A_773] {strides = array<i32>} : memref<128xi32, #tpu.memory_space<vmem>>, vector<16xi32>,
      %swap3A_775 = vector.shape_cast %swap3A_774 : vector<16xi32> to vector<16xi32>
      %swap3A_776 = vector.shape_cast %add3A_772 : vector<16xi32> to vector<16xi32>
      tpu.vector_store %arg19[%swap3A_773], %swap3A_776 {strides = array<i32>} : memref<128xi32, #tpu.memory_space<vmem>>, vector<16xi32>,
      %get3A_777 = arith.constant 1376 : index
      %get3A_778 = tpu.vector_load %arg7[%get3A_777] {strides = array<i32>} : memref<2048xi32, #tpu.memory_space<vmem>>, vector<16xi32>,
      %get3A_779 = vector.shape_cast %get3A_778 : vector<16xi32> to vector<16xi32>
      %add3A_780 = vector.broadcast %mul3A_4 : i32 to vector<16xi32>
      %add3A_781 = arith.addi %get3A_779, %add3A_780 : vector<16xi32>
      %swap3A_782 = arith.constant 96 : index
      %swap3A_783 = tpu.vector_load %arg19[%swap3A_782] {strides = array<i32>} : memref<128xi32, #tpu.memory_space<vmem>>, vector<16xi32>,
      %swap3A_784 = vector.shape_cast %swap3A_783 : vector<16xi32> to vector<16xi32>
      %swap3A_785 = vector.shape_cast %add3A_781 : vector<16xi32> to vector<16xi32>
      tpu.vector_store %arg19[%swap3A_782], %swap3A_785 {strides = array<i32>} : memref<128xi32, #tpu.memory_space<vmem>>, vector<16xi32>,
      %get3A_786 = arith.constant 1392 : index
      %get3A_787 = tpu.vector_load %arg7[%get3A_786] {strides = array<i32>} : memref<2048xi32, #tpu.memory_space<vmem>>, vector<16xi32>,
      %get3A_788 = vector.shape_cast %get3A_787 : vector<16xi32> to vector<16xi32>
      %add3A_789 = vector.broadcast %mul3A_4 : i32 to vector<16xi32>
      %add3A_790 = arith.addi %get3A_788, %add3A_789 : vector<16xi32>
      %swap3A_791 = arith.constant 112 : index
      %swap3A_792 = tpu.vector_load %arg19[%swap3A_791] {strides = array<i32>} : memref<128xi32, #tpu.memory_space<vmem>>, vector<16xi32>,
      %swap3A_793 = vector.shape_cast %swap3A_792 : vector<16xi32> to vector<16xi32>
      %swap3A_794 = vector.shape_cast %add3A_790 : vector<16xi32> to vector<16xi32>
      tpu.vector_store %arg19[%swap3A_791], %swap3A_794 {strides = array<i32>} : memref<128xi32, #tpu.memory_space<vmem>>, vector<16xi32>,
      %get3A_795 = arith.constant 1408 : index
      %get3A_796 = tpu.vector_load %arg7[%get3A_795] {strides = array<i32>} : memref<2048xi32, #tpu.memory_space<vmem>>, vector<16xi32>,
      %get3A_797 = vector.shape_cast %get3A_796 : vector<16xi32> to vector<16xi32>
      %add3A_798 = vector.broadcast %mul3A_4 : i32 to vector<16xi32>
      %add3A_799 = arith.addi %get3A_797, %add3A_798 : vector<16xi32>
      %swap3A_800 = arith.constant 0 : index
      %swap3A_801 = tpu.vector_load %arg20[%swap3A_800] {strides = array<i32>} : memref<128xi32, #tpu.memory_space<vmem>>, vector<16xi32>,
      %swap3A_802 = vector.shape_cast %swap3A_801 : vector<16xi32> to vector<16xi32>
      %swap3A_803 = vector.shape_cast %add3A_799 : vector<16xi32> to vector<16xi32>
      tpu.vector_store %arg20[%swap3A_800], %swap3A_803 {strides = array<i32>} : memref<128xi32, #tpu.memory_space<vmem>>, vector<16xi32>,
      %get3A_804 = arith.constant 1424 : index
      %get3A_805 = tpu.vector_load %arg7[%get3A_804] {strides = array<i32>} : memref<2048xi32, #tpu.memory_space<vmem>>, vector<16xi32>,
      %get3A_806 = vector.shape_cast %get3A_805 : vector<16xi32> to vector<16xi32>
      %add3A_807 = vector.broadcast %mul3A_4 : i32 to vector<16xi32>
      %add3A_808 = arith.addi %get3A_806, %add3A_807 : vector<16xi32>
      %swap3A_809 = arith.constant 16 : index
      %swap3A_810 = tpu.vector_load %arg20[%swap3A_809] {strides = array<i32>} : memref<128xi32, #tpu.memory_space<vmem>>, vector<16xi32>,
      %swap3A_811 = vector.shape_cast %swap3A_810 : vector<16xi32> to vector<16xi32>
      %swap3A_812 = vector.shape_cast %add3A_808 : vector<16xi32> to vector<16xi32>
      tpu.vector_store %arg20[%swap3A_809], %swap3A_812 {strides = array<i32>} : memref<128xi32, #tpu.memory_space<vmem>>, vector<16xi32>,
      %get3A_813 = arith.constant 1440 : index
      %get3A_814 = tpu.vector_load %arg7[%get3A_813] {strides = array<i32>} : memref<2048xi32, #tpu.memory_space<vmem>>, vector<16xi32>,
      %get3A_815 = vector.shape_cast %get3A_814 : vector<16xi32> to vector<16xi32>
      %add3A_816 = vector.broadcast %mul3A_4 : i32 to vector<16xi32>
      %add3A_817 = arith.addi %get3A_815, %add3A_816 : vector<16xi32>
      %swap3A_818 = arith.constant 32 : index
      %swap3A_819 = tpu.vector_load %arg20[%swap3A_818] {strides = array<i32>} : memref<128xi32, #tpu.memory_space<vmem>>, vector<16xi32>,
      %swap3A_820 = vector.shape_cast %swap3A_819 : vector<16xi32> to vector<16xi32>
      %swap3A_821 = vector.shape_cast %add3A_817 : vector<16xi32> to vector<16xi32>
      tpu.vector_store %arg20[%swap3A_818], %swap3A_821 {strides = array<i32>} : memref<128xi32, #tpu.memory_space<vmem>>, vector<16xi32>,
      %get3A_822 = arith.constant 1456 : index
      %get3A_823 = tpu.vector_load %arg7[%get3A_822] {strides = array<i32>} : memref<2048xi32, #tpu.memory_space<vmem>>, vector<16xi32>,
      %get3A_824 = vector.shape_cast %get3A_823 : vector<16xi32> to vector<16xi32>
      %add3A_825 = vector.broadcast %mul3A_4 : i32 to vector<16xi32>
      %add3A_826 = arith.addi %get3A_824, %add3A_825 : vector<16xi32>
      %swap3A_827 = arith.constant 48 : index
      %swap3A_828 = tpu.vector_load %arg20[%swap3A_827] {strides = array<i32>} : memref<128xi32, #tpu.memory_space<vmem>>, vector<16xi32>,
      %swap3A_829 = vector.shape_cast %swap3A_828 : vector<16xi32> to vector<16xi32>
      %swap3A_830 = vector.shape_cast %add3A_826 : vector<16xi32> to vector<16xi32>
      tpu.vector_store %arg20[%swap3A_827], %swap3A_830 {strides = array<i32>} : memref<128xi32, #tpu.memory_space<vmem>>, vector<16xi32>,
      %get3A_831 = arith.constant 1472 : index
      %get3A_832 = tpu.vector_load %arg7[%get3A_831] {strides = array<i32>} : memref<2048xi32, #tpu.memory_space<vmem>>, vector<16xi32>,
      %get3A_833 = vector.shape_cast %get3A_832 : vector<16xi32> to vector<16xi32>
      %add3A_834 = vector.broadcast %mul3A_4 : i32 to vector<16xi32>
      %add3A_835 = arith.addi %get3A_833, %add3A_834 : vector<16xi32>
      %swap3A_836 = arith.constant 64 : index
      %swap3A_837 = tpu.vector_load %arg20[%swap3A_836] {strides = array<i32>} : memref<128xi32, #tpu.memory_space<vmem>>, vector<16xi32>,
      %swap3A_838 = vector.shape_cast %swap3A_837 : vector<16xi32> to vector<16xi32>
      %swap3A_839 = vector.shape_cast %add3A_835 : vector<16xi32> to vector<16xi32>
      tpu.vector_store %arg20[%swap3A_836], %swap3A_839 {strides = array<i32>} : memref<128xi32, #tpu.memory_space<vmem>>, vector<16xi32>,
      %get3A_840 = arith.constant 1488 : index
      %get3A_841 = tpu.vector_load %arg7[%get3A_840] {strides = array<i32>} : memref<2048xi32, #tpu.memory_space<vmem>>, vector<16xi32>,
      %get3A_842 = vector.shape_cast %get3A_841 : vector<16xi32> to vector<16xi32>
      %add3A_843 = vector.broadcast %mul3A_4 : i32 to vector<16xi32>
      %add3A_844 = arith.addi %get3A_842, %add3A_843 : vector<16xi32>
      %swap3A_845 = arith.constant 80 : index
      %swap3A_846 = tpu.vector_load %arg20[%swap3A_845] {strides = array<i32>} : memref<128xi32, #tpu.memory_space<vmem>>, vector<16xi32>,
      %swap3A_847 = vector.shape_cast %swap3A_846 : vector<16xi32> to vector<16xi32>
      %swap3A_848 = vector.shape_cast %add3A_844 : vector<16xi32> to vector<16xi32>
      tpu.vector_store %arg20[%swap3A_845], %swap3A_848 {strides = array<i32>} : memref<128xi32, #tpu.memory_space<vmem>>, vector<16xi32>,
      %get3A_849 = arith.constant 1504 : index
      %get3A_850 = tpu.vector_load %arg7[%get3A_849] {strides = array<i32>} : memref<2048xi32, #tpu.memory_space<vmem>>, vector<16xi32>,
      %get3A_851 = vector.shape_cast %get3A_850 : vector<16xi32> to vector<16xi32>
      %add3A_852 = vector.broadcast %mul3A_4 : i32 to vector<16xi32>
      %add3A_853 = arith.addi %get3A_851, %add3A_852 : vector<16xi32>
      %swap3A_854 = arith.constant 96 : index
      %swap3A_855 = tpu.vector_load %arg20[%swap3A_854] {strides = array<i32>} : memref<128xi32, #tpu.memory_space<vmem>>, vector<16xi32>,
      %swap3A_856 = vector.shape_cast %swap3A_855 : vector<16xi32> to vector<16xi32>
      %swap3A_857 = vector.shape_cast %add3A_853 : vector<16xi32> to vector<16xi32>
      tpu.vector_store %arg20[%swap3A_854], %swap3A_857 {strides = array<i32>} : memref<128xi32, #tpu.memory_space<vmem>>, vector<16xi32>,
      %get3A_858 = arith.constant 1520 : index
      %get3A_859 = tpu.vector_load %arg7[%get3A_858] {strides = array<i32>} : memref<2048xi32, #tpu.memory_space<vmem>>, vector<16xi32>,
      %get3A_860 = vector.shape_cast %get3A_859 : vector<16xi32> to vector<16xi32>
      %add3A_861 = vector.broadcast %mul3A_4 : i32 to vector<16xi32>
      %add3A_862 = arith.addi %get3A_860, %add3A_861 : vector<16xi32>
      %swap3A_863 = arith.constant 112 : index
      %swap3A_864 = tpu.vector_load %arg20[%swap3A_863] {strides = array<i32>} : memref<128xi32, #tpu.memory_space<vmem>>, vector<16xi32>,
      %swap3A_865 = vector.shape_cast %swap3A_864 : vector<16xi32> to vector<16xi32>
      %swap3A_866 = vector.shape_cast %add3A_862 : vector<16xi32> to vector<16xi32>
      tpu.vector_store %arg20[%swap3A_863], %swap3A_866 {strides = array<i32>} : memref<128xi32, #tpu.memory_space<vmem>>, vector<16xi32>,
      %get3A_867 = arith.constant 1536 : index
      %get3A_868 = tpu.vector_load %arg7[%get3A_867] {strides = array<i32>} : memref<2048xi32, #tpu.memory_space<vmem>>, vector<16xi32>,
      %get3A_869 = vector.shape_cast %get3A_868 : vector<16xi32> to vector<16xi32>
      %add3A_870 = vector.broadcast %mul3A_4 : i32 to vector<16xi32>
      %add3A_871 = arith.addi %get3A_869, %add3A_870 : vector<16xi32>
      %swap3A_872 = arith.constant 0 : index
      %swap3A_873 = tpu.vector_load %arg21[%swap3A_872] {strides = array<i32>} : memref<128xi32, #tpu.memory_space<vmem>>, vector<16xi32>,
      %swap3A_874 = vector.shape_cast %swap3A_873 : vector<16xi32> to vector<16xi32>
      %swap3A_875 = vector.shape_cast %add3A_871 : vector<16xi32> to vector<16xi32>
      tpu.vector_store %arg21[%swap3A_872], %swap3A_875 {strides = array<i32>} : memref<128xi32, #tpu.memory_space<vmem>>, vector<16xi32>,
      %get3A_876 = arith.constant 1552 : index
      %get3A_877 = tpu.vector_load %arg7[%get3A_876] {strides = array<i32>} : memref<2048xi32, #tpu.memory_space<vmem>>, vector<16xi32>,
      %get3A_878 = vector.shape_cast %get3A_877 : vector<16xi32> to vector<16xi32>
      %add3A_879 = vector.broadcast %mul3A_4 : i32 to vector<16xi32>
      %add3A_880 = arith.addi %get3A_878, %add3A_879 : vector<16xi32>
      %swap3A_881 = arith.constant 16 : index
      %swap3A_882 = tpu.vector_load %arg21[%swap3A_881] {strides = array<i32>} : memref<128xi32, #tpu.memory_space<vmem>>, vector<16xi32>,
      %swap3A_883 = vector.shape_cast %swap3A_882 : vector<16xi32> to vector<16xi32>
      %swap3A_884 = vector.shape_cast %add3A_880 : vector<16xi32> to vector<16xi32>
      tpu.vector_store %arg21[%swap3A_881], %swap3A_884 {strides = array<i32>} : memref<128xi32, #tpu.memory_space<vmem>>, vector<16xi32>,
      %get3A_885 = arith.constant 1568 : index
      %get3A_886 = tpu.vector_load %arg7[%get3A_885] {strides = array<i32>} : memref<2048xi32, #tpu.memory_space<vmem>>, vector<16xi32>,
      %get3A_887 = vector.shape_cast %get3A_886 : vector<16xi32> to vector<16xi32>
      %add3A_888 = vector.broadcast %mul3A_4 : i32 to vector<16xi32>
      %add3A_889 = arith.addi %get3A_887, %add3A_888 : vector<16xi32>
      %swap3A_890 = arith.constant 32 : index
      %swap3A_891 = tpu.vector_load %arg21[%swap3A_890] {strides = array<i32>} : memref<128xi32, #tpu.memory_space<vmem>>, vector<16xi32>,
      %swap3A_892 = vector.shape_cast %swap3A_891 : vector<16xi32> to vector<16xi32>
      %swap3A_893 = vector.shape_cast %add3A_889 : vector<16xi32> to vector<16xi32>
      tpu.vector_store %arg21[%swap3A_890], %swap3A_893 {strides = array<i32>} : memref<128xi32, #tpu.memory_space<vmem>>, vector<16xi32>,
      %get3A_894 = arith.constant 1584 : index
      %get3A_895 = tpu.vector_load %arg7[%get3A_894] {strides = array<i32>} : memref<2048xi32, #tpu.memory_space<vmem>>, vector<16xi32>,
      %get3A_896 = vector.shape_cast %get3A_895 : vector<16xi32> to vector<16xi32>
      %add3A_897 = vector.broadcast %mul3A_4 : i32 to vector<16xi32>
      %add3A_898 = arith.addi %get3A_896, %add3A_897 : vector<16xi32>
      %swap3A_899 = arith.constant 48 : index
      %swap3A_900 = tpu.vector_load %arg21[%swap3A_899] {strides = array<i32>} : memref<128xi32, #tpu.memory_space<vmem>>, vector<16xi32>,
      %swap3A_901 = vector.shape_cast %swap3A_900 : vector<16xi32> to vector<16xi32>
      %swap3A_902 = vector.shape_cast %add3A_898 : vector<16xi32> to vector<16xi32>
      tpu.vector_store %arg21[%swap3A_899], %swap3A_902 {strides = array<i32>} : memref<128xi32, #tpu.memory_space<vmem>>, vector<16xi32>,
      %get3A_903 = arith.constant 1600 : index
      %get3A_904 = tpu.vector_load %arg7[%get3A_903] {strides = array<i32>} : memref<2048xi32, #tpu.memory_space<vmem>>, vector<16xi32>,
      %get3A_905 = vector.shape_cast %get3A_904 : vector<16xi32> to vector<16xi32>
      %add3A_906 = vector.broadcast %mul3A_4 : i32 to vector<16xi32>
      %add3A_907 = arith.addi %get3A_905, %add3A_906 : vector<16xi32>
      %swap3A_908 = arith.constant 64 : index
      %swap3A_909 = tpu.vector_load %arg21[%swap3A_908] {strides = array<i32>} : memref<128xi32, #tpu.memory_space<vmem>>, vector<16xi32>,
      %swap3A_910 = vector.shape_cast %swap3A_909 : vector<16xi32> to vector<16xi32>
      %swap3A_911 = vector.shape_cast %add3A_907 : vector<16xi32> to vector<16xi32>
      tpu.vector_store %arg21[%swap3A_908], %swap3A_911 {strides = array<i32>} : memref<128xi32, #tpu.memory_space<vmem>>, vector<16xi32>,
      %get3A_912 = arith.constant 1616 : index
      %get3A_913 = tpu.vector_load %arg7[%get3A_912] {strides = array<i32>} : memref<2048xi32, #tpu.memory_space<vmem>>, vector<16xi32>,
      %get3A_914 = vector.shape_cast %get3A_913 : vector<16xi32> to vector<16xi32>
      %add3A_915 = vector.broadcast %mul3A_4 : i32 to vector<16xi32>
      %add3A_916 = arith.addi %get3A_914, %add3A_915 : vector<16xi32>
      %swap3A_917 = arith.constant 80 : index
      %swap3A_918 = tpu.vector_load %arg21[%swap3A_917] {strides = array<i32>} : memref<128xi32, #tpu.memory_space<vmem>>, vector<16xi32>,
      %swap3A_919 = vector.shape_cast %swap3A_918 : vector<16xi32> to vector<16xi32>
      %swap3A_920 = vector.shape_cast %add3A_916 : vector<16xi32> to vector<16xi32>
      tpu.vector_store %arg21[%swap3A_917], %swap3A_920 {strides = array<i32>} : memref<128xi32, #tpu.memory_space<vmem>>, vector<16xi32>,
      %get3A_921 = arith.constant 1632 : index
      %get3A_922 = tpu.vector_load %arg7[%get3A_921] {strides = array<i32>} : memref<2048xi32, #tpu.memory_space<vmem>>, vector<16xi32>,
      %get3A_923 = vector.shape_cast %get3A_922 : vector<16xi32> to vector<16xi32>
      %add3A_924 = vector.broadcast %mul3A_4 : i32 to vector<16xi32>
      %add3A_925 = arith.addi %get3A_923, %add3A_924 : vector<16xi32>
      %swap3A_926 = arith.constant 96 : index
      %swap3A_927 = tpu.vector_load %arg21[%swap3A_926] {strides = array<i32>} : memref<128xi32, #tpu.memory_space<vmem>>, vector<16xi32>,
      %swap3A_928 = vector.shape_cast %swap3A_927 : vector<16xi32> to vector<16xi32>
      %swap3A_929 = vector.shape_cast %add3A_925 : vector<16xi32> to vector<16xi32>
      tpu.vector_store %arg21[%swap3A_926], %swap3A_929 {strides = array<i32>} : memref<128xi32, #tpu.memory_space<vmem>>, vector<16xi32>,
      %get3A_930 = arith.constant 1648 : index
      %get3A_931 = tpu.vector_load %arg7[%get3A_930] {strides = array<i32>} : memref<2048xi32, #tpu.memory_space<vmem>>, vector<16xi32>,
      %get3A_932 = vector.shape_cast %get3A_931 : vector<16xi32> to vector<16xi32>
      %add3A_933 = vector.broadcast %mul3A_4 : i32 to vector<16xi32>
      %add3A_934 = arith.addi %get3A_932, %add3A_933 : vector<16xi32>
      %swap3A_935 = arith.constant 112 : index
      %swap3A_936 = tpu.vector_load %arg21[%swap3A_935] {strides = array<i32>} : memref<128xi32, #tpu.memory_space<vmem>>, vector<16xi32>,
      %swap3A_937 = vector.shape_cast %swap3A_936 : vector<16xi32> to vector<16xi32>
      %swap3A_938 = vector.shape_cast %add3A_934 : vector<16xi32> to vector<16xi32>
      tpu.vector_store %arg21[%swap3A_935], %swap3A_938 {strides = array<i32>} : memref<128xi32, #tpu.memory_space<vmem>>, vector<16xi32>,
      %get3A_939 = arith.constant 1664 : index
      %get3A_940 = tpu.vector_load %arg7[%get3A_939] {strides = array<i32>} : memref<2048xi32, #tpu.memory_space<vmem>>, vector<16xi32>,
      %get3A_941 = vector.shape_cast %get3A_940 : vector<16xi32> to vector<16xi32>
      %add3A_942 = vector.broadcast %mul3A_4 : i32 to vector<16xi32>
      %add3A_943 = arith.addi %get3A_941, %add3A_942 : vector<16xi32>
      %swap3A_944 = arith.constant 0 : index
      %swap3A_945 = tpu.vector_load %arg22[%swap3A_944] {strides = array<i32>} : memref<128xi32, #tpu.memory_space<vmem>>, vector<16xi32>,
      %swap3A_946 = vector.shape_cast %swap3A_945 : vector<16xi32> to vector<16xi32>
      %swap3A_947 = vector.shape_cast %add3A_943 : vector<16xi32> to vector<16xi32>
      tpu.vector_store %arg22[%swap3A_944], %swap3A_947 {strides = array<i32>} : memref<128xi32, #tpu.memory_space<vmem>>, vector<16xi32>,
      %get3A_948 = arith.constant 1680 : index
      %get3A_949 = tpu.vector_load %arg7[%get3A_948] {strides = array<i32>} : memref<2048xi32, #tpu.memory_space<vmem>>, vector<16xi32>,
      %get3A_950 = vector.shape_cast %get3A_949 : vector<16xi32> to vector<16xi32>
      %add3A_951 = vector.broadcast %mul3A_4 : i32 to vector<16xi32>
      %add3A_952 = arith.addi %get3A_950, %add3A_951 : vector<16xi32>
      %swap3A_953 = arith.constant 16 : index
      %swap3A_954 = tpu.vector_load %arg22[%swap3A_953] {strides = array<i32>} : memref<128xi32, #tpu.memory_space<vmem>>, vector<16xi32>,
      %swap3A_955 = vector.shape_cast %swap3A_954 : vector<16xi32> to vector<16xi32>
      %swap3A_956 = vector.shape_cast %add3A_952 : vector<16xi32> to vector<16xi32>
      tpu.vector_store %arg22[%swap3A_953], %swap3A_956 {strides = array<i32>} : memref<128xi32, #tpu.memory_space<vmem>>, vector<16xi32>,
      %get3A_957 = arith.constant 1696 : index
      %get3A_958 = tpu.vector_load %arg7[%get3A_957] {strides = array<i32>} : memref<2048xi32, #tpu.memory_space<vmem>>, vector<16xi32>,
      %get3A_959 = vector.shape_cast %get3A_958 : vector<16xi32> to vector<16xi32>
      %add3A_960 = vector.broadcast %mul3A_4 : i32 to vector<16xi32>
      %add3A_961 = arith.addi %get3A_959, %add3A_960 : vector<16xi32>
      %swap3A_962 = arith.constant 32 : index
      %swap3A_963 = tpu.vector_load %arg22[%swap3A_962] {strides = array<i32>} : memref<128xi32, #tpu.memory_space<vmem>>, vector<16xi32>,
      %swap3A_964 = vector.shape_cast %swap3A_963 : vector<16xi32> to vector<16xi32>
      %swap3A_965 = vector.shape_cast %add3A_961 : vector<16xi32> to vector<16xi32>
      tpu.vector_store %arg22[%swap3A_962], %swap3A_965 {strides = array<i32>} : memref<128xi32, #tpu.memory_space<vmem>>, vector<16xi32>,
      %get3A_966 = arith.constant 1712 : index
      %get3A_967 = tpu.vector_load %arg7[%get3A_966] {strides = array<i32>} : memref<2048xi32, #tpu.memory_space<vmem>>, vector<16xi32>,
      %get3A_968 = vector.shape_cast %get3A_967 : vector<16xi32> to vector<16xi32>
      %add3A_969 = vector.broadcast %mul3A_4 : i32 to vector<16xi32>
      %add3A_970 = arith.addi %get3A_968, %add3A_969 : vector<16xi32>
      %swap3A_971 = arith.constant 48 : index
      %swap3A_972 = tpu.vector_load %arg22[%swap3A_971] {strides = array<i32>} : memref<128xi32, #tpu.memory_space<vmem>>, vector<16xi32>,
      %swap3A_973 = vector.shape_cast %swap3A_972 : vector<16xi32> to vector<16xi32>
      %swap3A_974 = vector.shape_cast %add3A_970 : vector<16xi32> to vector<16xi32>
      tpu.vector_store %arg22[%swap3A_971], %swap3A_974 {strides = array<i32>} : memref<128xi32, #tpu.memory_space<vmem>>, vector<16xi32>,
      %get3A_975 = arith.constant 1728 : index
      %get3A_976 = tpu.vector_load %arg7[%get3A_975] {strides = array<i32>} : memref<2048xi32, #tpu.memory_space<vmem>>, vector<16xi32>,
      %get3A_977 = vector.shape_cast %get3A_976 : vector<16xi32> to vector<16xi32>
      %add3A_978 = vector.broadcast %mul3A_4 : i32 to vector<16xi32>
      %add3A_979 = arith.addi %get3A_977, %add3A_978 : vector<16xi32>
      %swap3A_980 = arith.constant 64 : index
      %swap3A_981 = tpu.vector_load %arg22[%swap3A_980] {strides = array<i32>} : memref<128xi32, #tpu.memory_space<vmem>>, vector<16xi32>,
      %swap3A_982 = vector.shape_cast %swap3A_981 : vector<16xi32> to vector<16xi32>
      %swap3A_983 = vector.shape_cast %add3A_979 : vector<16xi32> to vector<16xi32>
      tpu.vector_store %arg22[%swap3A_980], %swap3A_983 {strides = array<i32>} : memref<128xi32, #tpu.memory_space<vmem>>, vector<16xi32>,
      %get3A_984 = arith.constant 1744 : index
      %get3A_985 = tpu.vector_load %arg7[%get3A_984] {strides = array<i32>} : memref<2048xi32, #tpu.memory_space<vmem>>, vector<16xi32>,
      %get3A_986 = vector.shape_cast %get3A_985 : vector<16xi32> to vector<16xi32>
      %add3A_987 = vector.broadcast %mul3A_4 : i32 to vector<16xi32>
      %add3A_988 = arith.addi %get3A_986, %add3A_987 : vector<16xi32>
      %swap3A_989 = arith.constant 80 : index
      %swap3A_990 = tpu.vector_load %arg22[%swap3A_989] {strides = array<i32>} : memref<128xi32, #tpu.memory_space<vmem>>, vector<16xi32>,
      %swap3A_991 = vector.shape_cast %swap3A_990 : vector<16xi32> to vector<16xi32>
      %swap3A_992 = vector.shape_cast %add3A_988 : vector<16xi32> to vector<16xi32>
      tpu.vector_store %arg22[%swap3A_989], %swap3A_992 {strides = array<i32>} : memref<128xi32, #tpu.memory_space<vmem>>, vector<16xi32>,
      %get3A_993 = arith.constant 1760 : index
      %get3A_994 = tpu.vector_load %arg7[%get3A_993] {strides = array<i32>} : memref<2048xi32, #tpu.memory_space<vmem>>, vector<16xi32>,
      %get3A_995 = vector.shape_cast %get3A_994 : vector<16xi32> to vector<16xi32>
      %add3A_996 = vector.broadcast %mul3A_4 : i32 to vector<16xi32>
      %add3A_997 = arith.addi %get3A_995, %add3A_996 : vector<16xi32>
      %swap3A_998 = arith.constant 96 : index
      %swap3A_999 = tpu.vector_load %arg22[%swap3A_998] {strides = array<i32>} : memref<128xi32, #tpu.memory_space<vmem>>, vector<16xi32>,
      %swap3A_1000 = vector.shape_cast %swap3A_999 : vector<16xi32> to vector<16xi32>
      %swap3A_1001 = vector.shape_cast %add3A_997 : vector<16xi32> to vector<16xi32>
      tpu.vector_store %arg22[%swap3A_998], %swap3A_1001 {strides = array<i32>} : memref<128xi32, #tpu.memory_space<vmem>>, vector<16xi32>,
      %get3A_1002 = arith.constant 1776 : index
      %get3A_1003 = tpu.vector_load %arg7[%get3A_1002] {strides = array<i32>} : memref<2048xi32, #tpu.memory_space<vmem>>, vector<16xi32>,
      %get3A_1004 = vector.shape_cast %get3A_1003 : vector<16xi32> to vector<16xi32>
      %add3A_1005 = vector.broadcast %mul3A_4 : i32 to vector<16xi32>
      %add3A_1006 = arith.addi %get3A_1004, %add3A_1005 : vector<16xi32>
      %swap3A_1007 = arith.constant 112 : index
      %swap3A_1008 = tpu.vector_load %arg22[%swap3A_1007] {strides = array<i32>} : memref<128xi32, #tpu.memory_space<vmem>>, vector<16xi32>,
      %swap3A_1009 = vector.shape_cast %swap3A_1008 : vector<16xi32> to vector<16xi32>
      %swap3A_1010 = vector.shape_cast %add3A_1006 : vector<16xi32> to vector<16xi32>
      tpu.vector_store %arg22[%swap3A_1007], %swap3A_1010 {strides = array<i32>} : memref<128xi32, #tpu.memory_space<vmem>>, vector<16xi32>,
      %get3A_1011 = arith.constant 1792 : index
      %get3A_1012 = tpu.vector_load %arg7[%get3A_1011] {strides = array<i32>} : memref<2048xi32, #tpu.memory_space<vmem>>, vector<16xi32>,
      %get3A_1013 = vector.shape_cast %get3A_1012 : vector<16xi32> to vector<16xi32>
      %add3A_1014 = vector.broadcast %mul3A_4 : i32 to vector<16xi32>
      %add3A_1015 = arith.addi %get3A_1013, %add3A_1014 : vector<16xi32>
      %swap3A_1016 = arith.constant 0 : index
      %swap3A_1017 = tpu.vector_load %arg23[%swap3A_1016] {strides = array<i32>} : memref<128xi32, #tpu.memory_space<vmem>>, vector<16xi32>,
      %swap3A_1018 = vector.shape_cast %swap3A_1017 : vector<16xi32> to vector<16xi32>
      %swap3A_1019 = vector.shape_cast %add3A_1015 : vector<16xi32> to vector<16xi32>
      tpu.vector_store %arg23[%swap3A_1016], %swap3A_1019 {strides = array<i32>} : memref<128xi32, #tpu.memory_space<vmem>>, vector<16xi32>,
      %get3A_1020 = arith.constant 1808 : index
      %get3A_1021 = tpu.vector_load %arg7[%get3A_1020] {strides = array<i32>} : memref<2048xi32, #tpu.memory_space<vmem>>, vector<16xi32>,
      %get3A_1022 = vector.shape_cast %get3A_1021 : vector<16xi32> to vector<16xi32>
      %add3A_1023 = vector.broadcast %mul3A_4 : i32 to vector<16xi32>
      %add3A_1024 = arith.addi %get3A_1022, %add3A_1023 : vector<16xi32>
      %swap3A_1025 = arith.constant 16 : index
      %swap3A_1026 = tpu.vector_load %arg23[%swap3A_1025] {strides = array<i32>} : memref<128xi32, #tpu.memory_space<vmem>>, vector<16xi32>,
      %swap3A_1027 = vector.shape_cast %swap3A_1026 : vector<16xi32> to vector<16xi32>
      %swap3A_1028 = vector.shape_cast %add3A_1024 : vector<16xi32> to vector<16xi32>
      tpu.vector_store %arg23[%swap3A_1025], %swap3A_1028 {strides = array<i32>} : memref<128xi32, #tpu.memory_space<vmem>>, vector<16xi32>,
      %get3A_1029 = arith.constant 1824 : index
      %get3A_1030 = tpu.vector_load %arg7[%get3A_1029] {strides = array<i32>} : memref<2048xi32, #tpu.memory_space<vmem>>, vector<16xi32>,
      %get3A_1031 = vector.shape_cast %get3A_1030 : vector<16xi32> to vector<16xi32>
      %add3A_1032 = vector.broadcast %mul3A_4 : i32 to vector<16xi32>
      %add3A_1033 = arith.addi %get3A_1031, %add3A_1032 : vector<16xi32>
      %swap3A_1034 = arith.constant 32 : index
      %swap3A_1035 = tpu.vector_load %arg23[%swap3A_1034] {strides = array<i32>} : memref<128xi32, #tpu.memory_space<vmem>>, vector<16xi32>,
      %swap3A_1036 = vector.shape_cast %swap3A_1035 : vector<16xi32> to vector<16xi32>
      %swap3A_1037 = vector.shape_cast %add3A_1033 : vector<16xi32> to vector<16xi32>
      tpu.vector_store %arg23[%swap3A_1034], %swap3A_1037 {strides = array<i32>} : memref<128xi32, #tpu.memory_space<vmem>>, vector<16xi32>,
      %get3A_1038 = arith.constant 1840 : index
      %get3A_1039 = tpu.vector_load %arg7[%get3A_1038] {strides = array<i32>} : memref<2048xi32, #tpu.memory_space<vmem>>, vector<16xi32>,
      %get3A_1040 = vector.shape_cast %get3A_1039 : vector<16xi32> to vector<16xi32>
      %add3A_1041 = vector.broadcast %mul3A_4 : i32 to vector<16xi32>
      %add3A_1042 = arith.addi %get3A_1040, %add3A_1041 : vector<16xi32>
      %swap3A_1043 = arith.constant 48 : index
      %swap3A_1044 = tpu.vector_load %arg23[%swap3A_1043] {strides = array<i32>} : memref<128xi32, #tpu.memory_space<vmem>>, vector<16xi32>,
      %swap3A_1045 = vector.shape_cast %swap3A_1044 : vector<16xi32> to vector<16xi32>
      %swap3A_1046 = vector.shape_cast %add3A_1042 : vector<16xi32> to vector<16xi32>
      tpu.vector_store %arg23[%swap3A_1043], %swap3A_1046 {strides = array<i32>} : memref<128xi32, #tpu.memory_space<vmem>>, vector<16xi32>,
      %get3A_1047 = arith.constant 1856 : index
      %get3A_1048 = tpu.vector_load %arg7[%get3A_1047] {strides = array<i32>} : memref<2048xi32, #tpu.memory_space<vmem>>, vector<16xi32>,
      %get3A_1049 = vector.shape_cast %get3A_1048 : vector<16xi32> to vector<16xi32>
      %add3A_1050 = vector.broadcast %mul3A_4 : i32 to vector<16xi32>
      %add3A_1051 = arith.addi %get3A_1049, %add3A_1050 : vector<16xi32>
      %swap3A_1052 = arith.constant 64 : index
      %swap3A_1053 = tpu.vector_load %arg23[%swap3A_1052] {strides = array<i32>} : memref<128xi32, #tpu.memory_space<vmem>>, vector<16xi32>,
      %swap3A_1054 = vector.shape_cast %swap3A_1053 : vector<16xi32> to vector<16xi32>
      %swap3A_1055 = vector.shape_cast %add3A_1051 : vector<16xi32> to vector<16xi32>
      tpu.vector_store %arg23[%swap3A_1052], %swap3A_1055 {strides = array<i32>} : memref<128xi32, #tpu.memory_space<vmem>>, vector<16xi32>,
      %get3A_1056 = arith.constant 1872 : index
      %get3A_1057 = tpu.vector_load %arg7[%get3A_1056] {strides = array<i32>} : memref<2048xi32, #tpu.memory_space<vmem>>, vector<16xi32>,
      %get3A_1058 = vector.shape_cast %get3A_1057 : vector<16xi32> to vector<16xi32>
      %add3A_1059 = vector.broadcast %mul3A_4 : i32 to vector<16xi32>
      %add3A_1060 = arith.addi %get3A_1058, %add3A_1059 : vector<16xi32>
      %swap3A_1061 = arith.constant 80 : index
      %swap3A_1062 = tpu.vector_load %arg23[%swap3A_1061] {strides = array<i32>} : memref<128xi32, #tpu.memory_space<vmem>>, vector<16xi32>,
      %swap3A_1063 = vector.shape_cast %swap3A_1062 : vector<16xi32> to vector<16xi32>
      %swap3A_1064 = vector.shape_cast %add3A_1060 : vector<16xi32> to vector<16xi32>
      tpu.vector_store %arg23[%swap3A_1061], %swap3A_1064 {strides = array<i32>} : memref<128xi32, #tpu.memory_space<vmem>>, vector<16xi32>,
      %get3A_1065 = arith.constant 1888 : index
      %get3A_1066 = tpu.vector_load %arg7[%get3A_1065] {strides = array<i32>} : memref<2048xi32, #tpu.memory_space<vmem>>, vector<16xi32>,
      %get3A_1067 = vector.shape_cast %get3A_1066 : vector<16xi32> to vector<16xi32>
      %add3A_1068 = vector.broadcast %mul3A_4 : i32 to vector<16xi32>
      %add3A_1069 = arith.addi %get3A_1067, %add3A_1068 : vector<16xi32>
      %swap3A_1070 = arith.constant 96 : index
      %swap3A_1071 = tpu.vector_load %arg23[%swap3A_1070] {strides = array<i32>} : memref<128xi32, #tpu.memory_space<vmem>>, vector<16xi32>,
      %swap3A_1072 = vector.shape_cast %swap3A_1071 : vector<16xi32> to vector<16xi32>
      %swap3A_1073 = vector.shape_cast %add3A_1069 : vector<16xi32> to vector<16xi32>
      tpu.vector_store %arg23[%swap3A_1070], %swap3A_1073 {strides = array<i32>} : memref<128xi32, #tpu.memory_space<vmem>>, vector<16xi32>,
      %get3A_1074 = arith.constant 1904 : index
      %get3A_1075 = tpu.vector_load %arg7[%get3A_1074] {strides = array<i32>} : memref<2048xi32, #tpu.memory_space<vmem>>, vector<16xi32>,
      %get3A_1076 = vector.shape_cast %get3A_1075 : vector<16xi32> to vector<16xi32>
      %add3A_1077 = vector.broadcast %mul3A_4 : i32 to vector<16xi32>
      %add3A_1078 = arith.addi %get3A_1076, %add3A_1077 : vector<16xi32>
      %swap3A_1079 = arith.constant 112 : index
      %swap3A_1080 = tpu.vector_load %arg23[%swap3A_1079] {strides = array<i32>} : memref<128xi32, #tpu.memory_space<vmem>>, vector<16xi32>,
      %swap3A_1081 = vector.shape_cast %swap3A_1080 : vector<16xi32> to vector<16xi32>
      %swap3A_1082 = vector.shape_cast %add3A_1078 : vector<16xi32> to vector<16xi32>
      tpu.vector_store %arg23[%swap3A_1079], %swap3A_1082 {strides = array<i32>} : memref<128xi32, #tpu.memory_space<vmem>>, vector<16xi32>,
      %get3A_1083 = arith.constant 1920 : index
      %get3A_1084 = tpu.vector_load %arg7[%get3A_1083] {strides = array<i32>} : memref<2048xi32, #tpu.memory_space<vmem>>, vector<16xi32>,
      %get3A_1085 = vector.shape_cast %get3A_1084 : vector<16xi32> to vector<16xi32>
      %add3A_1086 = vector.broadcast %mul3A_4 : i32 to vector<16xi32>
      %add3A_1087 = arith.addi %get3A_1085, %add3A_1086 : vector<16xi32>
      %swap3A_1088 = arith.constant 0 : index
      %swap3A_1089 = tpu.vector_load %arg24[%swap3A_1088] {strides = array<i32>} : memref<128xi32, #tpu.memory_space<vmem>>, vector<16xi32>,
      %swap3A_1090 = vector.shape_cast %swap3A_1089 : vector<16xi32> to vector<16xi32>
      %swap3A_1091 = vector.shape_cast %add3A_1087 : vector<16xi32> to vector<16xi32>
      tpu.vector_store %arg24[%swap3A_1088], %swap3A_1091 {strides = array<i32>} : memref<128xi32, #tpu.memory_space<vmem>>, vector<16xi32>,
      %get3A_1092 = arith.constant 1936 : index
      %get3A_1093 = tpu.vector_load %arg7[%get3A_1092] {strides = array<i32>} : memref<2048xi32, #tpu.memory_space<vmem>>, vector<16xi32>,
      %get3A_1094 = vector.shape_cast %get3A_1093 : vector<16xi32> to vector<16xi32>
      %add3A_1095 = vector.broadcast %mul3A_4 : i32 to vector<16xi32>
      %add3A_1096 = arith.addi %get3A_1094, %add3A_1095 : vector<16xi32>
      %swap3A_1097 = arith.constant 16 : index
      %swap3A_1098 = tpu.vector_load %arg24[%swap3A_1097] {strides = array<i32>} : memref<128xi32, #tpu.memory_space<vmem>>, vector<16xi32>,
      %swap3A_1099 = vector.shape_cast %swap3A_1098 : vector<16xi32> to vector<16xi32>
      %swap3A_1100 = vector.shape_cast %add3A_1096 : vector<16xi32> to vector<16xi32>
      tpu.vector_store %arg24[%swap3A_1097], %swap3A_1100 {strides = array<i32>} : memref<128xi32, #tpu.memory_space<vmem>>, vector<16xi32>,
      %get3A_1101 = arith.constant 1952 : index
      %get3A_1102 = tpu.vector_load %arg7[%get3A_1101] {strides = array<i32>} : memref<2048xi32, #tpu.memory_space<vmem>>, vector<16xi32>,
      %get3A_1103 = vector.shape_cast %get3A_1102 : vector<16xi32> to vector<16xi32>
      %add3A_1104 = vector.broadcast %mul3A_4 : i32 to vector<16xi32>
      %add3A_1105 = arith.addi %get3A_1103, %add3A_1104 : vector<16xi32>
      %swap3A_1106 = arith.constant 32 : index
      %swap3A_1107 = tpu.vector_load %arg24[%swap3A_1106] {strides = array<i32>} : memref<128xi32, #tpu.memory_space<vmem>>, vector<16xi32>,
      %swap3A_1108 = vector.shape_cast %swap3A_1107 : vector<16xi32> to vector<16xi32>
      %swap3A_1109 = vector.shape_cast %add3A_1105 : vector<16xi32> to vector<16xi32>
      tpu.vector_store %arg24[%swap3A_1106], %swap3A_1109 {strides = array<i32>} : memref<128xi32, #tpu.memory_space<vmem>>, vector<16xi32>,
      %get3A_1110 = arith.constant 1968 : index
      %get3A_1111 = tpu.vector_load %arg7[%get3A_1110] {strides = array<i32>} : memref<2048xi32, #tpu.memory_space<vmem>>, vector<16xi32>,
      %get3A_1112 = vector.shape_cast %get3A_1111 : vector<16xi32> to vector<16xi32>
      %add3A_1113 = vector.broadcast %mul3A_4 : i32 to vector<16xi32>
      %add3A_1114 = arith.addi %get3A_1112, %add3A_1113 : vector<16xi32>
      %swap3A_1115 = arith.constant 48 : index
      %swap3A_1116 = tpu.vector_load %arg24[%swap3A_1115] {strides = array<i32>} : memref<128xi32, #tpu.memory_space<vmem>>, vector<16xi32>,
      %swap3A_1117 = vector.shape_cast %swap3A_1116 : vector<16xi32> to vector<16xi32>
      %swap3A_1118 = vector.shape_cast %add3A_1114 : vector<16xi32> to vector<16xi32>
      tpu.vector_store %arg24[%swap3A_1115], %swap3A_1118 {strides = array<i32>} : memref<128xi32, #tpu.memory_space<vmem>>, vector<16xi32>,
      %get3A_1119 = arith.constant 1984 : index
      %get3A_1120 = tpu.vector_load %arg7[%get3A_1119] {strides = array<i32>} : memref<2048xi32, #tpu.memory_space<vmem>>, vector<16xi32>,
      %get3A_1121 = vector.shape_cast %get3A_1120 : vector<16xi32> to vector<16xi32>
      %add3A_1122 = vector.broadcast %mul3A_4 : i32 to vector<16xi32>
      %add3A_1123 = arith.addi %get3A_1121, %add3A_1122 : vector<16xi32>
      %swap3A_1124 = arith.constant 64 : index
      %swap3A_1125 = tpu.vector_load %arg24[%swap3A_1124] {strides = array<i32>} : memref<128xi32, #tpu.memory_space<vmem>>, vector<16xi32>,
      %swap3A_1126 = vector.shape_cast %swap3A_1125 : vector<16xi32> to vector<16xi32>
      %swap3A_1127 = vector.shape_cast %add3A_1123 : vector<16xi32> to vector<16xi32>
      tpu.vector_store %arg24[%swap3A_1124], %swap3A_1127 {strides = array<i32>} : memref<128xi32, #tpu.memory_space<vmem>>, vector<16xi32>,
      %get3A_1128 = arith.constant 2000 : index
      %get3A_1129 = tpu.vector_load %arg7[%get3A_1128] {strides = array<i32>} : memref<2048xi32, #tpu.memory_space<vmem>>, vector<16xi32>,
      %get3A_1130 = vector.shape_cast %get3A_1129 : vector<16xi32> to vector<16xi32>
      %add3A_1131 = vector.broadcast %mul3A_4 : i32 to vector<16xi32>
      %add3A_1132 = arith.addi %get3A_1130, %add3A_1131 : vector<16xi32>
      %swap3A_1133 = arith.constant 80 : index
      %swap3A_1134 = tpu.vector_load %arg24[%swap3A_1133] {strides = array<i32>} : memref<128xi32, #tpu.memory_space<vmem>>, vector<16xi32>,
      %swap3A_1135 = vector.shape_cast %swap3A_1134 : vector<16xi32> to vector<16xi32>
      %swap3A_1136 = vector.shape_cast %add3A_1132 : vector<16xi32> to vector<16xi32>
      tpu.vector_store %arg24[%swap3A_1133], %swap3A_1136 {strides = array<i32>} : memref<128xi32, #tpu.memory_space<vmem>>, vector<16xi32>,
      %get3A_1137 = arith.constant 2016 : index
      %get3A_1138 = tpu.vector_load %arg7[%get3A_1137] {strides = array<i32>} : memref<2048xi32, #tpu.memory_space<vmem>>, vector<16xi32>,
      %get3A_1139 = vector.shape_cast %get3A_1138 : vector<16xi32> to vector<16xi32>
      %add3A_1140 = vector.broadcast %mul3A_4 : i32 to vector<16xi32>
      %add3A_1141 = arith.addi %get3A_1139, %add3A_1140 : vector<16xi32>
      %swap3A_1142 = arith.constant 96 : index
      %swap3A_1143 = tpu.vector_load %arg24[%swap3A_1142] {strides = array<i32>} : memref<128xi32, #tpu.memory_space<vmem>>, vector<16xi32>,
      %swap3A_1144 = vector.shape_cast %swap3A_1143 : vector<16xi32> to vector<16xi32>
      %swap3A_1145 = vector.shape_cast %add3A_1141 : vector<16xi32> to vector<16xi32>
      tpu.vector_store %arg24[%swap3A_1142], %swap3A_1145 {strides = array<i32>} : memref<128xi32, #tpu.memory_space<vmem>>, vector<16xi32>,
      %get3A_1146 = arith.constant 2032 : index
      %get3A_1147 = tpu.vector_load %arg7[%get3A_1146] {strides = array<i32>} : memref<2048xi32, #tpu.memory_space<vmem>>, vector<16xi32>,
      %get3A_1148 = vector.shape_cast %get3A_1147 : vector<16xi32> to vector<16xi32>
      %add3A_1149 = vector.broadcast %mul3A_4 : i32 to vector<16xi32>
      %add3A_1150 = arith.addi %get3A_1148, %add3A_1149 : vector<16xi32>
      %swap3A_1151 = arith.constant 112 : index
      %swap3A_1152 = tpu.vector_load %arg24[%swap3A_1151] {strides = array<i32>} : memref<128xi32, #tpu.memory_space<vmem>>, vector<16xi32>,
      %swap3A_1153 = vector.shape_cast %swap3A_1152 : vector<16xi32> to vector<16xi32>
      %swap3A_1154 = vector.shape_cast %add3A_1150 : vector<16xi32> to vector<16xi32>
      tpu.vector_store %arg24[%swap3A_1151], %swap3A_1154 {strides = array<i32>} : memref<128xi32, #tpu.memory_space<vmem>>, vector<16xi32>,
      "tpu.region"() ({
        %run_scoped3A = tpu.sem_alloc : memref<!tpu.dma_semaphore, #tpu.memory_space<semaphore_mem>>
        %dma_start3A = arith.constant 0 : i32
        %dma_start3A_1155 = tpu.memref_slice %arg6[%dma_start3A] : memref<2048xf32, #tpu.memory_space<vmem>> -> memref<128xf32, #tpu.memory_space<vmem>>
        %dma_start3A_1156 = arith.constant 0 : i32
        %dma_start3A_1157 = tpu.memref_slice %arg8[%dma_start3A_1156] : memref<256000xf32, #tpu.memory_space<vmem_shared>> -> memref<256000xf32, #tpu.memory_space<vmem_shared>>
        tpu.enqueue_indirect_dma source(%dma_start3A_1155 : memref<128xf32, #tpu.memory_space<vmem>>) target(%dma_start3A_1157 : memref<256000xf32, #tpu.memory_space<vmem_shared>>) offsets(%arg9 : memref<128xi32, #tpu.memory_space<vmem>>) semaphore(%run_scoped3A : memref<!tpu.dma_semaphore, #tpu.memory_space<semaphore_mem>>) {add = true}
        %dma_wait3A = arith.constant 0 : i32
        %dma_wait3A_1158 = tpu.memref_slice %arg6[%dma_wait3A] : memref<2048xf32, #tpu.memory_space<vmem>> -> memref<128xf32, #tpu.memory_space<vmem>>
        %dma_wait3A_1159 = arith.constant 0 : i32
        %dma_wait3A_1160 = tpu.memref_slice %arg8[%dma_wait3A_1159] : memref<256000xf32, #tpu.memory_space<vmem_shared>> -> memref<256000xf32, #tpu.memory_space<vmem_shared>>
        tpu.wait_indirect_dma semaphore(%run_scoped3A : memref<!tpu.dma_semaphore, #tpu.memory_space<semaphore_mem>>) src(%dma_wait3A_1158 : memref<128xf32, #tpu.memory_space<vmem>>) dst(%dma_wait3A_1160 : memref<256000xf32, #tpu.memory_space<vmem_shared>>)
        tpu.yield
      }) : () -> ()
      "tpu.region"() ({
        %run_scoped3A = tpu.sem_alloc : memref<!tpu.dma_semaphore, #tpu.memory_space<semaphore_mem>>
        %dma_start3A = arith.constant 128 : i32
        %dma_start3A_1155 = tpu.memref_slice %arg6[%dma_start3A] : memref<2048xf32, #tpu.memory_space<vmem>> -> memref<128xf32, #tpu.memory_space<vmem>>
        %dma_start3A_1156 = arith.constant 0 : i32
        %dma_start3A_1157 = tpu.memref_slice %arg8[%dma_start3A_1156] : memref<256000xf32, #tpu.memory_space<vmem_shared>> -> memref<256000xf32, #tpu.memory_space<vmem_shared>>
        tpu.enqueue_indirect_dma source(%dma_start3A_1155 : memref<128xf32, #tpu.memory_space<vmem>>) target(%dma_start3A_1157 : memref<256000xf32, #tpu.memory_space<vmem_shared>>) offsets(%arg10 : memref<128xi32, #tpu.memory_space<vmem>>) semaphore(%run_scoped3A : memref<!tpu.dma_semaphore, #tpu.memory_space<semaphore_mem>>) {add = true}
        %dma_wait3A = arith.constant 128 : i32
        %dma_wait3A_1158 = tpu.memref_slice %arg6[%dma_wait3A] : memref<2048xf32, #tpu.memory_space<vmem>> -> memref<128xf32, #tpu.memory_space<vmem>>
        %dma_wait3A_1159 = arith.constant 0 : i32
        %dma_wait3A_1160 = tpu.memref_slice %arg8[%dma_wait3A_1159] : memref<256000xf32, #tpu.memory_space<vmem_shared>> -> memref<256000xf32, #tpu.memory_space<vmem_shared>>
        tpu.wait_indirect_dma semaphore(%run_scoped3A : memref<!tpu.dma_semaphore, #tpu.memory_space<semaphore_mem>>) src(%dma_wait3A_1158 : memref<128xf32, #tpu.memory_space<vmem>>) dst(%dma_wait3A_1160 : memref<256000xf32, #tpu.memory_space<vmem_shared>>)
        tpu.yield
      }) : () -> ()
      "tpu.region"() ({
        %run_scoped3A = tpu.sem_alloc : memref<!tpu.dma_semaphore, #tpu.memory_space<semaphore_mem>>
        %dma_start3A = arith.constant 256 : i32
        %dma_start3A_1155 = tpu.memref_slice %arg6[%dma_start3A] : memref<2048xf32, #tpu.memory_space<vmem>> -> memref<128xf32, #tpu.memory_space<vmem>>
        %dma_start3A_1156 = arith.constant 0 : i32
        %dma_start3A_1157 = tpu.memref_slice %arg8[%dma_start3A_1156] : memref<256000xf32, #tpu.memory_space<vmem_shared>> -> memref<256000xf32, #tpu.memory_space<vmem_shared>>
        tpu.enqueue_indirect_dma source(%dma_start3A_1155 : memref<128xf32, #tpu.memory_space<vmem>>) target(%dma_start3A_1157 : memref<256000xf32, #tpu.memory_space<vmem_shared>>) offsets(%arg11 : memref<128xi32, #tpu.memory_space<vmem>>) semaphore(%run_scoped3A : memref<!tpu.dma_semaphore, #tpu.memory_space<semaphore_mem>>) {add = true}
        %dma_wait3A = arith.constant 256 : i32
        %dma_wait3A_1158 = tpu.memref_slice %arg6[%dma_wait3A] : memref<2048xf32, #tpu.memory_space<vmem>> -> memref<128xf32, #tpu.memory_space<vmem>>
        %dma_wait3A_1159 = arith.constant 0 : i32
        %dma_wait3A_1160 = tpu.memref_slice %arg8[%dma_wait3A_1159] : memref<256000xf32, #tpu.memory_space<vmem_shared>> -> memref<256000xf32, #tpu.memory_space<vmem_shared>>
        tpu.wait_indirect_dma semaphore(%run_scoped3A : memref<!tpu.dma_semaphore, #tpu.memory_space<semaphore_mem>>) src(%dma_wait3A_1158 : memref<128xf32, #tpu.memory_space<vmem>>) dst(%dma_wait3A_1160 : memref<256000xf32, #tpu.memory_space<vmem_shared>>)
        tpu.yield
      }) : () -> ()
      "tpu.region"() ({
        %run_scoped3A = tpu.sem_alloc : memref<!tpu.dma_semaphore, #tpu.memory_space<semaphore_mem>>
        %dma_start3A = arith.constant 384 : i32
        %dma_start3A_1155 = tpu.memref_slice %arg6[%dma_start3A] : memref<2048xf32, #tpu.memory_space<vmem>> -> memref<128xf32, #tpu.memory_space<vmem>>
        %dma_start3A_1156 = arith.constant 0 : i32
        %dma_start3A_1157 = tpu.memref_slice %arg8[%dma_start3A_1156] : memref<256000xf32, #tpu.memory_space<vmem_shared>> -> memref<256000xf32, #tpu.memory_space<vmem_shared>>
        tpu.enqueue_indirect_dma source(%dma_start3A_1155 : memref<128xf32, #tpu.memory_space<vmem>>) target(%dma_start3A_1157 : memref<256000xf32, #tpu.memory_space<vmem_shared>>) offsets(%arg12 : memref<128xi32, #tpu.memory_space<vmem>>) semaphore(%run_scoped3A : memref<!tpu.dma_semaphore, #tpu.memory_space<semaphore_mem>>) {add = true}
        %dma_wait3A = arith.constant 384 : i32
        %dma_wait3A_1158 = tpu.memref_slice %arg6[%dma_wait3A] : memref<2048xf32, #tpu.memory_space<vmem>> -> memref<128xf32, #tpu.memory_space<vmem>>
        %dma_wait3A_1159 = arith.constant 0 : i32
        %dma_wait3A_1160 = tpu.memref_slice %arg8[%dma_wait3A_1159] : memref<256000xf32, #tpu.memory_space<vmem_shared>> -> memref<256000xf32, #tpu.memory_space<vmem_shared>>
        tpu.wait_indirect_dma semaphore(%run_scoped3A : memref<!tpu.dma_semaphore, #tpu.memory_space<semaphore_mem>>) src(%dma_wait3A_1158 : memref<128xf32, #tpu.memory_space<vmem>>) dst(%dma_wait3A_1160 : memref<256000xf32, #tpu.memory_space<vmem_shared>>)
        tpu.yield
      }) : () -> ()
      "tpu.region"() ({
        %run_scoped3A = tpu.sem_alloc : memref<!tpu.dma_semaphore, #tpu.memory_space<semaphore_mem>>
        %dma_start3A = arith.constant 512 : i32
        %dma_start3A_1155 = tpu.memref_slice %arg6[%dma_start3A] : memref<2048xf32, #tpu.memory_space<vmem>> -> memref<128xf32, #tpu.memory_space<vmem>>
        %dma_start3A_1156 = arith.constant 0 : i32
        %dma_start3A_1157 = tpu.memref_slice %arg8[%dma_start3A_1156] : memref<256000xf32, #tpu.memory_space<vmem_shared>> -> memref<256000xf32, #tpu.memory_space<vmem_shared>>
        tpu.enqueue_indirect_dma source(%dma_start3A_1155 : memref<128xf32, #tpu.memory_space<vmem>>) target(%dma_start3A_1157 : memref<256000xf32, #tpu.memory_space<vmem_shared>>) offsets(%arg13 : memref<128xi32, #tpu.memory_space<vmem>>) semaphore(%run_scoped3A : memref<!tpu.dma_semaphore, #tpu.memory_space<semaphore_mem>>) {add = true}
        %dma_wait3A = arith.constant 512 : i32
        %dma_wait3A_1158 = tpu.memref_slice %arg6[%dma_wait3A] : memref<2048xf32, #tpu.memory_space<vmem>> -> memref<128xf32, #tpu.memory_space<vmem>>
        %dma_wait3A_1159 = arith.constant 0 : i32
        %dma_wait3A_1160 = tpu.memref_slice %arg8[%dma_wait3A_1159] : memref<256000xf32, #tpu.memory_space<vmem_shared>> -> memref<256000xf32, #tpu.memory_space<vmem_shared>>
        tpu.wait_indirect_dma semaphore(%run_scoped3A : memref<!tpu.dma_semaphore, #tpu.memory_space<semaphore_mem>>) src(%dma_wait3A_1158 : memref<128xf32, #tpu.memory_space<vmem>>) dst(%dma_wait3A_1160 : memref<256000xf32, #tpu.memory_space<vmem_shared>>)
        tpu.yield
      }) : () -> ()
      "tpu.region"() ({
        %run_scoped3A = tpu.sem_alloc : memref<!tpu.dma_semaphore, #tpu.memory_space<semaphore_mem>>
        %dma_start3A = arith.constant 640 : i32
        %dma_start3A_1155 = tpu.memref_slice %arg6[%dma_start3A] : memref<2048xf32, #tpu.memory_space<vmem>> -> memref<128xf32, #tpu.memory_space<vmem>>
        %dma_start3A_1156 = arith.constant 0 : i32
        %dma_start3A_1157 = tpu.memref_slice %arg8[%dma_start3A_1156] : memref<256000xf32, #tpu.memory_space<vmem_shared>> -> memref<256000xf32, #tpu.memory_space<vmem_shared>>
        tpu.enqueue_indirect_dma source(%dma_start3A_1155 : memref<128xf32, #tpu.memory_space<vmem>>) target(%dma_start3A_1157 : memref<256000xf32, #tpu.memory_space<vmem_shared>>) offsets(%arg14 : memref<128xi32, #tpu.memory_space<vmem>>) semaphore(%run_scoped3A : memref<!tpu.dma_semaphore, #tpu.memory_space<semaphore_mem>>) {add = true}
        %dma_wait3A = arith.constant 640 : i32
        %dma_wait3A_1158 = tpu.memref_slice %arg6[%dma_wait3A] : memref<2048xf32, #tpu.memory_space<vmem>> -> memref<128xf32, #tpu.memory_space<vmem>>
        %dma_wait3A_1159 = arith.constant 0 : i32
        %dma_wait3A_1160 = tpu.memref_slice %arg8[%dma_wait3A_1159] : memref<256000xf32, #tpu.memory_space<vmem_shared>> -> memref<256000xf32, #tpu.memory_space<vmem_shared>>
        tpu.wait_indirect_dma semaphore(%run_scoped3A : memref<!tpu.dma_semaphore, #tpu.memory_space<semaphore_mem>>) src(%dma_wait3A_1158 : memref<128xf32, #tpu.memory_space<vmem>>) dst(%dma_wait3A_1160 : memref<256000xf32, #tpu.memory_space<vmem_shared>>)
        tpu.yield
      }) : () -> ()
      "tpu.region"() ({
        %run_scoped3A = tpu.sem_alloc : memref<!tpu.dma_semaphore, #tpu.memory_space<semaphore_mem>>
        %dma_start3A = arith.constant 768 : i32
        %dma_start3A_1155 = tpu.memref_slice %arg6[%dma_start3A] : memref<2048xf32, #tpu.memory_space<vmem>> -> memref<128xf32, #tpu.memory_space<vmem>>
        %dma_start3A_1156 = arith.constant 0 : i32
        %dma_start3A_1157 = tpu.memref_slice %arg8[%dma_start3A_1156] : memref<256000xf32, #tpu.memory_space<vmem_shared>> -> memref<256000xf32, #tpu.memory_space<vmem_shared>>
        tpu.enqueue_indirect_dma source(%dma_start3A_1155 : memref<128xf32, #tpu.memory_space<vmem>>) target(%dma_start3A_1157 : memref<256000xf32, #tpu.memory_space<vmem_shared>>) offsets(%arg15 : memref<128xi32, #tpu.memory_space<vmem>>) semaphore(%run_scoped3A : memref<!tpu.dma_semaphore, #tpu.memory_space<semaphore_mem>>) {add = true}
        %dma_wait3A = arith.constant 768 : i32
        %dma_wait3A_1158 = tpu.memref_slice %arg6[%dma_wait3A] : memref<2048xf32, #tpu.memory_space<vmem>> -> memref<128xf32, #tpu.memory_space<vmem>>
        %dma_wait3A_1159 = arith.constant 0 : i32
        %dma_wait3A_1160 = tpu.memref_slice %arg8[%dma_wait3A_1159] : memref<256000xf32, #tpu.memory_space<vmem_shared>> -> memref<256000xf32, #tpu.memory_space<vmem_shared>>
        tpu.wait_indirect_dma semaphore(%run_scoped3A : memref<!tpu.dma_semaphore, #tpu.memory_space<semaphore_mem>>) src(%dma_wait3A_1158 : memref<128xf32, #tpu.memory_space<vmem>>) dst(%dma_wait3A_1160 : memref<256000xf32, #tpu.memory_space<vmem_shared>>)
        tpu.yield
      }) : () -> ()
      "tpu.region"() ({
        %run_scoped3A = tpu.sem_alloc : memref<!tpu.dma_semaphore, #tpu.memory_space<semaphore_mem>>
        %dma_start3A = arith.constant 896 : i32
        %dma_start3A_1155 = tpu.memref_slice %arg6[%dma_start3A] : memref<2048xf32, #tpu.memory_space<vmem>> -> memref<128xf32, #tpu.memory_space<vmem>>
        %dma_start3A_1156 = arith.constant 0 : i32
        %dma_start3A_1157 = tpu.memref_slice %arg8[%dma_start3A_1156] : memref<256000xf32, #tpu.memory_space<vmem_shared>> -> memref<256000xf32, #tpu.memory_space<vmem_shared>>
        tpu.enqueue_indirect_dma source(%dma_start3A_1155 : memref<128xf32, #tpu.memory_space<vmem>>) target(%dma_start3A_1157 : memref<256000xf32, #tpu.memory_space<vmem_shared>>) offsets(%arg16 : memref<128xi32, #tpu.memory_space<vmem>>) semaphore(%run_scoped3A : memref<!tpu.dma_semaphore, #tpu.memory_space<semaphore_mem>>) {add = true}
        %dma_wait3A = arith.constant 896 : i32
        %dma_wait3A_1158 = tpu.memref_slice %arg6[%dma_wait3A] : memref<2048xf32, #tpu.memory_space<vmem>> -> memref<128xf32, #tpu.memory_space<vmem>>
        %dma_wait3A_1159 = arith.constant 0 : i32
        %dma_wait3A_1160 = tpu.memref_slice %arg8[%dma_wait3A_1159] : memref<256000xf32, #tpu.memory_space<vmem_shared>> -> memref<256000xf32, #tpu.memory_space<vmem_shared>>
        tpu.wait_indirect_dma semaphore(%run_scoped3A : memref<!tpu.dma_semaphore, #tpu.memory_space<semaphore_mem>>) src(%dma_wait3A_1158 : memref<128xf32, #tpu.memory_space<vmem>>) dst(%dma_wait3A_1160 : memref<256000xf32, #tpu.memory_space<vmem_shared>>)
        tpu.yield
      }) : () -> ()
      "tpu.region"() ({
        %run_scoped3A = tpu.sem_alloc : memref<!tpu.dma_semaphore, #tpu.memory_space<semaphore_mem>>
        %dma_start3A = arith.constant 1024 : i32
        %dma_start3A_1155 = tpu.memref_slice %arg6[%dma_start3A] : memref<2048xf32, #tpu.memory_space<vmem>> -> memref<128xf32, #tpu.memory_space<vmem>>
        %dma_start3A_1156 = arith.constant 0 : i32
        %dma_start3A_1157 = tpu.memref_slice %arg8[%dma_start3A_1156] : memref<256000xf32, #tpu.memory_space<vmem_shared>> -> memref<256000xf32, #tpu.memory_space<vmem_shared>>
        tpu.enqueue_indirect_dma source(%dma_start3A_1155 : memref<128xf32, #tpu.memory_space<vmem>>) target(%dma_start3A_1157 : memref<256000xf32, #tpu.memory_space<vmem_shared>>) offsets(%arg17 : memref<128xi32, #tpu.memory_space<vmem>>) semaphore(%run_scoped3A : memref<!tpu.dma_semaphore, #tpu.memory_space<semaphore_mem>>) {add = true}
        %dma_wait3A = arith.constant 1024 : i32
        %dma_wait3A_1158 = tpu.memref_slice %arg6[%dma_wait3A] : memref<2048xf32, #tpu.memory_space<vmem>> -> memref<128xf32, #tpu.memory_space<vmem>>
        %dma_wait3A_1159 = arith.constant 0 : i32
        %dma_wait3A_1160 = tpu.memref_slice %arg8[%dma_wait3A_1159] : memref<256000xf32, #tpu.memory_space<vmem_shared>> -> memref<256000xf32, #tpu.memory_space<vmem_shared>>
        tpu.wait_indirect_dma semaphore(%run_scoped3A : memref<!tpu.dma_semaphore, #tpu.memory_space<semaphore_mem>>) src(%dma_wait3A_1158 : memref<128xf32, #tpu.memory_space<vmem>>) dst(%dma_wait3A_1160 : memref<256000xf32, #tpu.memory_space<vmem_shared>>)
        tpu.yield
      }) : () -> ()
      "tpu.region"() ({
        %run_scoped3A = tpu.sem_alloc : memref<!tpu.dma_semaphore, #tpu.memory_space<semaphore_mem>>
        %dma_start3A = arith.constant 1152 : i32
        %dma_start3A_1155 = tpu.memref_slice %arg6[%dma_start3A] : memref<2048xf32, #tpu.memory_space<vmem>> -> memref<128xf32, #tpu.memory_space<vmem>>
        %dma_start3A_1156 = arith.constant 0 : i32
        %dma_start3A_1157 = tpu.memref_slice %arg8[%dma_start3A_1156] : memref<256000xf32, #tpu.memory_space<vmem_shared>> -> memref<256000xf32, #tpu.memory_space<vmem_shared>>
        tpu.enqueue_indirect_dma source(%dma_start3A_1155 : memref<128xf32, #tpu.memory_space<vmem>>) target(%dma_start3A_1157 : memref<256000xf32, #tpu.memory_space<vmem_shared>>) offsets(%arg18 : memref<128xi32, #tpu.memory_space<vmem>>) semaphore(%run_scoped3A : memref<!tpu.dma_semaphore, #tpu.memory_space<semaphore_mem>>) {add = true}
        %dma_wait3A = arith.constant 1152 : i32
        %dma_wait3A_1158 = tpu.memref_slice %arg6[%dma_wait3A] : memref<2048xf32, #tpu.memory_space<vmem>> -> memref<128xf32, #tpu.memory_space<vmem>>
        %dma_wait3A_1159 = arith.constant 0 : i32
        %dma_wait3A_1160 = tpu.memref_slice %arg8[%dma_wait3A_1159] : memref<256000xf32, #tpu.memory_space<vmem_shared>> -> memref<256000xf32, #tpu.memory_space<vmem_shared>>
        tpu.wait_indirect_dma semaphore(%run_scoped3A : memref<!tpu.dma_semaphore, #tpu.memory_space<semaphore_mem>>) src(%dma_wait3A_1158 : memref<128xf32, #tpu.memory_space<vmem>>) dst(%dma_wait3A_1160 : memref<256000xf32, #tpu.memory_space<vmem_shared>>)
        tpu.yield
      }) : () -> ()
      "tpu.region"() ({
        %run_scoped3A = tpu.sem_alloc : memref<!tpu.dma_semaphore, #tpu.memory_space<semaphore_mem>>
        %dma_start3A = arith.constant 1280 : i32
        %dma_start3A_1155 = tpu.memref_slice %arg6[%dma_start3A] : memref<2048xf32, #tpu.memory_space<vmem>> -> memref<128xf32, #tpu.memory_space<vmem>>
        %dma_start3A_1156 = arith.constant 0 : i32
        %dma_start3A_1157 = tpu.memref_slice %arg8[%dma_start3A_1156] : memref<256000xf32, #tpu.memory_space<vmem_shared>> -> memref<256000xf32, #tpu.memory_space<vmem_shared>>
        tpu.enqueue_indirect_dma source(%dma_start3A_1155 : memref<128xf32, #tpu.memory_space<vmem>>) target(%dma_start3A_1157 : memref<256000xf32, #tpu.memory_space<vmem_shared>>) offsets(%arg19 : memref<128xi32, #tpu.memory_space<vmem>>) semaphore(%run_scoped3A : memref<!tpu.dma_semaphore, #tpu.memory_space<semaphore_mem>>) {add = true}
        %dma_wait3A = arith.constant 1280 : i32
        %dma_wait3A_1158 = tpu.memref_slice %arg6[%dma_wait3A] : memref<2048xf32, #tpu.memory_space<vmem>> -> memref<128xf32, #tpu.memory_space<vmem>>
        %dma_wait3A_1159 = arith.constant 0 : i32
        %dma_wait3A_1160 = tpu.memref_slice %arg8[%dma_wait3A_1159] : memref<256000xf32, #tpu.memory_space<vmem_shared>> -> memref<256000xf32, #tpu.memory_space<vmem_shared>>
        tpu.wait_indirect_dma semaphore(%run_scoped3A : memref<!tpu.dma_semaphore, #tpu.memory_space<semaphore_mem>>) src(%dma_wait3A_1158 : memref<128xf32, #tpu.memory_space<vmem>>) dst(%dma_wait3A_1160 : memref<256000xf32, #tpu.memory_space<vmem_shared>>)
        tpu.yield
      }) : () -> ()
      "tpu.region"() ({
        %run_scoped3A = tpu.sem_alloc : memref<!tpu.dma_semaphore, #tpu.memory_space<semaphore_mem>>
        %dma_start3A = arith.constant 1408 : i32
        %dma_start3A_1155 = tpu.memref_slice %arg6[%dma_start3A] : memref<2048xf32, #tpu.memory_space<vmem>> -> memref<128xf32, #tpu.memory_space<vmem>>
        %dma_start3A_1156 = arith.constant 0 : i32
        %dma_start3A_1157 = tpu.memref_slice %arg8[%dma_start3A_1156] : memref<256000xf32, #tpu.memory_space<vmem_shared>> -> memref<256000xf32, #tpu.memory_space<vmem_shared>>
        tpu.enqueue_indirect_dma source(%dma_start3A_1155 : memref<128xf32, #tpu.memory_space<vmem>>) target(%dma_start3A_1157 : memref<256000xf32, #tpu.memory_space<vmem_shared>>) offsets(%arg20 : memref<128xi32, #tpu.memory_space<vmem>>) semaphore(%run_scoped3A : memref<!tpu.dma_semaphore, #tpu.memory_space<semaphore_mem>>) {add = true}
        %dma_wait3A = arith.constant 1408 : i32
        %dma_wait3A_1158 = tpu.memref_slice %arg6[%dma_wait3A] : memref<2048xf32, #tpu.memory_space<vmem>> -> memref<128xf32, #tpu.memory_space<vmem>>
        %dma_wait3A_1159 = arith.constant 0 : i32
        %dma_wait3A_1160 = tpu.memref_slice %arg8[%dma_wait3A_1159] : memref<256000xf32, #tpu.memory_space<vmem_shared>> -> memref<256000xf32, #tpu.memory_space<vmem_shared>>
        tpu.wait_indirect_dma semaphore(%run_scoped3A : memref<!tpu.dma_semaphore, #tpu.memory_space<semaphore_mem>>) src(%dma_wait3A_1158 : memref<128xf32, #tpu.memory_space<vmem>>) dst(%dma_wait3A_1160 : memref<256000xf32, #tpu.memory_space<vmem_shared>>)
        tpu.yield
      }) : () -> ()
      "tpu.region"() ({
        %run_scoped3A = tpu.sem_alloc : memref<!tpu.dma_semaphore, #tpu.memory_space<semaphore_mem>>
        %dma_start3A = arith.constant 1536 : i32
        %dma_start3A_1155 = tpu.memref_slice %arg6[%dma_start3A] : memref<2048xf32, #tpu.memory_space<vmem>> -> memref<128xf32, #tpu.memory_space<vmem>>
        %dma_start3A_1156 = arith.constant 0 : i32
        %dma_start3A_1157 = tpu.memref_slice %arg8[%dma_start3A_1156] : memref<256000xf32, #tpu.memory_space<vmem_shared>> -> memref<256000xf32, #tpu.memory_space<vmem_shared>>
        tpu.enqueue_indirect_dma source(%dma_start3A_1155 : memref<128xf32, #tpu.memory_space<vmem>>) target(%dma_start3A_1157 : memref<256000xf32, #tpu.memory_space<vmem_shared>>) offsets(%arg21 : memref<128xi32, #tpu.memory_space<vmem>>) semaphore(%run_scoped3A : memref<!tpu.dma_semaphore, #tpu.memory_space<semaphore_mem>>) {add = true}
        %dma_wait3A = arith.constant 1536 : i32
        %dma_wait3A_1158 = tpu.memref_slice %arg6[%dma_wait3A] : memref<2048xf32, #tpu.memory_space<vmem>> -> memref<128xf32, #tpu.memory_space<vmem>>
        %dma_wait3A_1159 = arith.constant 0 : i32
        %dma_wait3A_1160 = tpu.memref_slice %arg8[%dma_wait3A_1159] : memref<256000xf32, #tpu.memory_space<vmem_shared>> -> memref<256000xf32, #tpu.memory_space<vmem_shared>>
        tpu.wait_indirect_dma semaphore(%run_scoped3A : memref<!tpu.dma_semaphore, #tpu.memory_space<semaphore_mem>>) src(%dma_wait3A_1158 : memref<128xf32, #tpu.memory_space<vmem>>) dst(%dma_wait3A_1160 : memref<256000xf32, #tpu.memory_space<vmem_shared>>)
        tpu.yield
      }) : () -> ()
      "tpu.region"() ({
        %run_scoped3A = tpu.sem_alloc : memref<!tpu.dma_semaphore, #tpu.memory_space<semaphore_mem>>
        %dma_start3A = arith.constant 1664 : i32
        %dma_start3A_1155 = tpu.memref_slice %arg6[%dma_start3A] : memref<2048xf32, #tpu.memory_space<vmem>> -> memref<128xf32, #tpu.memory_space<vmem>>
        %dma_start3A_1156 = arith.constant 0 : i32
        %dma_start3A_1157 = tpu.memref_slice %arg8[%dma_start3A_1156] : memref<256000xf32, #tpu.memory_space<vmem_shared>> -> memref<256000xf32, #tpu.memory_space<vmem_shared>>
        tpu.enqueue_indirect_dma source(%dma_start3A_1155 : memref<128xf32, #tpu.memory_space<vmem>>) target(%dma_start3A_1157 : memref<256000xf32, #tpu.memory_space<vmem_shared>>) offsets(%arg22 : memref<128xi32, #tpu.memory_space<vmem>>) semaphore(%run_scoped3A : memref<!tpu.dma_semaphore, #tpu.memory_space<semaphore_mem>>) {add = true}
        %dma_wait3A = arith.constant 1664 : i32
        %dma_wait3A_1158 = tpu.memref_slice %arg6[%dma_wait3A] : memref<2048xf32, #tpu.memory_space<vmem>> -> memref<128xf32, #tpu.memory_space<vmem>>
        %dma_wait3A_1159 = arith.constant 0 : i32
        %dma_wait3A_1160 = tpu.memref_slice %arg8[%dma_wait3A_1159] : memref<256000xf32, #tpu.memory_space<vmem_shared>> -> memref<256000xf32, #tpu.memory_space<vmem_shared>>
        tpu.wait_indirect_dma semaphore(%run_scoped3A : memref<!tpu.dma_semaphore, #tpu.memory_space<semaphore_mem>>) src(%dma_wait3A_1158 : memref<128xf32, #tpu.memory_space<vmem>>) dst(%dma_wait3A_1160 : memref<256000xf32, #tpu.memory_space<vmem_shared>>)
        tpu.yield
      }) : () -> ()
      "tpu.region"() ({
        %run_scoped3A = tpu.sem_alloc : memref<!tpu.dma_semaphore, #tpu.memory_space<semaphore_mem>>
        %dma_start3A = arith.constant 1792 : i32
        %dma_start3A_1155 = tpu.memref_slice %arg6[%dma_start3A] : memref<2048xf32, #tpu.memory_space<vmem>> -> memref<128xf32, #tpu.memory_space<vmem>>
        %dma_start3A_1156 = arith.constant 0 : i32
        %dma_start3A_1157 = tpu.memref_slice %arg8[%dma_start3A_1156] : memref<256000xf32, #tpu.memory_space<vmem_shared>> -> memref<256000xf32, #tpu.memory_space<vmem_shared>>
        tpu.enqueue_indirect_dma source(%dma_start3A_1155 : memref<128xf32, #tpu.memory_space<vmem>>) target(%dma_start3A_1157 : memref<256000xf32, #tpu.memory_space<vmem_shared>>) offsets(%arg23 : memref<128xi32, #tpu.memory_space<vmem>>) semaphore(%run_scoped3A : memref<!tpu.dma_semaphore, #tpu.memory_space<semaphore_mem>>) {add = true}
        %dma_wait3A = arith.constant 1792 : i32
        %dma_wait3A_1158 = tpu.memref_slice %arg6[%dma_wait3A] : memref<2048xf32, #tpu.memory_space<vmem>> -> memref<128xf32, #tpu.memory_space<vmem>>
        %dma_wait3A_1159 = arith.constant 0 : i32
        %dma_wait3A_1160 = tpu.memref_slice %arg8[%dma_wait3A_1159] : memref<256000xf32, #tpu.memory_space<vmem_shared>> -> memref<256000xf32, #tpu.memory_space<vmem_shared>>
        tpu.wait_indirect_dma semaphore(%run_scoped3A : memref<!tpu.dma_semaphore, #tpu.memory_space<semaphore_mem>>) src(%dma_wait3A_1158 : memref<128xf32, #tpu.memory_space<vmem>>) dst(%dma_wait3A_1160 : memref<256000xf32, #tpu.memory_space<vmem_shared>>)
        tpu.yield
      }) : () -> ()
      "tpu.region"() ({
        %run_scoped3A = tpu.sem_alloc : memref<!tpu.dma_semaphore, #tpu.memory_space<semaphore_mem>>
        %dma_start3A = arith.constant 1920 : i32
        %dma_start3A_1155 = tpu.memref_slice %arg6[%dma_start3A] : memref<2048xf32, #tpu.memory_space<vmem>> -> memref<128xf32, #tpu.memory_space<vmem>>
        %dma_start3A_1156 = arith.constant 0 : i32
        %dma_start3A_1157 = tpu.memref_slice %arg8[%dma_start3A_1156] : memref<256000xf32, #tpu.memory_space<vmem_shared>> -> memref<256000xf32, #tpu.memory_space<vmem_shared>>
        tpu.enqueue_indirect_dma source(%dma_start3A_1155 : memref<128xf32, #tpu.memory_space<vmem>>) target(%dma_start3A_1157 : memref<256000xf32, #tpu.memory_space<vmem_shared>>) offsets(%arg24 : memref<128xi32, #tpu.memory_space<vmem>>) semaphore(%run_scoped3A : memref<!tpu.dma_semaphore, #tpu.memory_space<semaphore_mem>>) {add = true}
        %dma_wait3A = arith.constant 1920 : i32
        %dma_wait3A_1158 = tpu.memref_slice %arg6[%dma_wait3A] : memref<2048xf32, #tpu.memory_space<vmem>> -> memref<128xf32, #tpu.memory_space<vmem>>
        %dma_wait3A_1159 = arith.constant 0 : i32
        %dma_wait3A_1160 = tpu.memref_slice %arg8[%dma_wait3A_1159] : memref<256000xf32, #tpu.memory_space<vmem_shared>> -> memref<256000xf32, #tpu.memory_space<vmem_shared>>
        tpu.wait_indirect_dma semaphore(%run_scoped3A : memref<!tpu.dma_semaphore, #tpu.memory_space<semaphore_mem>>) src(%dma_wait3A_1158 : memref<128xf32, #tpu.memory_space<vmem>>) dst(%dma_wait3A_1160 : memref<256000xf32, #tpu.memory_space<vmem_shared>>)
        tpu.yield
      }) : () -> ()
      "tpu.region"() ({
        %run_scoped3A = tpu.sem_alloc : memref<!tpu.dma_semaphore, #tpu.memory_space<semaphore_mem>>
        %dma_start3A = arith.constant 0 : i32
        %dma_start3A_1155 = tpu.memref_slice %arg5[%add3A, %dma_start3A] : memref<16x32000xf32, #tpu.memory_space<hbm>> -> memref<1x32000xf32, #tpu.memory_space<hbm>>
        %dma_start3A_1156 = tpu.memref_squeeze %dma_start3A_1155 : memref<1x32000xf32, #tpu.memory_space<hbm>> -> memref<32000xf32, #tpu.memory_space<hbm>>
        %dma_start3A_1157 = tpu.memref_slice %arg8[%mul3A_4] : memref<256000xf32, #tpu.memory_space<vmem_shared>> -> memref<32000xf32, #tpu.memory_space<vmem_shared>>
        tpu.enqueue_dma source(%dma_start3A_1157 : memref<32000xf32, #tpu.memory_space<vmem_shared>>) target(%dma_start3A_1156 : memref<32000xf32, #tpu.memory_space<hbm>>) target_semaphore(%run_scoped3A : memref<!tpu.dma_semaphore, #tpu.memory_space<semaphore_mem>>)
        %dma_wait3A = arith.constant 0 : i32
        %dma_wait3A_1158 = tpu.memref_slice %arg5[%add3A, %dma_wait3A] : memref<16x32000xf32, #tpu.memory_space<hbm>> -> memref<1x32000xf32, #tpu.memory_space<hbm>>
        %dma_wait3A_1159 = tpu.memref_squeeze %dma_wait3A_1158 : memref<1x32000xf32, #tpu.memory_space<hbm>> -> memref<32000xf32, #tpu.memory_space<hbm>>
        %dma_wait3A_1160 = tpu.memref_slice %arg8[%mul3A_4] : memref<256000xf32, #tpu.memory_space<vmem_shared>> -> memref<32000xf32, #tpu.memory_space<vmem_shared>>
        tpu.wait_dma2 semaphore(%run_scoped3A : memref<!tpu.dma_semaphore, #tpu.memory_space<semaphore_mem>>) src(%dma_wait3A_1160 : memref<32000xf32, #tpu.memory_space<vmem_shared>>) dst(%dma_wait3A_1159 : memref<32000xf32, #tpu.memory_space<hbm>>)
        tpu.yield
      }) : () -> ()
    } else {
    }
    return
  }
}

module attributes {stable_mosaic.version = 14 : i64} {
  func.func @_ab_body(%arg0: i32, %arg1: memref<16x1xi32, #tpu.memory_space<smem>>, %arg2: memref<32000x128xf32, #tpu.memory_space<any>>, %arg3: memref<2x16x512xf32, #tpu.memory_space<vmem>>, %arg4: memref<1536x128xf32, #tpu.memory_space<vmem>>, %arg5: memref<1536xf32, #tpu.memory_space<vmem>>, %arg6: memref<1536x512xf32, #tpu.memory_space<vmem>>, %arg7: memref<1536xf32, #tpu.memory_space<vmem>>, %arg8: memref<1536x512xf32, #tpu.memory_space<vmem>>, %arg9: memref<1536xf32, #tpu.memory_space<vmem>>, %arg10: memref<1536x512xf32, #tpu.memory_space<vmem>>, %arg11: memref<1536xf32, #tpu.memory_space<vmem>>, %arg12: memref<16x128xf32, #tpu.memory_space<vmem>>, %arg13: memref<2x16x512xf32, #tpu.memory_space<vmem>>, %arg14: memref<!tpu.dma_semaphore, #tpu.memory_space<semaphore_mem>>) attributes {dimension_semantics = [#tpu.dimension_semantics<arbitrary>], iteration_bounds = array<i64: 1>, scalar_prefetch = 0 : i64, scratch_operands = 1 : i64, tpu.core_type = #tpu.core_type<tc>, window_params = [{transform_indices = @transform_0, window_bounds = array<i64: 16, 1>}, {}, {pipeline_mode = #tpu.pipeline_mode<synchronous>, transform_indices = @transform_2, window_bounds = array<i64: 2, 16, 512>}, {pipeline_mode = #tpu.pipeline_mode<synchronous>, transform_indices = @transform_3, window_bounds = array<i64: 1536, 128>}, {pipeline_mode = #tpu.pipeline_mode<synchronous>, transform_indices = @transform_4, window_bounds = array<i64: 1536>}, {pipeline_mode = #tpu.pipeline_mode<synchronous>, transform_indices = @transform_5, window_bounds = array<i64: 1536, 512>}, {pipeline_mode = #tpu.pipeline_mode<synchronous>, transform_indices = @transform_6, window_bounds = array<i64: 1536>}, {pipeline_mode = #tpu.pipeline_mode<synchronous>, transform_indices = @transform_7, window_bounds = array<i64: 1536, 512>}, {pipeline_mode = #tpu.pipeline_mode<synchronous>, transform_indices = @transform_8, window_bounds = array<i64: 1536>}, {pipeline_mode = #tpu.pipeline_mode<synchronous>, transform_indices = @transform_9, window_bounds = array<i64: 1536, 512>}, {pipeline_mode = #tpu.pipeline_mode<synchronous>, transform_indices = @transform_10, window_bounds = array<i64: 1536>}, {pipeline_mode = #tpu.pipeline_mode<synchronous>, transform_indices = @transform_11, window_bounds = array<i64: 16, 128>}, {pipeline_mode = #tpu.pipeline_mode<synchronous>, transform_indices = @transform_12, window_bounds = array<i64: 2, 16, 512>}]} {
    %get3A = arith.constant 0 : index
    %get3A_0 = arith.constant 0 : index
    %get3A_1 = memref.load %arg1[%get3A, %get3A_0] : memref<16x1xi32, #tpu.memory_space<smem>>
    %dma_start3A = arith.constant 0 : i32
    %dma_start3A_2 = arith.constant 0 : i32
    %dma_start3A_3 = tpu.memref_slice %arg12[%dma_start3A, %dma_start3A_2] : memref<16x128xf32, #tpu.memory_space<vmem>> -> memref<1x128xf32, #tpu.memory_space<vmem>>
    %dma_start3A_4 = arith.constant 0 : i32
    %dma_start3A_5 = tpu.memref_slice %arg2[%get3A_1, %dma_start3A_4] : memref<32000x128xf32, #tpu.memory_space<any>> -> memref<1x128xf32, #tpu.memory_space<any>>
    tpu.enqueue_dma source(%dma_start3A_5 : memref<1x128xf32, #tpu.memory_space<any>>) target(%dma_start3A_3 : memref<1x128xf32, #tpu.memory_space<vmem>>) target_semaphore(%arg14 : memref<!tpu.dma_semaphore, #tpu.memory_space<semaphore_mem>>)
    %get3A_6 = arith.constant 1 : index
    %get3A_7 = arith.constant 0 : index
    %get3A_8 = memref.load %arg1[%get3A_6, %get3A_7] : memref<16x1xi32, #tpu.memory_space<smem>>
    %dma_start3A_9 = arith.constant 1 : i32
    %dma_start3A_10 = arith.constant 0 : i32
    %dma_start3A_11 = tpu.memref_slice %arg12[%dma_start3A_9, %dma_start3A_10] : memref<16x128xf32, #tpu.memory_space<vmem>> -> memref<1x128xf32, #tpu.memory_space<vmem>>
    %dma_start3A_12 = arith.constant 0 : i32
    %dma_start3A_13 = tpu.memref_slice %arg2[%get3A_8, %dma_start3A_12] : memref<32000x128xf32, #tpu.memory_space<any>> -> memref<1x128xf32, #tpu.memory_space<any>>
    tpu.enqueue_dma source(%dma_start3A_13 : memref<1x128xf32, #tpu.memory_space<any>>) target(%dma_start3A_11 : memref<1x128xf32, #tpu.memory_space<vmem>>) target_semaphore(%arg14 : memref<!tpu.dma_semaphore, #tpu.memory_space<semaphore_mem>>)
    %get3A_14 = arith.constant 2 : index
    %get3A_15 = arith.constant 0 : index
    %get3A_16 = memref.load %arg1[%get3A_14, %get3A_15] : memref<16x1xi32, #tpu.memory_space<smem>>
    %dma_start3A_17 = arith.constant 2 : i32
    %dma_start3A_18 = arith.constant 0 : i32
    %dma_start3A_19 = tpu.memref_slice %arg12[%dma_start3A_17, %dma_start3A_18] : memref<16x128xf32, #tpu.memory_space<vmem>> -> memref<1x128xf32, #tpu.memory_space<vmem>>
    %dma_start3A_20 = arith.constant 0 : i32
    %dma_start3A_21 = tpu.memref_slice %arg2[%get3A_16, %dma_start3A_20] : memref<32000x128xf32, #tpu.memory_space<any>> -> memref<1x128xf32, #tpu.memory_space<any>>
    tpu.enqueue_dma source(%dma_start3A_21 : memref<1x128xf32, #tpu.memory_space<any>>) target(%dma_start3A_19 : memref<1x128xf32, #tpu.memory_space<vmem>>) target_semaphore(%arg14 : memref<!tpu.dma_semaphore, #tpu.memory_space<semaphore_mem>>)
    %get3A_22 = arith.constant 3 : index
    %get3A_23 = arith.constant 0 : index
    %get3A_24 = memref.load %arg1[%get3A_22, %get3A_23] : memref<16x1xi32, #tpu.memory_space<smem>>
    %dma_start3A_25 = arith.constant 3 : i32
    %dma_start3A_26 = arith.constant 0 : i32
    %dma_start3A_27 = tpu.memref_slice %arg12[%dma_start3A_25, %dma_start3A_26] : memref<16x128xf32, #tpu.memory_space<vmem>> -> memref<1x128xf32, #tpu.memory_space<vmem>>
    %dma_start3A_28 = arith.constant 0 : i32
    %dma_start3A_29 = tpu.memref_slice %arg2[%get3A_24, %dma_start3A_28] : memref<32000x128xf32, #tpu.memory_space<any>> -> memref<1x128xf32, #tpu.memory_space<any>>
    tpu.enqueue_dma source(%dma_start3A_29 : memref<1x128xf32, #tpu.memory_space<any>>) target(%dma_start3A_27 : memref<1x128xf32, #tpu.memory_space<vmem>>) target_semaphore(%arg14 : memref<!tpu.dma_semaphore, #tpu.memory_space<semaphore_mem>>)
    %get3A_30 = arith.constant 4 : index
    %get3A_31 = arith.constant 0 : index
    %get3A_32 = memref.load %arg1[%get3A_30, %get3A_31] : memref<16x1xi32, #tpu.memory_space<smem>>
    %dma_start3A_33 = arith.constant 4 : i32
    %dma_start3A_34 = arith.constant 0 : i32
    %dma_start3A_35 = tpu.memref_slice %arg12[%dma_start3A_33, %dma_start3A_34] : memref<16x128xf32, #tpu.memory_space<vmem>> -> memref<1x128xf32, #tpu.memory_space<vmem>>
    %dma_start3A_36 = arith.constant 0 : i32
    %dma_start3A_37 = tpu.memref_slice %arg2[%get3A_32, %dma_start3A_36] : memref<32000x128xf32, #tpu.memory_space<any>> -> memref<1x128xf32, #tpu.memory_space<any>>
    tpu.enqueue_dma source(%dma_start3A_37 : memref<1x128xf32, #tpu.memory_space<any>>) target(%dma_start3A_35 : memref<1x128xf32, #tpu.memory_space<vmem>>) target_semaphore(%arg14 : memref<!tpu.dma_semaphore, #tpu.memory_space<semaphore_mem>>)
    %get3A_38 = arith.constant 5 : index
    %get3A_39 = arith.constant 0 : index
    %get3A_40 = memref.load %arg1[%get3A_38, %get3A_39] : memref<16x1xi32, #tpu.memory_space<smem>>
    %dma_start3A_41 = arith.constant 5 : i32
    %dma_start3A_42 = arith.constant 0 : i32
    %dma_start3A_43 = tpu.memref_slice %arg12[%dma_start3A_41, %dma_start3A_42] : memref<16x128xf32, #tpu.memory_space<vmem>> -> memref<1x128xf32, #tpu.memory_space<vmem>>
    %dma_start3A_44 = arith.constant 0 : i32
    %dma_start3A_45 = tpu.memref_slice %arg2[%get3A_40, %dma_start3A_44] : memref<32000x128xf32, #tpu.memory_space<any>> -> memref<1x128xf32, #tpu.memory_space<any>>
    tpu.enqueue_dma source(%dma_start3A_45 : memref<1x128xf32, #tpu.memory_space<any>>) target(%dma_start3A_43 : memref<1x128xf32, #tpu.memory_space<vmem>>) target_semaphore(%arg14 : memref<!tpu.dma_semaphore, #tpu.memory_space<semaphore_mem>>)
    %get3A_46 = arith.constant 6 : index
    %get3A_47 = arith.constant 0 : index
    %get3A_48 = memref.load %arg1[%get3A_46, %get3A_47] : memref<16x1xi32, #tpu.memory_space<smem>>
    %dma_start3A_49 = arith.constant 6 : i32
    %dma_start3A_50 = arith.constant 0 : i32
    %dma_start3A_51 = tpu.memref_slice %arg12[%dma_start3A_49, %dma_start3A_50] : memref<16x128xf32, #tpu.memory_space<vmem>> -> memref<1x128xf32, #tpu.memory_space<vmem>>
    %dma_start3A_52 = arith.constant 0 : i32
    %dma_start3A_53 = tpu.memref_slice %arg2[%get3A_48, %dma_start3A_52] : memref<32000x128xf32, #tpu.memory_space<any>> -> memref<1x128xf32, #tpu.memory_space<any>>
    tpu.enqueue_dma source(%dma_start3A_53 : memref<1x128xf32, #tpu.memory_space<any>>) target(%dma_start3A_51 : memref<1x128xf32, #tpu.memory_space<vmem>>) target_semaphore(%arg14 : memref<!tpu.dma_semaphore, #tpu.memory_space<semaphore_mem>>)
    %get3A_54 = arith.constant 7 : index
    %get3A_55 = arith.constant 0 : index
    %get3A_56 = memref.load %arg1[%get3A_54, %get3A_55] : memref<16x1xi32, #tpu.memory_space<smem>>
    %dma_start3A_57 = arith.constant 7 : i32
    %dma_start3A_58 = arith.constant 0 : i32
    %dma_start3A_59 = tpu.memref_slice %arg12[%dma_start3A_57, %dma_start3A_58] : memref<16x128xf32, #tpu.memory_space<vmem>> -> memref<1x128xf32, #tpu.memory_space<vmem>>
    %dma_start3A_60 = arith.constant 0 : i32
    %dma_start3A_61 = tpu.memref_slice %arg2[%get3A_56, %dma_start3A_60] : memref<32000x128xf32, #tpu.memory_space<any>> -> memref<1x128xf32, #tpu.memory_space<any>>
    tpu.enqueue_dma source(%dma_start3A_61 : memref<1x128xf32, #tpu.memory_space<any>>) target(%dma_start3A_59 : memref<1x128xf32, #tpu.memory_space<vmem>>) target_semaphore(%arg14 : memref<!tpu.dma_semaphore, #tpu.memory_space<semaphore_mem>>)
    %get3A_62 = arith.constant 8 : index
    %get3A_63 = arith.constant 0 : index
    %get3A_64 = memref.load %arg1[%get3A_62, %get3A_63] : memref<16x1xi32, #tpu.memory_space<smem>>
    %dma_start3A_65 = arith.constant 8 : i32
    %dma_start3A_66 = arith.constant 0 : i32
    %dma_start3A_67 = tpu.memref_slice %arg12[%dma_start3A_65, %dma_start3A_66] : memref<16x128xf32, #tpu.memory_space<vmem>> -> memref<1x128xf32, #tpu.memory_space<vmem>>
    %dma_start3A_68 = arith.constant 0 : i32
    %dma_start3A_69 = tpu.memref_slice %arg2[%get3A_64, %dma_start3A_68] : memref<32000x128xf32, #tpu.memory_space<any>> -> memref<1x128xf32, #tpu.memory_space<any>>
    tpu.enqueue_dma source(%dma_start3A_69 : memref<1x128xf32, #tpu.memory_space<any>>) target(%dma_start3A_67 : memref<1x128xf32, #tpu.memory_space<vmem>>) target_semaphore(%arg14 : memref<!tpu.dma_semaphore, #tpu.memory_space<semaphore_mem>>)
    %get3A_70 = arith.constant 9 : index
    %get3A_71 = arith.constant 0 : index
    %get3A_72 = memref.load %arg1[%get3A_70, %get3A_71] : memref<16x1xi32, #tpu.memory_space<smem>>
    %dma_start3A_73 = arith.constant 9 : i32
    %dma_start3A_74 = arith.constant 0 : i32
    %dma_start3A_75 = tpu.memref_slice %arg12[%dma_start3A_73, %dma_start3A_74] : memref<16x128xf32, #tpu.memory_space<vmem>> -> memref<1x128xf32, #tpu.memory_space<vmem>>
    %dma_start3A_76 = arith.constant 0 : i32
    %dma_start3A_77 = tpu.memref_slice %arg2[%get3A_72, %dma_start3A_76] : memref<32000x128xf32, #tpu.memory_space<any>> -> memref<1x128xf32, #tpu.memory_space<any>>
    tpu.enqueue_dma source(%dma_start3A_77 : memref<1x128xf32, #tpu.memory_space<any>>) target(%dma_start3A_75 : memref<1x128xf32, #tpu.memory_space<vmem>>) target_semaphore(%arg14 : memref<!tpu.dma_semaphore, #tpu.memory_space<semaphore_mem>>)
    %get3A_78 = arith.constant 10 : index
    %get3A_79 = arith.constant 0 : index
    %get3A_80 = memref.load %arg1[%get3A_78, %get3A_79] : memref<16x1xi32, #tpu.memory_space<smem>>
    %dma_start3A_81 = arith.constant 10 : i32
    %dma_start3A_82 = arith.constant 0 : i32
    %dma_start3A_83 = tpu.memref_slice %arg12[%dma_start3A_81, %dma_start3A_82] : memref<16x128xf32, #tpu.memory_space<vmem>> -> memref<1x128xf32, #tpu.memory_space<vmem>>
    %dma_start3A_84 = arith.constant 0 : i32
    %dma_start3A_85 = tpu.memref_slice %arg2[%get3A_80, %dma_start3A_84] : memref<32000x128xf32, #tpu.memory_space<any>> -> memref<1x128xf32, #tpu.memory_space<any>>
    tpu.enqueue_dma source(%dma_start3A_85 : memref<1x128xf32, #tpu.memory_space<any>>) target(%dma_start3A_83 : memref<1x128xf32, #tpu.memory_space<vmem>>) target_semaphore(%arg14 : memref<!tpu.dma_semaphore, #tpu.memory_space<semaphore_mem>>)
    %get3A_86 = arith.constant 11 : index
    %get3A_87 = arith.constant 0 : index
    %get3A_88 = memref.load %arg1[%get3A_86, %get3A_87] : memref<16x1xi32, #tpu.memory_space<smem>>
    %dma_start3A_89 = arith.constant 11 : i32
    %dma_start3A_90 = arith.constant 0 : i32
    %dma_start3A_91 = tpu.memref_slice %arg12[%dma_start3A_89, %dma_start3A_90] : memref<16x128xf32, #tpu.memory_space<vmem>> -> memref<1x128xf32, #tpu.memory_space<vmem>>
    %dma_start3A_92 = arith.constant 0 : i32
    %dma_start3A_93 = tpu.memref_slice %arg2[%get3A_88, %dma_start3A_92] : memref<32000x128xf32, #tpu.memory_space<any>> -> memref<1x128xf32, #tpu.memory_space<any>>
    tpu.enqueue_dma source(%dma_start3A_93 : memref<1x128xf32, #tpu.memory_space<any>>) target(%dma_start3A_91 : memref<1x128xf32, #tpu.memory_space<vmem>>) target_semaphore(%arg14 : memref<!tpu.dma_semaphore, #tpu.memory_space<semaphore_mem>>)
    %get3A_94 = arith.constant 12 : index
    %get3A_95 = arith.constant 0 : index
    %get3A_96 = memref.load %arg1[%get3A_94, %get3A_95] : memref<16x1xi32, #tpu.memory_space<smem>>
    %dma_start3A_97 = arith.constant 12 : i32
    %dma_start3A_98 = arith.constant 0 : i32
    %dma_start3A_99 = tpu.memref_slice %arg12[%dma_start3A_97, %dma_start3A_98] : memref<16x128xf32, #tpu.memory_space<vmem>> -> memref<1x128xf32, #tpu.memory_space<vmem>>
    %dma_start3A_100 = arith.constant 0 : i32
    %dma_start3A_101 = tpu.memref_slice %arg2[%get3A_96, %dma_start3A_100] : memref<32000x128xf32, #tpu.memory_space<any>> -> memref<1x128xf32, #tpu.memory_space<any>>
    tpu.enqueue_dma source(%dma_start3A_101 : memref<1x128xf32, #tpu.memory_space<any>>) target(%dma_start3A_99 : memref<1x128xf32, #tpu.memory_space<vmem>>) target_semaphore(%arg14 : memref<!tpu.dma_semaphore, #tpu.memory_space<semaphore_mem>>)
    %get3A_102 = arith.constant 13 : index
    %get3A_103 = arith.constant 0 : index
    %get3A_104 = memref.load %arg1[%get3A_102, %get3A_103] : memref<16x1xi32, #tpu.memory_space<smem>>
    %dma_start3A_105 = arith.constant 13 : i32
    %dma_start3A_106 = arith.constant 0 : i32
    %dma_start3A_107 = tpu.memref_slice %arg12[%dma_start3A_105, %dma_start3A_106] : memref<16x128xf32, #tpu.memory_space<vmem>> -> memref<1x128xf32, #tpu.memory_space<vmem>>
    %dma_start3A_108 = arith.constant 0 : i32
    %dma_start3A_109 = tpu.memref_slice %arg2[%get3A_104, %dma_start3A_108] : memref<32000x128xf32, #tpu.memory_space<any>> -> memref<1x128xf32, #tpu.memory_space<any>>
    tpu.enqueue_dma source(%dma_start3A_109 : memref<1x128xf32, #tpu.memory_space<any>>) target(%dma_start3A_107 : memref<1x128xf32, #tpu.memory_space<vmem>>) target_semaphore(%arg14 : memref<!tpu.dma_semaphore, #tpu.memory_space<semaphore_mem>>)
    %get3A_110 = arith.constant 14 : index
    %get3A_111 = arith.constant 0 : index
    %get3A_112 = memref.load %arg1[%get3A_110, %get3A_111] : memref<16x1xi32, #tpu.memory_space<smem>>
    %dma_start3A_113 = arith.constant 14 : i32
    %dma_start3A_114 = arith.constant 0 : i32
    %dma_start3A_115 = tpu.memref_slice %arg12[%dma_start3A_113, %dma_start3A_114] : memref<16x128xf32, #tpu.memory_space<vmem>> -> memref<1x128xf32, #tpu.memory_space<vmem>>
    %dma_start3A_116 = arith.constant 0 : i32
    %dma_start3A_117 = tpu.memref_slice %arg2[%get3A_112, %dma_start3A_116] : memref<32000x128xf32, #tpu.memory_space<any>> -> memref<1x128xf32, #tpu.memory_space<any>>
    tpu.enqueue_dma source(%dma_start3A_117 : memref<1x128xf32, #tpu.memory_space<any>>) target(%dma_start3A_115 : memref<1x128xf32, #tpu.memory_space<vmem>>) target_semaphore(%arg14 : memref<!tpu.dma_semaphore, #tpu.memory_space<semaphore_mem>>)
    %get3A_118 = arith.constant 15 : index
    %get3A_119 = arith.constant 0 : index
    %get3A_120 = memref.load %arg1[%get3A_118, %get3A_119] : memref<16x1xi32, #tpu.memory_space<smem>>
    %dma_start3A_121 = arith.constant 15 : i32
    %dma_start3A_122 = arith.constant 0 : i32
    %dma_start3A_123 = tpu.memref_slice %arg12[%dma_start3A_121, %dma_start3A_122] : memref<16x128xf32, #tpu.memory_space<vmem>> -> memref<1x128xf32, #tpu.memory_space<vmem>>
    %dma_start3A_124 = arith.constant 0 : i32
    %dma_start3A_125 = tpu.memref_slice %arg2[%get3A_120, %dma_start3A_124] : memref<32000x128xf32, #tpu.memory_space<any>> -> memref<1x128xf32, #tpu.memory_space<any>>
    tpu.enqueue_dma source(%dma_start3A_125 : memref<1x128xf32, #tpu.memory_space<any>>) target(%dma_start3A_123 : memref<1x128xf32, #tpu.memory_space<vmem>>) target_semaphore(%arg14 : memref<!tpu.dma_semaphore, #tpu.memory_space<semaphore_mem>>)
    %dma_wait3A = arith.constant 0 : i32
    %dma_wait3A_126 = arith.constant 0 : i32
    %dma_wait3A_127 = tpu.memref_slice %arg12[%dma_wait3A, %dma_wait3A_126] : memref<16x128xf32, #tpu.memory_space<vmem>> -> memref<1x128xf32, #tpu.memory_space<vmem>>
    %dma_wait3A_128 = arith.constant 0 : i32
    %dma_wait3A_129 = tpu.memref_slice %arg2[%get3A_1, %dma_wait3A_128] : memref<32000x128xf32, #tpu.memory_space<any>> -> memref<1x128xf32, #tpu.memory_space<any>>
    tpu.wait_dma2 semaphore(%arg14 : memref<!tpu.dma_semaphore, #tpu.memory_space<semaphore_mem>>) src(%dma_wait3A_129 : memref<1x128xf32, #tpu.memory_space<any>>) dst(%dma_wait3A_127 : memref<1x128xf32, #tpu.memory_space<vmem>>)
    %dma_wait3A_130 = arith.constant 1 : i32
    %dma_wait3A_131 = arith.constant 0 : i32
    %dma_wait3A_132 = tpu.memref_slice %arg12[%dma_wait3A_130, %dma_wait3A_131] : memref<16x128xf32, #tpu.memory_space<vmem>> -> memref<1x128xf32, #tpu.memory_space<vmem>>
    %dma_wait3A_133 = arith.constant 0 : i32
    %dma_wait3A_134 = tpu.memref_slice %arg2[%get3A_8, %dma_wait3A_133] : memref<32000x128xf32, #tpu.memory_space<any>> -> memref<1x128xf32, #tpu.memory_space<any>>
    tpu.wait_dma2 semaphore(%arg14 : memref<!tpu.dma_semaphore, #tpu.memory_space<semaphore_mem>>) src(%dma_wait3A_134 : memref<1x128xf32, #tpu.memory_space<any>>) dst(%dma_wait3A_132 : memref<1x128xf32, #tpu.memory_space<vmem>>)
    %dma_wait3A_135 = arith.constant 2 : i32
    %dma_wait3A_136 = arith.constant 0 : i32
    %dma_wait3A_137 = tpu.memref_slice %arg12[%dma_wait3A_135, %dma_wait3A_136] : memref<16x128xf32, #tpu.memory_space<vmem>> -> memref<1x128xf32, #tpu.memory_space<vmem>>
    %dma_wait3A_138 = arith.constant 0 : i32
    %dma_wait3A_139 = tpu.memref_slice %arg2[%get3A_16, %dma_wait3A_138] : memref<32000x128xf32, #tpu.memory_space<any>> -> memref<1x128xf32, #tpu.memory_space<any>>
    tpu.wait_dma2 semaphore(%arg14 : memref<!tpu.dma_semaphore, #tpu.memory_space<semaphore_mem>>) src(%dma_wait3A_139 : memref<1x128xf32, #tpu.memory_space<any>>) dst(%dma_wait3A_137 : memref<1x128xf32, #tpu.memory_space<vmem>>)
    %dma_wait3A_140 = arith.constant 3 : i32
    %dma_wait3A_141 = arith.constant 0 : i32
    %dma_wait3A_142 = tpu.memref_slice %arg12[%dma_wait3A_140, %dma_wait3A_141] : memref<16x128xf32, #tpu.memory_space<vmem>> -> memref<1x128xf32, #tpu.memory_space<vmem>>
    %dma_wait3A_143 = arith.constant 0 : i32
    %dma_wait3A_144 = tpu.memref_slice %arg2[%get3A_24, %dma_wait3A_143] : memref<32000x128xf32, #tpu.memory_space<any>> -> memref<1x128xf32, #tpu.memory_space<any>>
    tpu.wait_dma2 semaphore(%arg14 : memref<!tpu.dma_semaphore, #tpu.memory_space<semaphore_mem>>) src(%dma_wait3A_144 : memref<1x128xf32, #tpu.memory_space<any>>) dst(%dma_wait3A_142 : memref<1x128xf32, #tpu.memory_space<vmem>>)
    %dma_wait3A_145 = arith.constant 4 : i32
    %dma_wait3A_146 = arith.constant 0 : i32
    %dma_wait3A_147 = tpu.memref_slice %arg12[%dma_wait3A_145, %dma_wait3A_146] : memref<16x128xf32, #tpu.memory_space<vmem>> -> memref<1x128xf32, #tpu.memory_space<vmem>>
    %dma_wait3A_148 = arith.constant 0 : i32
    %dma_wait3A_149 = tpu.memref_slice %arg2[%get3A_32, %dma_wait3A_148] : memref<32000x128xf32, #tpu.memory_space<any>> -> memref<1x128xf32, #tpu.memory_space<any>>
    tpu.wait_dma2 semaphore(%arg14 : memref<!tpu.dma_semaphore, #tpu.memory_space<semaphore_mem>>) src(%dma_wait3A_149 : memref<1x128xf32, #tpu.memory_space<any>>) dst(%dma_wait3A_147 : memref<1x128xf32, #tpu.memory_space<vmem>>)
    %dma_wait3A_150 = arith.constant 5 : i32
    %dma_wait3A_151 = arith.constant 0 : i32
    %dma_wait3A_152 = tpu.memref_slice %arg12[%dma_wait3A_150, %dma_wait3A_151] : memref<16x128xf32, #tpu.memory_space<vmem>> -> memref<1x128xf32, #tpu.memory_space<vmem>>
    %dma_wait3A_153 = arith.constant 0 : i32
    %dma_wait3A_154 = tpu.memref_slice %arg2[%get3A_40, %dma_wait3A_153] : memref<32000x128xf32, #tpu.memory_space<any>> -> memref<1x128xf32, #tpu.memory_space<any>>
    tpu.wait_dma2 semaphore(%arg14 : memref<!tpu.dma_semaphore, #tpu.memory_space<semaphore_mem>>) src(%dma_wait3A_154 : memref<1x128xf32, #tpu.memory_space<any>>) dst(%dma_wait3A_152 : memref<1x128xf32, #tpu.memory_space<vmem>>)
    %dma_wait3A_155 = arith.constant 6 : i32
    %dma_wait3A_156 = arith.constant 0 : i32
    %dma_wait3A_157 = tpu.memref_slice %arg12[%dma_wait3A_155, %dma_wait3A_156] : memref<16x128xf32, #tpu.memory_space<vmem>> -> memref<1x128xf32, #tpu.memory_space<vmem>>
    %dma_wait3A_158 = arith.constant 0 : i32
    %dma_wait3A_159 = tpu.memref_slice %arg2[%get3A_48, %dma_wait3A_158] : memref<32000x128xf32, #tpu.memory_space<any>> -> memref<1x128xf32, #tpu.memory_space<any>>
    tpu.wait_dma2 semaphore(%arg14 : memref<!tpu.dma_semaphore, #tpu.memory_space<semaphore_mem>>) src(%dma_wait3A_159 : memref<1x128xf32, #tpu.memory_space<any>>) dst(%dma_wait3A_157 : memref<1x128xf32, #tpu.memory_space<vmem>>)
    %dma_wait3A_160 = arith.constant 7 : i32
    %dma_wait3A_161 = arith.constant 0 : i32
    %dma_wait3A_162 = tpu.memref_slice %arg12[%dma_wait3A_160, %dma_wait3A_161] : memref<16x128xf32, #tpu.memory_space<vmem>> -> memref<1x128xf32, #tpu.memory_space<vmem>>
    %dma_wait3A_163 = arith.constant 0 : i32
    %dma_wait3A_164 = tpu.memref_slice %arg2[%get3A_56, %dma_wait3A_163] : memref<32000x128xf32, #tpu.memory_space<any>> -> memref<1x128xf32, #tpu.memory_space<any>>
    tpu.wait_dma2 semaphore(%arg14 : memref<!tpu.dma_semaphore, #tpu.memory_space<semaphore_mem>>) src(%dma_wait3A_164 : memref<1x128xf32, #tpu.memory_space<any>>) dst(%dma_wait3A_162 : memref<1x128xf32, #tpu.memory_space<vmem>>)
    %dma_wait3A_165 = arith.constant 8 : i32
    %dma_wait3A_166 = arith.constant 0 : i32
    %dma_wait3A_167 = tpu.memref_slice %arg12[%dma_wait3A_165, %dma_wait3A_166] : memref<16x128xf32, #tpu.memory_space<vmem>> -> memref<1x128xf32, #tpu.memory_space<vmem>>
    %dma_wait3A_168 = arith.constant 0 : i32
    %dma_wait3A_169 = tpu.memref_slice %arg2[%get3A_64, %dma_wait3A_168] : memref<32000x128xf32, #tpu.memory_space<any>> -> memref<1x128xf32, #tpu.memory_space<any>>
    tpu.wait_dma2 semaphore(%arg14 : memref<!tpu.dma_semaphore, #tpu.memory_space<semaphore_mem>>) src(%dma_wait3A_169 : memref<1x128xf32, #tpu.memory_space<any>>) dst(%dma_wait3A_167 : memref<1x128xf32, #tpu.memory_space<vmem>>)
    %dma_wait3A_170 = arith.constant 9 : i32
    %dma_wait3A_171 = arith.constant 0 : i32
    %dma_wait3A_172 = tpu.memref_slice %arg12[%dma_wait3A_170, %dma_wait3A_171] : memref<16x128xf32, #tpu.memory_space<vmem>> -> memref<1x128xf32, #tpu.memory_space<vmem>>
    %dma_wait3A_173 = arith.constant 0 : i32
    %dma_wait3A_174 = tpu.memref_slice %arg2[%get3A_72, %dma_wait3A_173] : memref<32000x128xf32, #tpu.memory_space<any>> -> memref<1x128xf32, #tpu.memory_space<any>>
    tpu.wait_dma2 semaphore(%arg14 : memref<!tpu.dma_semaphore, #tpu.memory_space<semaphore_mem>>) src(%dma_wait3A_174 : memref<1x128xf32, #tpu.memory_space<any>>) dst(%dma_wait3A_172 : memref<1x128xf32, #tpu.memory_space<vmem>>)
    %dma_wait3A_175 = arith.constant 10 : i32
    %dma_wait3A_176 = arith.constant 0 : i32
    %dma_wait3A_177 = tpu.memref_slice %arg12[%dma_wait3A_175, %dma_wait3A_176] : memref<16x128xf32, #tpu.memory_space<vmem>> -> memref<1x128xf32, #tpu.memory_space<vmem>>
    %dma_wait3A_178 = arith.constant 0 : i32
    %dma_wait3A_179 = tpu.memref_slice %arg2[%get3A_80, %dma_wait3A_178] : memref<32000x128xf32, #tpu.memory_space<any>> -> memref<1x128xf32, #tpu.memory_space<any>>
    tpu.wait_dma2 semaphore(%arg14 : memref<!tpu.dma_semaphore, #tpu.memory_space<semaphore_mem>>) src(%dma_wait3A_179 : memref<1x128xf32, #tpu.memory_space<any>>) dst(%dma_wait3A_177 : memref<1x128xf32, #tpu.memory_space<vmem>>)
    %dma_wait3A_180 = arith.constant 11 : i32
    %dma_wait3A_181 = arith.constant 0 : i32
    %dma_wait3A_182 = tpu.memref_slice %arg12[%dma_wait3A_180, %dma_wait3A_181] : memref<16x128xf32, #tpu.memory_space<vmem>> -> memref<1x128xf32, #tpu.memory_space<vmem>>
    %dma_wait3A_183 = arith.constant 0 : i32
    %dma_wait3A_184 = tpu.memref_slice %arg2[%get3A_88, %dma_wait3A_183] : memref<32000x128xf32, #tpu.memory_space<any>> -> memref<1x128xf32, #tpu.memory_space<any>>
    tpu.wait_dma2 semaphore(%arg14 : memref<!tpu.dma_semaphore, #tpu.memory_space<semaphore_mem>>) src(%dma_wait3A_184 : memref<1x128xf32, #tpu.memory_space<any>>) dst(%dma_wait3A_182 : memref<1x128xf32, #tpu.memory_space<vmem>>)
    %dma_wait3A_185 = arith.constant 12 : i32
    %dma_wait3A_186 = arith.constant 0 : i32
    %dma_wait3A_187 = tpu.memref_slice %arg12[%dma_wait3A_185, %dma_wait3A_186] : memref<16x128xf32, #tpu.memory_space<vmem>> -> memref<1x128xf32, #tpu.memory_space<vmem>>
    %dma_wait3A_188 = arith.constant 0 : i32
    %dma_wait3A_189 = tpu.memref_slice %arg2[%get3A_96, %dma_wait3A_188] : memref<32000x128xf32, #tpu.memory_space<any>> -> memref<1x128xf32, #tpu.memory_space<any>>
    tpu.wait_dma2 semaphore(%arg14 : memref<!tpu.dma_semaphore, #tpu.memory_space<semaphore_mem>>) src(%dma_wait3A_189 : memref<1x128xf32, #tpu.memory_space<any>>) dst(%dma_wait3A_187 : memref<1x128xf32, #tpu.memory_space<vmem>>)
    %dma_wait3A_190 = arith.constant 13 : i32
    %dma_wait3A_191 = arith.constant 0 : i32
    %dma_wait3A_192 = tpu.memref_slice %arg12[%dma_wait3A_190, %dma_wait3A_191] : memref<16x128xf32, #tpu.memory_space<vmem>> -> memref<1x128xf32, #tpu.memory_space<vmem>>
    %dma_wait3A_193 = arith.constant 0 : i32
    %dma_wait3A_194 = tpu.memref_slice %arg2[%get3A_104, %dma_wait3A_193] : memref<32000x128xf32, #tpu.memory_space<any>> -> memref<1x128xf32, #tpu.memory_space<any>>
    tpu.wait_dma2 semaphore(%arg14 : memref<!tpu.dma_semaphore, #tpu.memory_space<semaphore_mem>>) src(%dma_wait3A_194 : memref<1x128xf32, #tpu.memory_space<any>>) dst(%dma_wait3A_192 : memref<1x128xf32, #tpu.memory_space<vmem>>)
    %dma_wait3A_195 = arith.constant 14 : i32
    %dma_wait3A_196 = arith.constant 0 : i32
    %dma_wait3A_197 = tpu.memref_slice %arg12[%dma_wait3A_195, %dma_wait3A_196] : memref<16x128xf32, #tpu.memory_space<vmem>> -> memref<1x128xf32, #tpu.memory_space<vmem>>
    %dma_wait3A_198 = arith.constant 0 : i32
    %dma_wait3A_199 = tpu.memref_slice %arg2[%get3A_112, %dma_wait3A_198] : memref<32000x128xf32, #tpu.memory_space<any>> -> memref<1x128xf32, #tpu.memory_space<any>>
    tpu.wait_dma2 semaphore(%arg14 : memref<!tpu.dma_semaphore, #tpu.memory_space<semaphore_mem>>) src(%dma_wait3A_199 : memref<1x128xf32, #tpu.memory_space<any>>) dst(%dma_wait3A_197 : memref<1x128xf32, #tpu.memory_space<vmem>>)
    %dma_wait3A_200 = arith.constant 15 : i32
    %dma_wait3A_201 = arith.constant 0 : i32
    %dma_wait3A_202 = tpu.memref_slice %arg12[%dma_wait3A_200, %dma_wait3A_201] : memref<16x128xf32, #tpu.memory_space<vmem>> -> memref<1x128xf32, #tpu.memory_space<vmem>>
    %dma_wait3A_203 = arith.constant 0 : i32
    %dma_wait3A_204 = tpu.memref_slice %arg2[%get3A_120, %dma_wait3A_203] : memref<32000x128xf32, #tpu.memory_space<any>> -> memref<1x128xf32, #tpu.memory_space<any>>
    tpu.wait_dma2 semaphore(%arg14 : memref<!tpu.dma_semaphore, #tpu.memory_space<semaphore_mem>>) src(%dma_wait3A_204 : memref<1x128xf32, #tpu.memory_space<any>>) dst(%dma_wait3A_202 : memref<1x128xf32, #tpu.memory_space<vmem>>)
    %get3A_205 = arith.constant 0 : index
    %get3A_206 = arith.constant 0 : index
    %get3A_207 = vector.load %arg12[%get3A_205, %get3A_206] : memref<16x128xf32, #tpu.memory_space<vmem>>, vector<16x128xf32>
    %get3A_208 = arith.constant 0 : index
    %get3A_209 = arith.constant 0 : index
    %get3A_210 = arith.constant 0 : index
    %get3A_211 = vector.load %arg3[%get3A_208, %get3A_209, %get3A_210] : memref<2x16x512xf32, #tpu.memory_space<vmem>>, vector<1x16x512xf32>
    %get3A_212 = vector.shape_cast %get3A_211 : vector<1x16x512xf32> to vector<16x512xf32>
    %get3A_213 = arith.constant 0 : index
    %get3A_214 = arith.constant 0 : index
    %get3A_215 = vector.load %arg4[%get3A_213, %get3A_214] : memref<1536x128xf32, #tpu.memory_space<vmem>>, vector<1536x128xf32>
    %dot_general3A = arith.constant dense<0.000000e+00> : vector<16x1536xf32>
    %dot_general3A_216 = tpu.matmul %get3A_207, %get3A_215, %dot_general3A {dimension_numbers = #tpu.dot_dimension_numbers<[1], [1], [0], [0], [0, 0, 1, 0], [], []>, transpose_lhs_hint = false} : vector<16x128xf32>, vector<1536x128xf32>, vector<16x1536xf32> -> vector<16x1536xf32>
    %get3A_217 = arith.constant 0 : index
    %get3A_218 = vector.load %arg5[%get3A_217] : memref<1536xf32, #tpu.memory_space<vmem>>, vector<1536xf32>
    %broadcast_in_dim3A = vector.shape_cast %get3A_218 : vector<1536xf32> to vector<1x1536xf32>
    %add3A = vector.broadcast %broadcast_in_dim3A : vector<1x1536xf32> to vector<16x1536xf32>
    %add3A_219 = arith.addf %dot_general3A_216, %add3A : vector<16x1536xf32>
    %get3A_220 = arith.constant 0 : index
    %get3A_221 = arith.constant 0 : index
    %get3A_222 = vector.load %arg6[%get3A_220, %get3A_221] : memref<1536x512xf32, #tpu.memory_space<vmem>>, vector<1536x512xf32>
    %dot_general3A_223 = arith.constant dense<0.000000e+00> : vector<16x1536xf32>
    %dot_general3A_224 = tpu.matmul %get3A_212, %get3A_222, %dot_general3A_223 {dimension_numbers = #tpu.dot_dimension_numbers<[1], [1], [0], [0], [0, 0, 1, 0], [], []>, transpose_lhs_hint = false} : vector<16x512xf32>, vector<1536x512xf32>, vector<16x1536xf32> -> vector<16x1536xf32>
    %get3A_225 = arith.constant 0 : index
    %get3A_226 = vector.load %arg7[%get3A_225] : memref<1536xf32, #tpu.memory_space<vmem>>, vector<1536xf32>
    %broadcast_in_dim3A_227 = vector.shape_cast %get3A_226 : vector<1536xf32> to vector<1x1536xf32>
    %add3A_228 = vector.broadcast %broadcast_in_dim3A_227 : vector<1x1536xf32> to vector<16x1536xf32>
    %add3A_229 = arith.addf %dot_general3A_224, %add3A_228 : vector<16x1536xf32>
    %slice3A = vector.extract_strided_slice %add3A_219 {offsets = [0, 0], sizes = [16, 512], strides = [1, 1]} : vector<16x1536xf32> to vector<16x512xf32>
    %slice3A_230 = vector.extract_strided_slice %add3A_219 {offsets = [0, 512], sizes = [16, 512], strides = [1, 1]} : vector<16x1536xf32> to vector<16x512xf32>
    %slice3A_231 = vector.extract_strided_slice %add3A_219 {offsets = [0, 1024], sizes = [16, 512], strides = [1, 1]} : vector<16x1536xf32> to vector<16x512xf32>
    %slice3A_232 = vector.extract_strided_slice %add3A_229 {offsets = [0, 0], sizes = [16, 512], strides = [1, 1]} : vector<16x1536xf32> to vector<16x512xf32>
    %slice3A_233 = vector.extract_strided_slice %add3A_229 {offsets = [0, 512], sizes = [16, 512], strides = [1, 1]} : vector<16x1536xf32> to vector<16x512xf32>
    %slice3A_234 = vector.extract_strided_slice %add3A_229 {offsets = [0, 1024], sizes = [16, 512], strides = [1, 1]} : vector<16x1536xf32> to vector<16x512xf32>
    %add3A_235 = arith.addf %slice3A, %slice3A_232 : vector<16x512xf32>
    %logistic3A = arith.negf %add3A_235 : vector<16x512xf32>
    %logistic3A_236 = math.exp %logistic3A : vector<16x512xf32>
    %logistic3A_237 = arith.constant 1.000000e+00 : f32
    %logistic3A_238 = vector.broadcast %logistic3A_237 : f32 to vector<16x512xf32>
    %logistic3A_239 = arith.addf %logistic3A_238, %logistic3A_236 : vector<16x512xf32>
    %logistic3A_240 = arith.divf %logistic3A_238, %logistic3A_239 : vector<16x512xf32>
    %add3A_241 = arith.addf %slice3A_230, %slice3A_233 : vector<16x512xf32>
    %logistic3A_242 = arith.negf %add3A_241 : vector<16x512xf32>
    %logistic3A_243 = math.exp %logistic3A_242 : vector<16x512xf32>
    %logistic3A_244 = arith.constant 1.000000e+00 : f32
    %logistic3A_245 = vector.broadcast %logistic3A_244 : f32 to vector<16x512xf32>
    %logistic3A_246 = arith.addf %logistic3A_245, %logistic3A_243 : vector<16x512xf32>
    %logistic3A_247 = arith.divf %logistic3A_245, %logistic3A_246 : vector<16x512xf32>
    %mul3A = arith.mulf %logistic3A_240, %slice3A_234 : vector<16x512xf32>
    %add3A_248 = arith.addf %slice3A_231, %mul3A : vector<16x512xf32>
    %tanh3A = math.tanh %add3A_248 : vector<16x512xf32>
    %sub3A = arith.constant 1.000000e+00 : f32
    %sub3A_249 = vector.broadcast %sub3A : f32 to vector<16x512xf32>
    %sub3A_250 = arith.subf %sub3A_249, %logistic3A_247 : vector<16x512xf32>
    %mul3A_251 = arith.mulf %sub3A_250, %tanh3A : vector<16x512xf32>
    %mul3A_252 = arith.mulf %logistic3A_247, %get3A_212 : vector<16x512xf32>
    %add3A_253 = arith.addf %mul3A_251, %mul3A_252 : vector<16x512xf32>
    %get3A_254 = arith.constant 1 : index
    %get3A_255 = arith.constant 0 : index
    %get3A_256 = arith.constant 0 : index
    %get3A_257 = vector.load %arg3[%get3A_254, %get3A_255, %get3A_256] : memref<2x16x512xf32, #tpu.memory_space<vmem>>, vector<1x16x512xf32>
    %get3A_258 = vector.shape_cast %get3A_257 : vector<1x16x512xf32> to vector<16x512xf32>
    %get3A_259 = arith.constant 0 : index
    %get3A_260 = arith.constant 0 : index
    %get3A_261 = vector.load %arg8[%get3A_259, %get3A_260] : memref<1536x512xf32, #tpu.memory_space<vmem>>, vector<1536x512xf32>
    %dot_general3A_262 = arith.constant dense<0.000000e+00> : vector<16x1536xf32>
    %dot_general3A_263 = tpu.matmul %add3A_253, %get3A_261, %dot_general3A_262 {dimension_numbers = #tpu.dot_dimension_numbers<[1], [1], [0], [0], [0, 0, 1, 0], [], []>, transpose_lhs_hint = false} : vector<16x512xf32>, vector<1536x512xf32>, vector<16x1536xf32> -> vector<16x1536xf32>
    %get3A_264 = arith.constant 0 : index
    %get3A_265 = vector.load %arg9[%get3A_264] : memref<1536xf32, #tpu.memory_space<vmem>>, vector<1536xf32>
    %broadcast_in_dim3A_266 = vector.shape_cast %get3A_265 : vector<1536xf32> to vector<1x1536xf32>
    %add3A_267 = vector.broadcast %broadcast_in_dim3A_266 : vector<1x1536xf32> to vector<16x1536xf32>
    %add3A_268 = arith.addf %dot_general3A_263, %add3A_267 : vector<16x1536xf32>
    %get3A_269 = arith.constant 0 : index
    %get3A_270 = arith.constant 0 : index
    %get3A_271 = vector.load %arg10[%get3A_269, %get3A_270] : memref<1536x512xf32, #tpu.memory_space<vmem>>, vector<1536x512xf32>
    %dot_general3A_272 = arith.constant dense<0.000000e+00> : vector<16x1536xf32>
    %dot_general3A_273 = tpu.matmul %get3A_258, %get3A_271, %dot_general3A_272 {dimension_numbers = #tpu.dot_dimension_numbers<[1], [1], [0], [0], [0, 0, 1, 0], [], []>, transpose_lhs_hint = false} : vector<16x512xf32>, vector<1536x512xf32>, vector<16x1536xf32> -> vector<16x1536xf32>
    %get3A_274 = arith.constant 0 : index
    %get3A_275 = vector.load %arg11[%get3A_274] : memref<1536xf32, #tpu.memory_space<vmem>>, vector<1536xf32>
    %broadcast_in_dim3A_276 = vector.shape_cast %get3A_275 : vector<1536xf32> to vector<1x1536xf32>
    %add3A_277 = vector.broadcast %broadcast_in_dim3A_276 : vector<1x1536xf32> to vector<16x1536xf32>
    %add3A_278 = arith.addf %dot_general3A_273, %add3A_277 : vector<16x1536xf32>
    %slice3A_279 = vector.extract_strided_slice %add3A_268 {offsets = [0, 0], sizes = [16, 512], strides = [1, 1]} : vector<16x1536xf32> to vector<16x512xf32>
    %slice3A_280 = vector.extract_strided_slice %add3A_268 {offsets = [0, 512], sizes = [16, 512], strides = [1, 1]} : vector<16x1536xf32> to vector<16x512xf32>
    %slice3A_281 = vector.extract_strided_slice %add3A_268 {offsets = [0, 1024], sizes = [16, 512], strides = [1, 1]} : vector<16x1536xf32> to vector<16x512xf32>
    %slice3A_282 = vector.extract_strided_slice %add3A_278 {offsets = [0, 0], sizes = [16, 512], strides = [1, 1]} : vector<16x1536xf32> to vector<16x512xf32>
    %slice3A_283 = vector.extract_strided_slice %add3A_278 {offsets = [0, 512], sizes = [16, 512], strides = [1, 1]} : vector<16x1536xf32> to vector<16x512xf32>
    %slice3A_284 = vector.extract_strided_slice %add3A_278 {offsets = [0, 1024], sizes = [16, 512], strides = [1, 1]} : vector<16x1536xf32> to vector<16x512xf32>
    %add3A_285 = arith.addf %slice3A_279, %slice3A_282 : vector<16x512xf32>
    %logistic3A_286 = arith.negf %add3A_285 : vector<16x512xf32>
    %logistic3A_287 = math.exp %logistic3A_286 : vector<16x512xf32>
    %logistic3A_288 = arith.constant 1.000000e+00 : f32
    %logistic3A_289 = vector.broadcast %logistic3A_288 : f32 to vector<16x512xf32>
    %logistic3A_290 = arith.addf %logistic3A_289, %logistic3A_287 : vector<16x512xf32>
    %logistic3A_291 = arith.divf %logistic3A_289, %logistic3A_290 : vector<16x512xf32>
    %add3A_292 = arith.addf %slice3A_280, %slice3A_283 : vector<16x512xf32>
    %logistic3A_293 = arith.negf %add3A_292 : vector<16x512xf32>
    %logistic3A_294 = math.exp %logistic3A_293 : vector<16x512xf32>
    %logistic3A_295 = arith.constant 1.000000e+00 : f32
    %logistic3A_296 = vector.broadcast %logistic3A_295 : f32 to vector<16x512xf32>
    %logistic3A_297 = arith.addf %logistic3A_296, %logistic3A_294 : vector<16x512xf32>
    %logistic3A_298 = arith.divf %logistic3A_296, %logistic3A_297 : vector<16x512xf32>
    %mul3A_299 = arith.mulf %logistic3A_291, %slice3A_284 : vector<16x512xf32>
    %add3A_300 = arith.addf %slice3A_281, %mul3A_299 : vector<16x512xf32>
    %tanh3A_301 = math.tanh %add3A_300 : vector<16x512xf32>
    %sub3A_302 = arith.constant 1.000000e+00 : f32
    %sub3A_303 = vector.broadcast %sub3A_302 : f32 to vector<16x512xf32>
    %sub3A_304 = arith.subf %sub3A_303, %logistic3A_298 : vector<16x512xf32>
    %mul3A_305 = arith.mulf %sub3A_304, %tanh3A_301 : vector<16x512xf32>
    %mul3A_306 = arith.mulf %logistic3A_298, %get3A_258 : vector<16x512xf32>
    %add3A_307 = arith.addf %mul3A_305, %mul3A_306 : vector<16x512xf32>
    %swap3A = arith.constant 0 : index
    %swap3A_308 = arith.constant 0 : index
    %swap3A_309 = arith.constant 0 : index
    %swap3A_310 = vector.load %arg13[%swap3A, %swap3A_308, %swap3A_309] : memref<2x16x512xf32, #tpu.memory_space<vmem>>, vector<1x16x512xf32>
    %swap3A_311 = vector.shape_cast %swap3A_310 : vector<1x16x512xf32> to vector<16x512xf32>
    %swap3A_312 = vector.shape_cast %add3A_253 : vector<16x512xf32> to vector<1x16x512xf32>
    tpu.vector_store %arg13[%swap3A, %swap3A_308, %swap3A_309], %swap3A_312 {strides = array<i32>} : memref<2x16x512xf32, #tpu.memory_space<vmem>>, vector<1x16x512xf32>,
    %swap3A_313 = arith.constant 1 : index
    %swap3A_314 = arith.constant 0 : index
    %swap3A_315 = arith.constant 0 : index
    %swap3A_316 = vector.load %arg13[%swap3A_313, %swap3A_314, %swap3A_315] : memref<2x16x512xf32, #tpu.memory_space<vmem>>, vector<1x16x512xf32>
    %swap3A_317 = vector.shape_cast %swap3A_316 : vector<1x16x512xf32> to vector<16x512xf32>
    %swap3A_318 = vector.shape_cast %add3A_307 : vector<16x512xf32> to vector<1x16x512xf32>
    tpu.vector_store %arg13[%swap3A_313, %swap3A_314, %swap3A_315], %swap3A_318 {strides = array<i32>} : memref<2x16x512xf32, #tpu.memory_space<vmem>>, vector<1x16x512xf32>,
    return
  }
  func.func @transform_0(%arg0: i32) -> (i32, i32) {
    %c0_i32 = arith.constant 0 : i32
    %c0_i32_0 = arith.constant 0 : i32
    %c0_i32_1 = arith.constant 0 : i32
    return %c0_i32, %c0_i32_0 : i32, i32
  }
  func.func @transform_2(%arg0: i32) -> (i32, i32, i32) {
    %c0_i32 = arith.constant 0 : i32
    %c0_i32_0 = arith.constant 0 : i32
    %c0_i32_1 = arith.constant 0 : i32
    %c0_i32_2 = arith.constant 0 : i32
    return %c0_i32, %c0_i32_0, %c0_i32_1 : i32, i32, i32
  }
  func.func @transform_3(%arg0: i32) -> (i32, i32) {
    %c0_i32 = arith.constant 0 : i32
    %c0_i32_0 = arith.constant 0 : i32
    %c0_i32_1 = arith.constant 0 : i32
    return %c0_i32, %c0_i32_0 : i32, i32
  }
  func.func @transform_4(%arg0: i32) -> i32 {
    %c0_i32 = arith.constant 0 : i32
    %c0_i32_0 = arith.constant 0 : i32
    return %c0_i32 : i32
  }
  func.func @transform_5(%arg0: i32) -> (i32, i32) {
    %c0_i32 = arith.constant 0 : i32
    %c0_i32_0 = arith.constant 0 : i32
    %c0_i32_1 = arith.constant 0 : i32
    return %c0_i32, %c0_i32_0 : i32, i32
  }
  func.func @transform_6(%arg0: i32) -> i32 {
    %c0_i32 = arith.constant 0 : i32
    %c0_i32_0 = arith.constant 0 : i32
    return %c0_i32 : i32
  }
  func.func @transform_7(%arg0: i32) -> (i32, i32) {
    %c0_i32 = arith.constant 0 : i32
    %c0_i32_0 = arith.constant 0 : i32
    %c0_i32_1 = arith.constant 0 : i32
    return %c0_i32, %c0_i32_0 : i32, i32
  }
  func.func @transform_8(%arg0: i32) -> i32 {
    %c0_i32 = arith.constant 0 : i32
    %c0_i32_0 = arith.constant 0 : i32
    return %c0_i32 : i32
  }
  func.func @transform_9(%arg0: i32) -> (i32, i32) {
    %c0_i32 = arith.constant 0 : i32
    %c0_i32_0 = arith.constant 0 : i32
    %c0_i32_1 = arith.constant 0 : i32
    return %c0_i32, %c0_i32_0 : i32, i32
  }
  func.func @transform_10(%arg0: i32) -> i32 {
    %c0_i32 = arith.constant 0 : i32
    %c0_i32_0 = arith.constant 0 : i32
    return %c0_i32 : i32
  }
  func.func @transform_11(%arg0: i32) -> (i32, i32) {
    %c0_i32 = arith.constant 0 : i32
    %c0_i32_0 = arith.constant 0 : i32
    %c0_i32_1 = arith.constant 0 : i32
    return %c0_i32, %c0_i32_0 : i32, i32
  }
  func.func @transform_12(%arg0: i32) -> (i32, i32, i32) {
    %c0_i32 = arith.constant 0 : i32
    %c0_i32_0 = arith.constant 0 : i32
    %c0_i32_1 = arith.constant 0 : i32
    %c0_i32_2 = arith.constant 0 : i32
    return %c0_i32, %c0_i32_0, %c0_i32_1 : i32, i32, i32
  }
}

module attributes {stable_mosaic.version = 14 : i64} {
  func.func @_c_body(%arg0: i32, %arg1: memref<2x16x128x512xf32, #tpu.memory_space<vmem>>, %arg2: memref<2x16x128xf32, #tpu.memory_space<vmem>>, %arg3: memref<1x2x512xf32, #tpu.memory_space<vmem>>, %arg4: memref<1x1536xf32, #tpu.memory_space<vmem>>, %arg5: memref<1xf32, #tpu.memory_space<smem>>, %arg6: memref<512x1xf32, #tpu.memory_space<vmem>>, %arg7: memref<512xf32, #tpu.memory_space<vmem>>, %arg8: memref<2x16x128xf32, #tpu.memory_space<vmem>>, %arg9: memref<2x16x128xf32, #tpu.memory_space<vmem>>, %arg10: memref<2x1x512xf32, #tpu.memory_space<vmem>>, %arg11: memref<1x1xf32, #tpu.memory_space<vmem>>, %arg12: memref<1xf32, #tpu.memory_space<smem>>) attributes {dimension_semantics = [#tpu.dimension_semantics<arbitrary>], iteration_bounds = array<i64: 8>, scalar_prefetch = 0 : i64, scratch_operands = 1 : i64, tpu.core_type = #tpu.core_type<tc>, window_params = [{transform_indices = @transform_0, window_bounds = array<i64: 2, 16, 128, 512>}, {transform_indices = @transform_1, window_bounds = array<i64: 2, 16, 128>}, {transform_indices = @transform_2, window_bounds = array<i64: 1, 2, 512>}, {pipeline_mode = #tpu.pipeline_mode<synchronous>, transform_indices = @transform_3, window_bounds = array<i64: 1, 1536>}, {transform_indices = @transform_4, window_bounds = array<i64: 1>}, {pipeline_mode = #tpu.pipeline_mode<synchronous>, transform_indices = @transform_5, window_bounds = array<i64: 512, 1>}, {pipeline_mode = #tpu.pipeline_mode<synchronous>, transform_indices = @transform_6, window_bounds = array<i64: 512>}, {transform_indices = @transform_7, window_bounds = array<i64: 2, 16, 128>}, {transform_indices = @transform_8, window_bounds = array<i64: 2, 16, 128>}, {transform_indices = @transform_9, window_bounds = array<i64: 2, 1, 512>}, {pipeline_mode = #tpu.pipeline_mode<synchronous>, transform_indices = @transform_10, window_bounds = array<i64: 1, 1>}]} {
    %get3A = arith.constant 0 : index
    %get3A_0 = arith.constant 0 : index
    %get3A_1 = arith.constant 0 : index
    %get3A_2 = arith.constant 0 : index
    %get3A_3 = vector.load %arg1[%get3A, %get3A_0, %get3A_1, %get3A_2] : memref<2x16x128x512xf32, #tpu.memory_space<vmem>>, vector<2x16x128x512xf32>
    %get3A_4 = arith.constant 0 : index
    %get3A_5 = arith.constant 0 : index
    %get3A_6 = vector.load %arg4[%get3A_4, %get3A_5] : memref<1x1536xf32, #tpu.memory_space<vmem>>, vector<1x512xf32>
    %get3A_7 = arith.constant 0 : index
    %get3A_8 = arith.constant 512 : index
    %get3A_9 = vector.load %arg4[%get3A_7, %get3A_8] : memref<1x1536xf32, #tpu.memory_space<vmem>>, vector<1x512xf32>
    %get3A_10 = arith.constant 0 : index
    %get3A_11 = arith.constant 1024 : index
    %get3A_12 = vector.load %arg4[%get3A_10, %get3A_11] : memref<1x1536xf32, #tpu.memory_space<vmem>>, vector<1x512xf32>
    %get3A_13 = arith.constant 0 : index
    %get3A_14 = arith.constant 0 : index
    %get3A_15 = arith.constant 0 : index
    %get3A_16 = vector.load %arg3[%get3A_13, %get3A_14, %get3A_15] : memref<1x2x512xf32, #tpu.memory_space<vmem>>, vector<1x2x512xf32>
    %get3A_17 = vector.shape_cast %get3A_16 : vector<1x2x512xf32> to vector<2x512xf32>
    %mul3A = vector.broadcast %get3A_9 : vector<1x512xf32> to vector<2x512xf32>
    %mul3A_18 = arith.mulf %get3A_17, %mul3A : vector<2x512xf32>
    %reduce_sum3A = arith.constant dense<0.000000e+00> : vector<2xf32>
    %reduce_sum3A_19 = vector.multi_reduction <add>, %mul3A_18, %reduce_sum3A [1] : vector<2x512xf32> to vector<2xf32>
    %get3A_20 = arith.constant 0 : index
    %get3A_21 = arith.constant 0 : index
    %get3A_22 = vector.load %arg6[%get3A_20, %get3A_21] : memref<512x1xf32, #tpu.memory_space<vmem>>, vector<512x1xf32>
    %reshape3A = vector.shape_cast %get3A_22 : vector<512x1xf32> to vector<1x512xf32>
    %mul3A_23 = arith.mulf %reshape3A, %get3A_12 : vector<1x512xf32>
    %reduce_sum3A_24 = vector.shape_cast %mul3A_23 : vector<1x512xf32> to vector<1x1x512xf32>
    %reduce_sum3A_25 = arith.constant dense<0.000000e+00> : vector<1xf32>
    %reduce_sum3A_26 = vector.multi_reduction <add>, %reduce_sum3A_24, %reduce_sum3A_25 [1, 2] : vector<1x1x512xf32> to vector<1xf32>
    %reduce_sum3A_27 = vector.shape_cast %reduce_sum3A_26 : vector<1xf32> to vector<1x1x1xf32>
    %reduce_sum3A_28 = vector.extract %reduce_sum3A_27[0, 0, 0] : f32 from vector<1x1x1xf32>
    %get3A_29 = arith.constant 0 : index
    %get3A_30 = vector.load %arg7[%get3A_29] : memref<512xf32, #tpu.memory_space<vmem>>, vector<512xf32>
    %reshape3A_31 = vector.shape_cast %get3A_30 : vector<512xf32> to vector<1x512xf32>
    %mul3A_32 = arith.mulf %reshape3A_31, %get3A_12 : vector<1x512xf32>
    %reduce_sum3A_33 = vector.shape_cast %mul3A_32 : vector<1x512xf32> to vector<1x1x512xf32>
    %reduce_sum3A_34 = arith.constant dense<0.000000e+00> : vector<1xf32>
    %reduce_sum3A_35 = vector.multi_reduction <add>, %reduce_sum3A_33, %reduce_sum3A_34 [1, 2] : vector<1x1x512xf32> to vector<1xf32>
    %reduce_sum3A_36 = vector.shape_cast %reduce_sum3A_35 : vector<1xf32> to vector<1x1x1xf32>
    %reduce_sum3A_37 = vector.extract %reduce_sum3A_36[0, 0, 0] : f32 from vector<1x1x1xf32>
    %add3A = vector.broadcast %reduce_sum3A_37 : f32 to vector<2xf32>
    %add3A_38 = arith.addf %reduce_sum3A_19, %add3A : vector<2xf32>
    %get3A_39 = arith.constant 0 : index
    %get3A_40 = memref.load %arg5[%get3A_39] : memref<1xf32, #tpu.memory_space<smem>>
    %add3A_41 = vector.broadcast %get3A_40 : f32 to vector<2xf32>
    %add3A_42 = arith.addf %add3A_38, %add3A_41 : vector<2xf32>
    %get3A_43 = arith.constant 0 : index
    %get3A_44 = arith.constant 0 : index
    %get3A_45 = arith.constant 0 : index
    %get3A_46 = vector.load %arg2[%get3A_43, %get3A_44, %get3A_45] : memref<2x16x128xf32, #tpu.memory_space<vmem>>, vector<2x16x128xf32>
    %broadcast_in_dim3A = vector.shape_cast %get3A_6 : vector<1x512xf32> to vector<1x1x1x512xf32>
    %mul3A_47 = vector.broadcast %broadcast_in_dim3A : vector<1x1x1x512xf32> to vector<2x16x128x512xf32>
    %mul3A_48 = arith.mulf %get3A_3, %mul3A_47 : vector<2x16x128x512xf32>
    %reduce_sum3A_49 = arith.constant dense<0.000000e+00> : vector<2x16x128xf32>
    %reduce_sum3A_50 = vector.multi_reduction <add>, %mul3A_48, %reduce_sum3A_49 [3] : vector<2x16x128x512xf32> to vector<2x16x128xf32>
    %broadcast_in_dim3A_51 = vector.shape_cast %add3A_42 : vector<2xf32> to vector<2x1x1xf32>
    %add3A_52 = vector.broadcast %broadcast_in_dim3A_51 : vector<2x1x1xf32> to vector<2x16x128xf32>
    %add3A_53 = arith.addf %reduce_sum3A_50, %add3A_52 : vector<2x16x128xf32>
    %mul3A_54 = vector.broadcast %reduce_sum3A_28 : f32 to vector<2x16x128xf32>
    %mul3A_55 = arith.mulf %mul3A_54, %get3A_46 : vector<2x16x128xf32>
    %add3A_56 = arith.addf %add3A_53, %mul3A_55 : vector<2x16x128xf32>
    %tanh3A = math.tanh %add3A_56 : vector<2x16x128xf32>
    %reduce_max3A = arith.constant dense<0xFF800000> : vector<2xf32>
    %reduce_max3A_57 = vector.multi_reduction <maximumf>, %tanh3A, %reduce_max3A [1, 2] : vector<2x16x128xf32> to vector<2xf32>
    %broadcast_in_dim3A_58 = vector.shape_cast %reduce_max3A_57 : vector<2xf32> to vector<2x1x1xf32>
    %sub3A = vector.broadcast %broadcast_in_dim3A_58 : vector<2x1x1xf32> to vector<2x16x128xf32>
    %sub3A_59 = arith.subf %tanh3A, %sub3A : vector<2x16x128xf32>
    %exp3A = math.exp %sub3A_59 : vector<2x16x128xf32>
    %reduce_sum3A_60 = arith.constant dense<0.000000e+00> : vector<2xf32>
    %reduce_sum3A_61 = vector.multi_reduction <add>, %exp3A, %reduce_sum3A_60 [1, 2] : vector<2x16x128xf32> to vector<2xf32>
    %broadcast_in_dim3A_62 = vector.shape_cast %reduce_sum3A_61 : vector<2xf32> to vector<2x1x1xf32>
    %div3A = arith.constant 1.000000e+00 : f32
    %div3A_63 = vector.broadcast %div3A : f32 to vector<2x1x1xf32>
    %div3A_64 = arith.divf %div3A_63, %broadcast_in_dim3A_62 : vector<2x1x1xf32>
    %mul3A_65 = vector.broadcast %div3A_64 : vector<2x1x1xf32> to vector<2x16x128xf32>
    %mul3A_66 = arith.mulf %exp3A, %mul3A_65 : vector<2x16x128xf32>
    %slice3A = vector.extract_strided_slice %get3A_3 {offsets = [0, 0, 0, 0], sizes = [1, 16, 128, 512], strides = [1, 1, 1, 1]} : vector<2x16x128x512xf32> to vector<1x16x128x512xf32>
    %squeeze3A = vector.shape_cast %slice3A : vector<1x16x128x512xf32> to vector<16x128x512xf32>
    %reshape3A_67 = vector.shape_cast %squeeze3A : vector<16x128x512xf32> to vector<2048x512xf32>
    %slice3A_68 = vector.extract_strided_slice %mul3A_66 {offsets = [0, 0, 0], sizes = [1, 16, 128], strides = [1, 1, 1]} : vector<2x16x128xf32> to vector<1x16x128xf32>
    %squeeze3A_69 = vector.shape_cast %slice3A_68 : vector<1x16x128xf32> to vector<16x128xf32>
    %reshape3A_70 = vector.shape_cast %squeeze3A_69 : vector<16x128xf32> to vector<2048xf32>
    %broadcast_in_dim3A_71 = vector.shape_cast %reshape3A_70 : vector<2048xf32> to vector<2048x1xf32>
    %mul3A_72 = vector.broadcast %broadcast_in_dim3A_71 : vector<2048x1xf32> to vector<2048x512xf32>
    %mul3A_73 = arith.mulf %reshape3A_67, %mul3A_72 : vector<2048x512xf32>
    %reduce_sum3A_74 = arith.constant dense<0.000000e+00> : vector<512xf32>
    %reduce_sum3A_75 = vector.multi_reduction <add>, %mul3A_73, %reduce_sum3A_74 [0] : vector<2048x512xf32> to vector<512xf32>
    %swap3A = arith.constant 0 : index
    %swap3A_76 = arith.constant 0 : index
    %swap3A_77 = arith.constant 0 : index
    %swap3A_78 = vector.load %arg10[%swap3A, %swap3A_76, %swap3A_77] : memref<2x1x512xf32, #tpu.memory_space<vmem>>, vector<1x1x512xf32>
    %swap3A_79 = vector.shape_cast %swap3A_78 : vector<1x1x512xf32> to vector<512xf32>
    %swap3A_80 = vector.shape_cast %reduce_sum3A_75 : vector<512xf32> to vector<1x1x512xf32>
    tpu.vector_store %arg10[%swap3A, %swap3A_76, %swap3A_77], %swap3A_80 {strides = array<i32>} : memref<2x1x512xf32, #tpu.memory_space<vmem>>, vector<1x1x512xf32>,
    %slice3A_81 = vector.extract_strided_slice %get3A_3 {offsets = [1, 0, 0, 0], sizes = [1, 16, 128, 512], strides = [1, 1, 1, 1]} : vector<2x16x128x512xf32> to vector<1x16x128x512xf32>
    %squeeze3A_82 = vector.shape_cast %slice3A_81 : vector<1x16x128x512xf32> to vector<16x128x512xf32>
    %reshape3A_83 = vector.shape_cast %squeeze3A_82 : vector<16x128x512xf32> to vector<2048x512xf32>
    %slice3A_84 = vector.extract_strided_slice %mul3A_66 {offsets = [1, 0, 0], sizes = [1, 16, 128], strides = [1, 1, 1]} : vector<2x16x128xf32> to vector<1x16x128xf32>
    %squeeze3A_85 = vector.shape_cast %slice3A_84 : vector<1x16x128xf32> to vector<16x128xf32>
    %reshape3A_86 = vector.shape_cast %squeeze3A_85 : vector<16x128xf32> to vector<2048xf32>
    %broadcast_in_dim3A_87 = vector.shape_cast %reshape3A_86 : vector<2048xf32> to vector<2048x1xf32>
    %mul3A_88 = vector.broadcast %broadcast_in_dim3A_87 : vector<2048x1xf32> to vector<2048x512xf32>
    %mul3A_89 = arith.mulf %reshape3A_83, %mul3A_88 : vector<2048x512xf32>
    %reduce_sum3A_90 = arith.constant dense<0.000000e+00> : vector<512xf32>
    %reduce_sum3A_91 = vector.multi_reduction <add>, %mul3A_89, %reduce_sum3A_90 [0] : vector<2048x512xf32> to vector<512xf32>
    %swap3A_92 = arith.constant 1 : index
    %swap3A_93 = arith.constant 0 : index
    %swap3A_94 = arith.constant 0 : index
    %swap3A_95 = vector.load %arg10[%swap3A_92, %swap3A_93, %swap3A_94] : memref<2x1x512xf32, #tpu.memory_space<vmem>>, vector<1x1x512xf32>
    %swap3A_96 = vector.shape_cast %swap3A_95 : vector<1x1x512xf32> to vector<512xf32>
    %swap3A_97 = vector.shape_cast %reduce_sum3A_91 : vector<512xf32> to vector<1x1x512xf32>
    tpu.vector_store %arg10[%swap3A_92, %swap3A_93, %swap3A_94], %swap3A_97 {strides = array<i32>} : memref<2x1x512xf32, #tpu.memory_space<vmem>>, vector<1x1x512xf32>,
    %swap3A_98 = arith.constant 0 : index
    %swap3A_99 = arith.constant 0 : index
    %swap3A_100 = arith.constant 0 : index
    %swap3A_101 = vector.load %arg8[%swap3A_98, %swap3A_99, %swap3A_100] : memref<2x16x128xf32, #tpu.memory_space<vmem>>, vector<2x16x128xf32>
    tpu.vector_store %arg8[%swap3A_98, %swap3A_99, %swap3A_100], %mul3A_66 {strides = array<i32>} : memref<2x16x128xf32, #tpu.memory_space<vmem>>, vector<2x16x128xf32>,
    %add3A_102 = arith.addf %get3A_46, %mul3A_66 : vector<2x16x128xf32>
    %swap3A_103 = arith.constant 0 : index
    %swap3A_104 = arith.constant 0 : index
    %swap3A_105 = arith.constant 0 : index
    %swap3A_106 = vector.load %arg9[%swap3A_103, %swap3A_104, %swap3A_105] : memref<2x16x128xf32, #tpu.memory_space<vmem>>, vector<2x16x128xf32>
    tpu.vector_store %arg9[%swap3A_103, %swap3A_104, %swap3A_105], %add3A_102 {strides = array<i32>} : memref<2x16x128xf32, #tpu.memory_space<vmem>>, vector<2x16x128xf32>,
    %min3A = arith.minimumf %mul3A_66, %get3A_46 : vector<2x16x128xf32>
    %reduce_sum3A_107 = vector.shape_cast %min3A : vector<2x16x128xf32> to vector<1x2x16x128xf32>
    %reduce_sum3A_108 = arith.constant dense<0.000000e+00> : vector<1xf32>
    %reduce_sum3A_109 = vector.multi_reduction <add>, %reduce_sum3A_107, %reduce_sum3A_108 [1, 2, 3] : vector<1x2x16x128xf32> to vector<1xf32>
    %reduce_sum3A_110 = vector.shape_cast %reduce_sum3A_109 : vector<1xf32> to vector<1x1x1x1xf32>
    %reduce_sum3A_111 = vector.extract %reduce_sum3A_110[0, 0, 0, 0] : f32 from vector<1x1x1x1xf32>
    %eq3A = arith.constant 0 : i32
    %eq3A_112 = arith.cmpi eq, %arg0, %eq3A : i32
    %get3A_113 = arith.constant 0 : index
    %get3A_114 = memref.load %arg12[%get3A_113] : memref<1xf32, #tpu.memory_space<smem>>
    %jit3A = arith.constant 0.000000e+00 : f32
    %select_n3A = arith.select %eq3A_112, %jit3A, %get3A_114 : f32
    %add3A_115 = arith.addf %select_n3A, %reduce_sum3A_111 : f32
    %swap3A_116 = arith.constant 0 : index
    %swap3A_117 = memref.load %arg12[%swap3A_116] : memref<1xf32, #tpu.memory_space<smem>>
    memref.store %add3A_115, %arg12[%swap3A_116] : memref<1xf32, #tpu.memory_space<smem>>
    %reshape3A_118 = vector.broadcast %add3A_115 : f32 to vector<1x1xf32>
    %swap3A_119 = arith.constant 0 : index
    %swap3A_120 = arith.constant 0 : index
    %swap3A_121 = vector.load %arg11[%swap3A_119, %swap3A_120] : memref<1x1xf32, #tpu.memory_space<vmem>>, vector<1x1xf32>
    tpu.vector_store %arg11[%swap3A_119, %swap3A_120], %reshape3A_118 {strides = array<i32>} : memref<1x1xf32, #tpu.memory_space<vmem>>, vector<1x1xf32>,
    return
  }
  func.func @transform_0(%arg0: i32) -> (i32, i32, i32, i32) {
    %c0_i32 = arith.constant 0 : i32
    %c0_i32_0 = arith.constant 0 : i32
    %c0_i32_1 = arith.constant 0 : i32
    %c0_i32_2 = arith.constant 0 : i32
    return %arg0, %c0_i32, %c0_i32_0, %c0_i32_1 : i32, i32, i32, i32
  }
  func.func @transform_1(%arg0: i32) -> (i32, i32, i32) {
    %c0_i32 = arith.constant 0 : i32
    %c0_i32_0 = arith.constant 0 : i32
    %c0_i32_1 = arith.constant 0 : i32
    return %arg0, %c0_i32, %c0_i32_0 : i32, i32, i32
  }
  func.func @transform_2(%arg0: i32) -> (i32, i32, i32) {
    %c0_i32 = arith.constant 0 : i32
    %c0_i32_0 = arith.constant 0 : i32
    %c0_i32_1 = arith.constant 0 : i32
    return %arg0, %c0_i32, %c0_i32_0 : i32, i32, i32
  }
  func.func @transform_3(%arg0: i32) -> (i32, i32) {
    %c0_i32 = arith.constant 0 : i32
    %c0_i32_0 = arith.constant 0 : i32
    %c0_i32_1 = arith.constant 0 : i32
    return %c0_i32, %c0_i32_0 : i32, i32
  }
  func.func @transform_4(%arg0: i32) -> i32 {
    %c0_i32 = arith.constant 0 : i32
    %c0_i32_0 = arith.constant 0 : i32
    return %c0_i32 : i32
  }
  func.func @transform_5(%arg0: i32) -> (i32, i32) {
    %c0_i32 = arith.constant 0 : i32
    %c0_i32_0 = arith.constant 0 : i32
    %c0_i32_1 = arith.constant 0 : i32
    return %c0_i32, %c0_i32_0 : i32, i32
  }
  func.func @transform_6(%arg0: i32) -> i32 {
    %c0_i32 = arith.constant 0 : i32
    %c0_i32_0 = arith.constant 0 : i32
    return %c0_i32 : i32
  }
  func.func @transform_7(%arg0: i32) -> (i32, i32, i32) {
    %c0_i32 = arith.constant 0 : i32
    %c0_i32_0 = arith.constant 0 : i32
    %c0_i32_1 = arith.constant 0 : i32
    return %arg0, %c0_i32, %c0_i32_0 : i32, i32, i32
  }
  func.func @transform_8(%arg0: i32) -> (i32, i32, i32) {
    %c0_i32 = arith.constant 0 : i32
    %c0_i32_0 = arith.constant 0 : i32
    %c0_i32_1 = arith.constant 0 : i32
    return %arg0, %c0_i32, %c0_i32_0 : i32, i32, i32
  }
  func.func @transform_9(%arg0: i32) -> (i32, i32, i32) {
    %c0_i32 = arith.constant 0 : i32
    %c0_i32_0 = arith.constant 0 : i32
    %c0_i32_1 = arith.constant 0 : i32
    return %arg0, %c0_i32, %c0_i32_0 : i32, i32, i32
  }
  func.func @transform_10(%arg0: i32) -> (i32, i32) {
    %c0_i32 = arith.constant 0 : i32
    %c0_i32_0 = arith.constant 0 : i32
    %c0_i32_1 = arith.constant 0 : i32
    return %c0_i32, %c0_i32_0 : i32, i32
  }
}

module attributes {stable_mosaic.version = 14 : i64} {
  func.func @_d_body(%arg0: i32, %arg1: memref<16x512xf32, #tpu.memory_space<vmem>>, %arg2: memref<16x512xf32, #tpu.memory_space<vmem>>, %arg3: memref<16x128xf32, #tpu.memory_space<vmem>>, %arg4: memref<1024x1024xf32, #tpu.memory_space<vmem>>, %arg5: memref<1024xf32, #tpu.memory_space<vmem>>, %arg6: memref<3200x1024xf32, #tpu.memory_space<vmem>>, %arg7: memref<1x3200xf32, #tpu.memory_space<vmem>>, %arg8: memref<1x1152xf32, #tpu.memory_space<vmem>>, %arg9: memref<1xf32, #tpu.memory_space<smem>>, %arg10: memref<16x3200xf32, #tpu.memory_space<vmem>>, %arg11: memref<16x128xf32, #tpu.memory_space<vmem>>, %arg12: memref<16x128xf32, #tpu.memory_space<vmem>>, %arg13: memref<16x128xf32, #tpu.memory_space<vmem>>, %arg14: memref<16x1024xf32, #tpu.memory_space<vmem>>, %arg15: memref<16x128xf32, #tpu.memory_space<vmem>>, %arg16: memref<16x128xf32, #tpu.memory_space<vmem>>) attributes {dimension_semantics = [#tpu.dimension_semantics<arbitrary>], iteration_bounds = array<i64: 10>, scalar_prefetch = 0 : i64, scratch_operands = 3 : i64, tpu.core_type = #tpu.core_type<tc>, window_params = [{pipeline_mode = #tpu.pipeline_mode<synchronous>, transform_indices = @transform_0, window_bounds = array<i64: 16, 512>}, {pipeline_mode = #tpu.pipeline_mode<synchronous>, transform_indices = @transform_1, window_bounds = array<i64: 16, 512>}, {pipeline_mode = #tpu.pipeline_mode<synchronous>, transform_indices = @transform_2, window_bounds = array<i64: 16, 128>}, {pipeline_mode = #tpu.pipeline_mode<synchronous>, transform_indices = @transform_3, window_bounds = array<i64: 1024, 1024>}, {pipeline_mode = #tpu.pipeline_mode<synchronous>, transform_indices = @transform_4, window_bounds = array<i64: 1024>}, {transform_indices = @transform_5, window_bounds = array<i64: 3200, 1024>}, {transform_indices = @transform_6, window_bounds = array<i64: 1, 3200>}, {pipeline_mode = #tpu.pipeline_mode<synchronous>, transform_indices = @transform_7, window_bounds = array<i64: 1, 1152>}, {transform_indices = @transform_8, window_bounds = array<i64: 1>}, {transform_indices = @transform_9, window_bounds = array<i64: 16, 3200>}, {pipeline_mode = #tpu.pipeline_mode<synchronous>, transform_indices = @transform_10, window_bounds = array<i64: 16, 128>}, {pipeline_mode = #tpu.pipeline_mode<synchronous>, transform_indices = @transform_11, window_bounds = array<i64: 16, 128>}, {pipeline_mode = #tpu.pipeline_mode<synchronous>, transform_indices = @transform_12, window_bounds = array<i64: 16, 128>}]} {
    %eq3A = arith.constant 0 : i32
    %eq3A_0 = arith.cmpi eq, %arg0, %eq3A : i32
    %convert_element_type3A = arith.extui %eq3A_0 : i1 to i32
    %cond3A = arith.constant 0 : i32
    %cond3A_1 = arith.cmpi ne, %convert_element_type3A, %cond3A : i32
    scf.if %cond3A_1 {
      %get3A_42 = arith.constant 0 : index
      %get3A_43 = arith.constant 0 : index
      %get3A_44 = vector.load %arg1[%get3A_42, %get3A_43] : memref<16x512xf32, #tpu.memory_space<vmem>>, vector<16x512xf32>
      %get3A_45 = arith.constant 0 : index
      %get3A_46 = arith.constant 0 : index
      %get3A_47 = vector.load %arg2[%get3A_45, %get3A_46] : memref<16x512xf32, #tpu.memory_space<vmem>>, vector<16x512xf32>
      %concatenate3A = tpu.concatenate %get3A_44, %get3A_47 in 1 : vector<16x512xf32>, vector<16x512xf32> -> vector<16x1024xf32>
      %get3A_48 = arith.constant 0 : index
      %get3A_49 = arith.constant 0 : index
      %get3A_50 = vector.load %arg4[%get3A_48, %get3A_49] : memref<1024x1024xf32, #tpu.memory_space<vmem>>, vector<1024x1024xf32>
      %dot_general3A_51 = arith.constant dense<0.000000e+00> : vector<16x1024xf32>
      %dot_general3A_52 = tpu.matmul %concatenate3A, %get3A_50, %dot_general3A_51 {dimension_numbers = #tpu.dot_dimension_numbers<[1], [1], [0], [0], [0, 0, 1, 0], [], []>, transpose_lhs_hint = false} : vector<16x1024xf32>, vector<1024x1024xf32>, vector<16x1024xf32> -> vector<16x1024xf32>
      %get3A_53 = arith.constant 0 : index
      %get3A_54 = vector.load %arg5[%get3A_53] : memref<1024xf32, #tpu.memory_space<vmem>>, vector<1024xf32>
      %broadcast_in_dim3A_55 = vector.shape_cast %get3A_54 : vector<1024xf32> to vector<1x1024xf32>
      %add3A_56 = vector.broadcast %broadcast_in_dim3A_55 : vector<1x1024xf32> to vector<16x1024xf32>
      %add3A_57 = arith.addf %dot_general3A_52, %add3A_56 : vector<16x1024xf32>
      %tanh3A = math.tanh %add3A_57 : vector<16x1024xf32>
      %swap3A_58 = arith.constant 0 : index
      %swap3A_59 = arith.constant 0 : index
      %swap3A_60 = vector.load %arg14[%swap3A_58, %swap3A_59] : memref<16x1024xf32, #tpu.memory_space<vmem>>, vector<16x1024xf32>
      tpu.vector_store %arg14[%swap3A_58, %swap3A_59], %tanh3A {strides = array<i32>} : memref<16x1024xf32, #tpu.memory_space<vmem>>, vector<16x1024xf32>,
      %get3A_61 = arith.constant 0 : index
      %get3A_62 = arith.constant 0 : index
      %get3A_63 = vector.load %arg2[%get3A_61, %get3A_62] : memref<16x512xf32, #tpu.memory_space<vmem>>, vector<16x512xf32>
      %get3A_64 = arith.constant 0 : index
      %get3A_65 = arith.constant 0 : index
      %get3A_66 = vector.load %arg1[%get3A_64, %get3A_65] : memref<16x512xf32, #tpu.memory_space<vmem>>, vector<16x512xf32>
      %get3A_67 = arith.constant 0 : index
      %get3A_68 = arith.constant 0 : index
      %get3A_69 = vector.load %arg3[%get3A_67, %get3A_68] : memref<16x128xf32, #tpu.memory_space<vmem>>, vector<16x128xf32>
      %concatenate3A_70 = tpu.concatenate %get3A_63, %get3A_66, %get3A_69 in 1 : vector<16x512xf32>, vector<16x512xf32>, vector<16x128xf32> -> vector<16x1152xf32>
      %get3A_71 = arith.constant 0 : index
      %get3A_72 = arith.constant 0 : index
      %get3A_73 = vector.load %arg8[%get3A_71, %get3A_72] : memref<1x1152xf32, #tpu.memory_space<vmem>>, vector<1x1152xf32>
      %mul3A_74 = vector.broadcast %get3A_73 : vector<1x1152xf32> to vector<16x1152xf32>
      %mul3A_75 = arith.mulf %concatenate3A_70, %mul3A_74 : vector<16x1152xf32>
      %reduce_sum3A_76 = arith.constant dense<0.000000e+00> : vector<16xf32>
      %reduce_sum3A_77 = vector.multi_reduction <add>, %mul3A_75, %reduce_sum3A_76 [1] : vector<16x1152xf32> to vector<16xf32>
      %get3A_78 = arith.constant 0 : index
      %get3A_79 = memref.load %arg9[%get3A_78] : memref<1xf32, #tpu.memory_space<smem>>
      %add3A_80 = vector.broadcast %get3A_79 : f32 to vector<16xf32>
      %add3A_81 = arith.addf %reduce_sum3A_77, %add3A_80 : vector<16xf32>
      %logistic3A = arith.negf %add3A_81 : vector<16xf32>
      %logistic3A_82 = math.exp %logistic3A : vector<16xf32>
      %logistic3A_83 = arith.constant 1.000000e+00 : f32
      %logistic3A_84 = vector.broadcast %logistic3A_83 : f32 to vector<16xf32>
      %logistic3A_85 = arith.addf %logistic3A_84, %logistic3A_82 : vector<16xf32>
      %logistic3A_86 = arith.divf %logistic3A_84, %logistic3A_85 : vector<16xf32>
      %broadcast_in_dim3A_87 = vector.shape_cast %logistic3A_86 : vector<16xf32> to vector<16x1xf32>
      %broadcast_in_dim3A_88 = vector.shape_cast %broadcast_in_dim3A_87 : vector<16x1xf32> to vector<16x1xf32>
      %broadcast_in_dim3A_89 = vector.broadcast %broadcast_in_dim3A_88 : vector<16x1xf32> to vector<16x128xf32>
      %swap3A_90 = arith.constant 0 : index
      %swap3A_91 = arith.constant 0 : index
      %swap3A_92 = vector.load %arg13[%swap3A_90, %swap3A_91] : memref<16x128xf32, #tpu.memory_space<vmem>>, vector<16x128xf32>
      tpu.vector_store %arg13[%swap3A_90, %swap3A_91], %broadcast_in_dim3A_89 {strides = array<i32>} : memref<16x128xf32, #tpu.memory_space<vmem>>, vector<16x128xf32>,
      %broadcast_in_dim3A_93 = arith.constant 0xFF800000 : f32
      %broadcast_in_dim3A_94 = vector.broadcast %broadcast_in_dim3A_93 : f32 to vector<16x128xf32>
      %swap3A_95 = arith.constant 0 : index
      %swap3A_96 = arith.constant 0 : index
      %swap3A_97 = vector.load %arg15[%swap3A_95, %swap3A_96] : memref<16x128xf32, #tpu.memory_space<vmem>>, vector<16x128xf32>
      tpu.vector_store %arg15[%swap3A_95, %swap3A_96], %broadcast_in_dim3A_94 {strides = array<i32>} : memref<16x128xf32, #tpu.memory_space<vmem>>, vector<16x128xf32>,
      %broadcast_in_dim3A_98 = arith.constant 0.000000e+00 : f32
      %broadcast_in_dim3A_99 = vector.broadcast %broadcast_in_dim3A_98 : f32 to vector<16x128xf32>
      %swap3A_100 = arith.constant 0 : index
      %swap3A_101 = arith.constant 0 : index
      %swap3A_102 = vector.load %arg16[%swap3A_100, %swap3A_101] : memref<16x128xf32, #tpu.memory_space<vmem>>, vector<16x128xf32>
      tpu.vector_store %arg16[%swap3A_100, %swap3A_101], %broadcast_in_dim3A_99 {strides = array<i32>} : memref<16x128xf32, #tpu.memory_space<vmem>>, vector<16x128xf32>,
    } else {
    }
    %get3A = arith.constant 0 : index
    %get3A_2 = arith.constant 0 : index
    %get3A_3 = vector.load %arg14[%get3A, %get3A_2] : memref<16x1024xf32, #tpu.memory_space<vmem>>, vector<16x1024xf32>
    %get3A_4 = arith.constant 0 : index
    %get3A_5 = arith.constant 0 : index
    %get3A_6 = vector.load %arg6[%get3A_4, %get3A_5] : memref<3200x1024xf32, #tpu.memory_space<vmem>>, vector<3200x1024xf32>
    %dot_general3A = arith.constant dense<0.000000e+00> : vector<16x3200xf32>
    %dot_general3A_7 = tpu.matmul %get3A_3, %get3A_6, %dot_general3A {dimension_numbers = #tpu.dot_dimension_numbers<[1], [1], [0], [0], [0, 0, 1, 0], [], []>, transpose_lhs_hint = false} : vector<16x1024xf32>, vector<3200x1024xf32>, vector<16x3200xf32> -> vector<16x3200xf32>
    %get3A_8 = arith.constant 0 : index
    %get3A_9 = arith.constant 0 : index
    %get3A_10 = vector.load %arg7[%get3A_8, %get3A_9] : memref<1x3200xf32, #tpu.memory_space<vmem>>, vector<1x3200xf32>
    %add3A = vector.broadcast %get3A_10 : vector<1x3200xf32> to vector<16x3200xf32>
    %add3A_11 = arith.addf %dot_general3A_7, %add3A : vector<16x3200xf32>
    %swap3A = arith.constant 0 : index
    %swap3A_12 = arith.constant 0 : index
    %swap3A_13 = vector.load %arg10[%swap3A, %swap3A_12] : memref<16x3200xf32, #tpu.memory_space<vmem>>, vector<16x3200xf32>
    tpu.vector_store %arg10[%swap3A, %swap3A_12], %add3A_11 {strides = array<i32>} : memref<16x3200xf32, #tpu.memory_space<vmem>>, vector<16x3200xf32>,
    %reduce_max3A = arith.constant dense<0xFF800000> : vector<16xf32>
    %reduce_max3A_14 = vector.multi_reduction <maximumf>, %add3A_11, %reduce_max3A [1] : vector<16x3200xf32> to vector<16xf32>
    %broadcast_in_dim3A = vector.shape_cast %reduce_max3A_14 : vector<16xf32> to vector<16x1xf32>
    %get3A_15 = arith.constant 0 : index
    %get3A_16 = arith.constant 0 : index
    %get3A_17 = vector.load %arg15[%get3A_15, %get3A_16] : memref<16x128xf32, #tpu.memory_space<vmem>>, vector<16x1xf32>
    %max3A = arith.maximumf %get3A_17, %broadcast_in_dim3A : vector<16x1xf32>
    %sub3A = arith.subf %get3A_17, %max3A : vector<16x1xf32>
    %exp3A = math.exp %sub3A : vector<16x1xf32>
    %sub3A_18 = vector.broadcast %max3A : vector<16x1xf32> to vector<16x3200xf32>
    %sub3A_19 = arith.subf %add3A_11, %sub3A_18 : vector<16x3200xf32>
    %exp3A_20 = math.exp %sub3A_19 : vector<16x3200xf32>
    %reduce_sum3A = arith.constant dense<0.000000e+00> : vector<16xf32>
    %reduce_sum3A_21 = vector.multi_reduction <add>, %exp3A_20, %reduce_sum3A [1] : vector<16x3200xf32> to vector<16xf32>
    %broadcast_in_dim3A_22 = vector.shape_cast %reduce_sum3A_21 : vector<16xf32> to vector<16x1xf32>
    %get3A_23 = arith.constant 0 : index
    %get3A_24 = arith.constant 0 : index
    %get3A_25 = vector.load %arg16[%get3A_23, %get3A_24] : memref<16x128xf32, #tpu.memory_space<vmem>>, vector<16x1xf32>
    %mul3A = arith.mulf %get3A_25, %exp3A : vector<16x1xf32>
    %add3A_26 = arith.addf %mul3A, %broadcast_in_dim3A_22 : vector<16x1xf32>
    %broadcast_in_dim3A_27 = vector.shape_cast %max3A : vector<16x1xf32> to vector<16x1xf32>
    %broadcast_in_dim3A_28 = vector.broadcast %broadcast_in_dim3A_27 : vector<16x1xf32> to vector<16x128xf32>
    %swap3A_29 = arith.constant 0 : index
    %swap3A_30 = arith.constant 0 : index
    %swap3A_31 = vector.load %arg15[%swap3A_29, %swap3A_30] : memref<16x128xf32, #tpu.memory_space<vmem>>, vector<16x128xf32>
    tpu.vector_store %arg15[%swap3A_29, %swap3A_30], %broadcast_in_dim3A_28 {strides = array<i32>} : memref<16x128xf32, #tpu.memory_space<vmem>>, vector<16x128xf32>,
    %broadcast_in_dim3A_32 = vector.shape_cast %add3A_26 : vector<16x1xf32> to vector<16x1xf32>
    %broadcast_in_dim3A_33 = vector.broadcast %broadcast_in_dim3A_32 : vector<16x1xf32> to vector<16x128xf32>
    %swap3A_34 = arith.constant 0 : index
    %swap3A_35 = arith.constant 0 : index
    %swap3A_36 = vector.load %arg16[%swap3A_34, %swap3A_35] : memref<16x128xf32, #tpu.memory_space<vmem>>, vector<16x128xf32>
    tpu.vector_store %arg16[%swap3A_34, %swap3A_35], %broadcast_in_dim3A_33 {strides = array<i32>} : memref<16x128xf32, #tpu.memory_space<vmem>>, vector<16x128xf32>,
    %eq3A_37 = arith.constant 9 : i32
    %eq3A_38 = arith.cmpi eq, %arg0, %eq3A_37 : i32
    %convert_element_type3A_39 = arith.extui %eq3A_38 : i1 to i32
    %cond3A_40 = arith.constant 0 : i32
    %cond3A_41 = arith.cmpi ne, %convert_element_type3A_39, %cond3A_40 : i32
    scf.if %cond3A_41 {
      %get3A_42 = arith.constant 0 : index
      %get3A_43 = arith.constant 0 : index
      %get3A_44 = vector.load %arg15[%get3A_42, %get3A_43] : memref<16x128xf32, #tpu.memory_space<vmem>>, vector<16x128xf32>
      %swap3A_45 = arith.constant 0 : index
      %swap3A_46 = arith.constant 0 : index
      %swap3A_47 = vector.load %arg11[%swap3A_45, %swap3A_46] : memref<16x128xf32, #tpu.memory_space<vmem>>, vector<16x128xf32>
      tpu.vector_store %arg11[%swap3A_45, %swap3A_46], %get3A_44 {strides = array<i32>} : memref<16x128xf32, #tpu.memory_space<vmem>>, vector<16x128xf32>,
      %get3A_48 = arith.constant 0 : index
      %get3A_49 = arith.constant 0 : index
      %get3A_50 = vector.load %arg16[%get3A_48, %get3A_49] : memref<16x128xf32, #tpu.memory_space<vmem>>, vector<16x128xf32>
      %swap3A_51 = arith.constant 0 : index
      %swap3A_52 = arith.constant 0 : index
      %swap3A_53 = vector.load %arg12[%swap3A_51, %swap3A_52] : memref<16x128xf32, #tpu.memory_space<vmem>>, vector<16x128xf32>
      tpu.vector_store %arg12[%swap3A_51, %swap3A_52], %get3A_50 {strides = array<i32>} : memref<16x128xf32, #tpu.memory_space<vmem>>, vector<16x128xf32>,
    } else {
    }
    return
  }
  func.func @transform_0(%arg0: i32) -> (i32, i32) {
    %c0_i32 = arith.constant 0 : i32
    %c0_i32_0 = arith.constant 0 : i32
    %c0_i32_1 = arith.constant 0 : i32
    return %c0_i32, %c0_i32_0 : i32, i32
  }
  func.func @transform_1(%arg0: i32) -> (i32, i32) {
    %c0_i32 = arith.constant 0 : i32
    %c0_i32_0 = arith.constant 0 : i32
    %c0_i32_1 = arith.constant 0 : i32
    return %c0_i32, %c0_i32_0 : i32, i32
  }
  func.func @transform_2(%arg0: i32) -> (i32, i32) {
    %c0_i32 = arith.constant 0 : i32
    %c0_i32_0 = arith.constant 0 : i32
    %c0_i32_1 = arith.constant 0 : i32
    return %c0_i32, %c0_i32_0 : i32, i32
  }
  func.func @transform_3(%arg0: i32) -> (i32, i32) {
    %c0_i32 = arith.constant 0 : i32
    %c0_i32_0 = arith.constant 0 : i32
    %c0_i32_1 = arith.constant 0 : i32
    return %c0_i32, %c0_i32_0 : i32, i32
  }
  func.func @transform_4(%arg0: i32) -> i32 {
    %c0_i32 = arith.constant 0 : i32
    %c0_i32_0 = arith.constant 0 : i32
    return %c0_i32 : i32
  }
  func.func @transform_5(%arg0: i32) -> (i32, i32) {
    %c0_i32 = arith.constant 0 : i32
    %c0_i32_0 = arith.constant 0 : i32
    return %arg0, %c0_i32 : i32, i32
  }
  func.func @transform_6(%arg0: i32) -> (i32, i32) {
    %c0_i32 = arith.constant 0 : i32
    %c0_i32_0 = arith.constant 0 : i32
    return %c0_i32, %arg0 : i32, i32
  }
  func.func @transform_7(%arg0: i32) -> (i32, i32) {
    %c0_i32 = arith.constant 0 : i32
    %c0_i32_0 = arith.constant 0 : i32
    %c0_i32_1 = arith.constant 0 : i32
    return %c0_i32, %c0_i32_0 : i32, i32
  }
  func.func @transform_8(%arg0: i32) -> i32 {
    %c0_i32 = arith.constant 0 : i32
    %c0_i32_0 = arith.constant 0 : i32
    return %c0_i32 : i32
  }
  func.func @transform_9(%arg0: i32) -> (i32, i32) {
    %c0_i32 = arith.constant 0 : i32
    %c0_i32_0 = arith.constant 0 : i32
    return %c0_i32, %arg0 : i32, i32
  }
  func.func @transform_10(%arg0: i32) -> (i32, i32) {
    %c0_i32 = arith.constant 0 : i32
    %c0_i32_0 = arith.constant 0 : i32
    %c0_i32_1 = arith.constant 0 : i32
    return %c0_i32, %c0_i32_0 : i32, i32
  }
  func.func @transform_11(%arg0: i32) -> (i32, i32) {
    %c0_i32 = arith.constant 0 : i32
    %c0_i32_0 = arith.constant 0 : i32
    %c0_i32_1 = arith.constant 0 : i32
    return %c0_i32, %c0_i32_0 : i32, i32
  }
  func.func @transform_12(%arg0: i32) -> (i32, i32) {
    %c0_i32 = arith.constant 0 : i32
    %c0_i32_0 = arith.constant 0 : i32
    %c0_i32_1 = arith.constant 0 : i32
    return %c0_i32, %c0_i32_0 : i32, i32
  }
}

module attributes {stable_mosaic.version = 14 : i64} {
  func.func @_e_body(%arg0: i32, %arg1: memref<16x6400xf32, #tpu.memory_space<vmem>>, %arg2: memref<16x6400xf32, #tpu.memory_space<vmem>>, %arg3: memref<16x128xf32, #tpu.memory_space<vmem>>, %arg4: memref<16x128xf32, #tpu.memory_space<vmem>>, %arg5: memref<16x128xf32, #tpu.memory_space<vmem>>, %arg6: memref<16x6400xf32, #tpu.memory_space<vmem>>) attributes {dimension_semantics = [#tpu.dimension_semantics<arbitrary>], iteration_bounds = array<i64: 5>, scalar_prefetch = 0 : i64, scratch_operands = 0 : i64, tpu.core_type = #tpu.core_type<tc>, window_params = [{transform_indices = @transform_0, window_bounds = array<i64: 16, 6400>}, {transform_indices = @transform_1, window_bounds = array<i64: 16, 6400>}, {pipeline_mode = #tpu.pipeline_mode<synchronous>, transform_indices = @transform_2, window_bounds = array<i64: 16, 128>}, {pipeline_mode = #tpu.pipeline_mode<synchronous>, transform_indices = @transform_3, window_bounds = array<i64: 16, 128>}, {pipeline_mode = #tpu.pipeline_mode<synchronous>, transform_indices = @transform_4, window_bounds = array<i64: 16, 128>}, {transform_indices = @transform_5, window_bounds = array<i64: 16, 6400>}]} {
    %get3A = arith.constant 0 : index
    %get3A_0 = arith.constant 0 : index
    %get3A_1 = vector.load %arg3[%get3A, %get3A_0] : memref<16x128xf32, #tpu.memory_space<vmem>>, vector<16x1xf32>
    %get3A_2 = arith.constant 0 : index
    %get3A_3 = arith.constant 0 : index
    %get3A_4 = vector.load %arg4[%get3A_2, %get3A_3] : memref<16x128xf32, #tpu.memory_space<vmem>>, vector<16x1xf32>
    %div3A = arith.constant 1.000000e+00 : f32
    %div3A_5 = vector.broadcast %div3A : f32 to vector<16x1xf32>
    %div3A_6 = arith.divf %div3A_5, %get3A_4 : vector<16x1xf32>
    %get3A_7 = arith.constant 0 : index
    %get3A_8 = arith.constant 0 : index
    %get3A_9 = vector.load %arg5[%get3A_7, %get3A_8] : memref<16x128xf32, #tpu.memory_space<vmem>>, vector<16x1xf32>
    %mul3A = arith.mulf %div3A_6, %get3A_9 : vector<16x1xf32>
    %get3A_10 = arith.constant 0 : index
    %get3A_11 = arith.constant 0 : index
    %get3A_12 = vector.load %arg1[%get3A_10, %get3A_11] : memref<16x6400xf32, #tpu.memory_space<vmem>>, vector<16x6400xf32>
    %sub3A = vector.broadcast %get3A_1 : vector<16x1xf32> to vector<16x6400xf32>
    %sub3A_13 = arith.subf %get3A_12, %sub3A : vector<16x6400xf32>
    %exp3A = math.exp %sub3A_13 : vector<16x6400xf32>
    %mul3A_14 = vector.broadcast %mul3A : vector<16x1xf32> to vector<16x6400xf32>
    %mul3A_15 = arith.mulf %exp3A, %mul3A_14 : vector<16x6400xf32>
    %get3A_16 = arith.constant 0 : index
    %get3A_17 = arith.constant 0 : index
    %get3A_18 = vector.load %arg2[%get3A_16, %get3A_17] : memref<16x6400xf32, #tpu.memory_space<vmem>>, vector<16x6400xf32>
    %get3A_19 = arith.constant 0 : index
    %get3A_20 = arith.constant 0 : index
    %get3A_21 = vector.load %arg5[%get3A_19, %get3A_20] : memref<16x128xf32, #tpu.memory_space<vmem>>, vector<16x1xf32>
    %sub3A_22 = arith.constant 1.000000e+00 : f32
    %sub3A_23 = vector.broadcast %sub3A_22 : f32 to vector<16x1xf32>
    %sub3A_24 = arith.subf %sub3A_23, %get3A_21 : vector<16x1xf32>
    %mul3A_25 = vector.broadcast %sub3A_24 : vector<16x1xf32> to vector<16x6400xf32>
    %mul3A_26 = arith.mulf %get3A_18, %mul3A_25 : vector<16x6400xf32>
    %add3A = arith.addf %mul3A_15, %mul3A_26 : vector<16x6400xf32>
    %swap3A = arith.constant 0 : index
    %swap3A_27 = arith.constant 0 : index
    %swap3A_28 = vector.load %arg6[%swap3A, %swap3A_27] : memref<16x6400xf32, #tpu.memory_space<vmem>>, vector<16x6400xf32>
    tpu.vector_store %arg6[%swap3A, %swap3A_27], %add3A {strides = array<i32>} : memref<16x6400xf32, #tpu.memory_space<vmem>>, vector<16x6400xf32>,
    return
  }
  func.func @transform_0(%arg0: i32) -> (i32, i32) {
    %c0_i32 = arith.constant 0 : i32
    %c0_i32_0 = arith.constant 0 : i32
    return %c0_i32, %arg0 : i32, i32
  }
  func.func @transform_1(%arg0: i32) -> (i32, i32) {
    %c0_i32 = arith.constant 0 : i32
    %c0_i32_0 = arith.constant 0 : i32
    return %c0_i32, %arg0 : i32, i32
  }
  func.func @transform_2(%arg0: i32) -> (i32, i32) {
    %c0_i32 = arith.constant 0 : i32
    %c0_i32_0 = arith.constant 0 : i32
    %c0_i32_1 = arith.constant 0 : i32
    return %c0_i32, %c0_i32_0 : i32, i32
  }
  func.func @transform_3(%arg0: i32) -> (i32, i32) {
    %c0_i32 = arith.constant 0 : i32
    %c0_i32_0 = arith.constant 0 : i32
    %c0_i32_1 = arith.constant 0 : i32
    return %c0_i32, %c0_i32_0 : i32, i32
  }
  func.func @transform_4(%arg0: i32) -> (i32, i32) {
    %c0_i32 = arith.constant 0 : i32
    %c0_i32_0 = arith.constant 0 : i32
    %c0_i32_1 = arith.constant 0 : i32
    return %c0_i32, %c0_i32_0 : i32, i32
  }
  func.func @transform_5(%arg0: i32) -> (i32, i32) {
    %c0_i32 = arith.constant 0 : i32
    %c0_i32_0 = arith.constant 0 : i32
    return %c0_i32, %arg0 : i32, i32
  }
}

</mosaic_0001>

<sc_bundles>
// kernel: kernel.7.cloned.1.call-start
scs
__scs_entry_jumppad:
0x0: {  	(pc) =	sbr.rel $0x88, $3  }
0x1: {  	(tag) =	ssettag $0x0;
	lr =	simm.s32 $0x1  }
0x2: {  	[smem:$0x3F89] =	sst lr;
	_ =	strace $0xD0000000  }
0x3: {  	_ = 	snop  }
0x4: {  	_ = 	snop  }
0x5: {  	_ = 	snop  }
0x6: {  	_ = 	snop  }
0x7: {  	_ = 	snop  }
__scs_overlays_trampoline_lowered:
0x8: {  	[smem:$0x3F98] =	sst s0  }
0x9: {  	[smem:$0x3F99] =	sst s1  }
0xa: {  	[smem:$0x3F9A] =	sst s2  }
0xb: {  	[smem:$0x3F9B] =	sst s3  }
0xc: {  	[smem:$0x3F9C] =	sst s4  }
0xd: {  	[smem:$0x3F9D] =	sst s5  }
0xe: {  	[smem:$0x3F9E] =	sst s6  }
0xf: {  	[smem:$0x3F9F] =	sst s7  }
0x10: {  	[smem:$0x3FA0] =	sst s8  }
0x11: {  	[smem:$0x3FA1] =	sst s9;
	s0 =	simm.s32 @!p0 $0x0  }
0x12: {  	s1 =	sld [smem:$0x3F87];
	s0 =	simm.s32 @p0 $0x1  }
0x13: {  	[smem:$0x3FA2] =	sst s0;
	s0 =	simm.s32 @!p1 $0x0  }
0x14: {  	s2 =	sld [smem:$0x3F86];
	s0 =	simm.s32 @p1 $0x1  }
0x15: {  	[smem:$0x3FA3] =	sst s0;
	s0 =	simm.s32 @!p2 $0x0  }
0x16: {  	s3 =	sld [smem:$0x3FDB];
	s0 =	simm.s32 @p2 $0x1  }
0x17: {  	s4 =	simm.s32 $0x1BF5;
	[smem:$0x3FA5] =	sst s0  }
0x18: {  	s0 =	sld [smem:$0x3F88];
	_ =	swait.ge [sflag:s4], $0x0  }
0x19: {  	s7 =	sld [smem:$0x3F89]  }
0x1a: {  	s8 =	sadd.s32 $0xFFFFE003, lr  }
0x1b: {  	s9 =	sadd.s32 $0xFFFFFEF7, lr;
	s5 =	simm.s32 $0xFFFFFFFF;
	p2 =	slt.u32 s8, $0xFFFFF086  }
0x1c: {  	p1 =	slt.u32 s9, $0xF7A;
	s5 =	simm.s32 @!p2 $0x0  }
0x1d: {  	s5 =	simm.s32 @p1 $0x1;
	p0 =	seq.s32 s7, s2  }
0x1e: {  	s7 =	smul.u32 @!p0 $0xF7A, s2;
	p2 =	seq.s32 @!p0 s5, $0x0  }
0x1f: {  	s9 =	smul.u32 $0xF7A, s1;
	s8 =	simm.s32 @!p0 $0x1BF5;
	p2 =	por !p2, p0  }
0x20: {  	[sflag:s8] =	ssyncset.s32 @!p0 $0xFFFFF086;
	s6 =	sadd.s32 @!p0 s3, s7;
	s7 =	simm.s32 @!p0 $0x108  }
0x21: {  	s3 =	sadd.s32 s3, s9;
	s6 =	sadd.s32 @!p0 $0x88, s6;
	s7 =	simm.s32 @p2 $0x1082  }
0x22: {  	[simem:s7], [sflag:s8] =	dma.local @!p0 [hbm:s6], $0xF7A  }
0x23: {  	s9 =	sor.u32 $0xD0000000, s2;
	s6 =	simm.s32 $0x108;
	_ =	swait.ge @!p0 [sflag:s8], $0x0  }
0x24: {  	s3 =	sadd.s32 $0x88, s3;
	s6 =	simm.s32 @!p1 $0x1082;
	[sflag:s4] =	ssyncset.s32 $0xFFFFF086  }
0x25: {  	[simem:s6], [sflag:s4] =	dma.local [hbm:s3], $0xF7A  }
0x26: {  	[smem:$0x3F89] =	sst s1;
	(tag) =	ssettag s2;
	_ =	strace s9  }
0x27: {  	s1 =	sld [smem:$0x3F99]  }
0x28: {  	s2 =	sld [smem:$0x3F9A]  }
0x29: {  	s4 =	sld [smem:$0x3F9C]  }
0x2a: {  	p0 =	seq.s32 s5, $0x0;
	s5 =	sld [smem:$0x3F9D]  }
0x2b: {  	s6 =	sld [smem:$0x3F9E]  }
0x2c: {  	s7 =	sld [smem:$0x3F9F]  }
0x2d: {  	s3 =	simm.s32 $0x108;
	s8 =	sld [smem:$0x3FA0]  }
0x2e: {  	s3 =	simm.s32 @!p0 $0x1082;
	s9 =	sld [smem:$0x3FA1]  }
0x2f: {  	lr =	sadd.s32 s0, s3;
	s0 =	sld [smem:$0x3F98]  }
0x30: {  	s3 =	sld [smem:$0x3F9B]  }
0x31: {  	[smem:$0x3FA4] =	sst s10  }
0x32: {  	s10 =	sld [smem:$0x3FA2];
	_ =	sdelay $0x3  }
0x33: {  	p0 =	seq.s32 s10, $0x1;
	s10 =	sld [smem:$0x3FA4];
	_ =	sdelay $0x3  }
0x34: {  	[smem:$0x3FA4] =	sst s10  }
0x35: {  	s10 =	sld [smem:$0x3FA3];
	_ =	sdelay $0x3  }
0x36: {  	p1 =	seq.s32 s10, $0x1;
	s10 =	sld [smem:$0x3FA4];
	_ =	sdelay $0x3  }
0x37: {  	[smem:$0x3FA4] =	sst s10  }
0x38: {  	s10 =	sld [smem:$0x3FA5]  }
0x39: {  	_ = 	snop;
	(pc) =	sbr.ind lr, $3  }
0x3a: {  	_ = 	snop  }
0x3b: {  	_ = 	snop  }
0x3c: {  	p2 =	seq.s32 s10, $0x1;
	s10 =	sld [smem:$0x3FA4]  }
0x3d: {  	_ =	shalt  }
0x3e: {  	_ =	shalt  }
0x3f: {  	_ =	shalt  }
0x40: {  	_ =	shalt  }
0x41: {  	_ =	shalt  }
0x42: {  	_ =	shalt  }
0x43: {  	_ =	shalt  }
0x44: {  	_ =	shalt  }
0x45: {  	_ =	shalt  }
0x46: {  	_ =	shalt  }
0x47: {  	_ =	shalt  }
0x48: {  	_ =	shalt  }
0x49: {  	_ =	shalt  }
0x4a: {  	_ =	shalt  }
0x4b: {  	_ =	shalt  }
0x4c: {  	_ =	shalt  }
0x4d: {  	_ =	shalt  }
0x4e: {  	_ =	shalt  }
0x4f: {  	_ =	shalt  }
0x50: {  	_ =	shalt  }
0x51: {  	_ =	shalt  }
0x52: {  	_ =	shalt  }
0x53: {  	_ =	shalt  }
0x54: {  	_ =	shalt  }
0x55: {  	_ =	shalt  }
0x56: {  	_ =	shalt  }
0x57: {  	_ =	shalt  }
0x58: {  	_ =	shalt  }
0x59: {  	_ =	shalt  }
0x5a: {  	_ =	shalt  }
0x5b: {  	_ =	shalt  }
0x5c: {  	_ =	shalt  }
0x5d: {  	_ =	shalt  }
0x5e: {  	_ =	shalt  }
0x5f: {  	_ =	shalt  }
0x60: {  	_ =	shalt  }
0x61: {  	_ =	shalt  }
0x62: {  	_ =	shalt  }
0x63: {  	_ =	shalt  }
0x64: {  	_ =	shalt  }
0x65: {  	_ =	shalt  }
0x66: {  	_ =	shalt  }
0x67: {  	_ =	shalt  }
0x68: {  	_ =	shalt  }
0x69: {  	_ =	shalt  }
0x6a: {  	_ =	shalt  }
0x6b: {  	_ =	shalt  }
0x6c: {  	_ =	shalt  }
0x6d: {  	_ =	shalt  }
0x6e: {  	_ =	shalt  }
0x6f: {  	_ =	shalt  }
0x70: {  	_ =	shalt  }
0x71: {  	_ =	shalt  }
0x72: {  	_ =	shalt  }
0x73: {  	_ =	shalt  }
0x74: {  	_ =	shalt  }
0x75: {  	_ =	shalt  }
0x76: {  	_ =	shalt  }
0x77: {  	_ =	shalt  }
0x78: {  	_ =	shalt  }
0x79: {  	_ =	shalt  }
0x7a: {  	_ =	shalt  }
0x7b: {  	_ =	shalt  }
0x7c: {  	_ =	shalt  }
0x7d: {  	_ =	shalt  }
0x7e: {  	_ =	shalt  }
0x7f: {  	_ =	shalt  }
0x80: {  	_ =	shalt  }
0x81: {  	_ =	shalt  }
0x82: {  	_ =	shalt  }
0x83: {  	_ =	shalt  }
0x84: {  	_ =	shalt  }
0x85: {  	_ =	shalt  }
0x86: {  	_ =	shalt  }
0x87: {  	_ =	shalt  }
.Lfunc_end0:
.L_simem_size_0:
called_computation_lowered:
.L_overlay_start_0:
0x88: {  	s2 =	sld [smem:$0x3FD9]  }
0x89: {  	s3 =	sld [smem:$0x3FFE];
	_ =	sdelay $0x1  }
0x8a: {  	s1 =	srdreg.scid  }
0x8b: {  	s0 =	sand.u32 $0x1, s1  }
0x8c: {  	s14 =	sshll.u32 s0, $0xA;
	s2 =	sadd.s32 s3, s2  }
0x8d: {  	s2 =	sadd.s32 s2, s14  }
0x8e: {  	[smem:$0x3FB0] =	sst s2  }
0x8f: {  	_ = 	snop  }
0x90: {  	s2 =	sld [smem:$0x3FD0];
	_ =	sdelay $0x2  }
0x91: {  	s4 =	simm.s32 $0xA;
	s5 =	simm.s32 $0x10;
	s15 =	sld [smem:$0x3FC6]  }
0x92: {  	[smem:s5], [sflag:s4] =	dma.local [hbm:s2], $0x1  }
0x93: {  	_ =	swait.eq [sflag:s4], $0x1  }
0x94: {  	[sflag:s4] =	ssyncset.done $0x0  }
0x95: {  	s16 =	sld [smem:$0x10];
	[sflag:s4] =	ssyncadd.s32 $0xFFFFFFFF  }
0x96: {  	s17 =	sld [smem:$0x13];
	(tm) =	ssettm $0x1  }
0x97: {  	s18 =	sld [smem:$0x3FFB];
	_ =	sdelay $0x3  }
0x98: {  	_ =	strace s18  }
0x99: {  	s5 =	sld [smem:$0x3FFC];
	_ =	sdelay $0x3  }
0x9a: {  	_ =	strace s5  }
0x9b: {  	s5 =	sld [smem:$0x3FFD];
	_ =	sdelay $0x3  }
0x9c: {  	_ =	strace s5  }
0x9d: {  	_ =	strace $0x8FFFFFFF  }
0x9e: {  	s19 =	sld [smem:$0x3FDB];
	_ =	sdelay $0x1  }
0x9f: {  	s6 =	simm.s32 $_scs_section_size  }
0xa0: {  	s7 =	simm.s32 $_size__tile_overlayer_lowered;
	s8 =	simm.s32 $_tile_overlayer_lowered  }
0xa1: {  	s22 =	simm.s32 $0x1BFF;
	s21 =	sshll.u32 s8, $0x1;
	s5 =	sadd.s32 s6, s19  }
0xa2: {  	s9 =	simm.s32 $0x0;
	s20 =	sshll.u32 s7, $0x1;
	s7 =	sadd.s32 s21, s5  }
0xa3: {  	[timem:s9], [sflag:s22] =	dma.local [hbm:s7], s20  }
0xa4: {  	_ =	swait.ge [sflag:s22], s20  }
0xa5: {  	s6 =	ssub.s32 $0x0, s20;
	[sflag:s22] =	ssyncset.done $0x0  }
0xa6: {  	[sflag:s22] =	ssyncadd.s32 s6;
	_ =	sdelay $0x1  }
0xa7: {  	s23 =	simm.s32 $0x1B8B  }
0xa8: {  	_ =	swait.ge [sflag:s23], $0x1  }
0xa9: {  	[sflag:s23] =	ssyncset.done $0x0  }
0xaa: {  	s25 =	simm.s32 $0x1B8E;
	s24 =	sld [smem:$0x3FFE];
	[sflag:s23] =	ssyncadd.s32 $0xFFFFFFFF  }
0xab: {  	s26 =	simm.s32 $execute0_lowered;
	[smem:$0x3FD2] =	sst s25  }
0xac: {  	s7 =	sshll.u32 s26, $0x1;
	_ =	strace $0x80000046;
	[dreg:$0x1] =	wrdreg $0xFFFFFFFF  }
0xad: {  	s28 =	simm.s32 $_size_execute0_lowered;
	s5 =	sadd.s32 s5, s7;
	[dreg:$0x0] =	wrdreg $0x0  }
0xae: {  	s7 =	sshll.u32 s28, $0x1;
	[dreg:$0x2] =	wrdreg s5  }
0xaf: {  	[dreg:$0x3] =	wrdreg s7  }
0xb0: {  	[dreg:$0x4] =	wrdreg $0xC0  }
0xb1: {  	_ =	task [dreg:s9], $0x5FFFF  }
0xb2: {  	[dreg:$0x1] =	wrdreg $0xFFFFFFFF  }
0xb3: {  	[dreg:$0x0] =	wrdreg $0x60  }
0xb4: {  	[dreg:$0x2] =	wrdreg s16  }
0xb5: {  	[dreg:$0x3] =	wrdreg s15  }
0xb6: {  	[dreg:$0x4] =	wrdreg s24  }
0xb7: {  	[dreg:$0x5] =	wrdreg s17  }
0xb8: {  	[dreg:$0x6] =	wrdreg $0x10000  }
0xb9: {  	[dreg:$0x7] =	wrdreg $0x9  }
0xba: {  	_ =	task.clear_ibuf [dreg:s9], $0x8FFFF;
	_ =	strace $0x90000046  }
0xbb: {  	s29 =	simm.s32 $0x9;
	_ =	strace $0x80000048  }
0xbc: {  	_ =	swait.ge [sflag:s29], $0x1  }
0xbd: {  	[sflag:s29] =	ssyncadd.s32 $0xFFFFFFFF  }
0xbe: {  	_ =	strace $0x90000048  }
0xbf: {  	_ =	sfence  }
0xc0: {  	s30 =	sld [smem:$0x0];
	_ =	sdelay $0x2  }
0xc1: {  	s31 =	sshll.u32 s1, $0xD;
	s1 =	sshrl.u32 s1, $0x2  }
0xc2: {  	s3 =	sand.u32 $0x4000, s31;
	s1 =	sadd.s32 s1, s30  }
0xc3: {  	s0 =	sor.u32 s3, s0;
	s1 =	sshll.u32 s1, $0x11  }
0xc4: {  	s0 =	sor.u32 s1, s0  }
0xc5: {  	s0 =	sadd.s32 $0x8F2B, s0  }
0xc6: {  	[sflag:s0] =	ssyncadd.remote.s32 $0x1  }
0xc7: {  	_ =	sfence.sel $0xFFFF  }
0xc8: {  	[dreg:$0x0] =	wrdreg $0xFFFFFFFF;
	(pc) =	sbr.abs _section_cstart, $3  }
0xc9: {  	[dreg:$0x1] =	wrdreg $0xFFFFFFFF  }
0xca: {  	_ =	task.clear_ibuf [dreg:s9], $0x2FFFF;
	_ =	strace $0x9FFFFFFF  }
0xcb: {  	(tm) =	ssettm $0x7FFFFFFF  }
tec
execute0_lowered:
.L_overlay_start_1:
0x0: {  	(tag) =	ssettag $0x1  }
0x1: {  	s1 =	stileid.u32  }
0x2: {  	s0 =	rddreg [dreg:$0x0];
	p0 =	sgt.u32 s1, $0x7  }
.Ltmp0:
0x3: {  	s5 =	rddreg [dreg:$0x1];
	(pc) =	sbr.rel @p0 .LBB2_3-.Ltmp0, $4  }
0x4: {  	s6 =	rddreg [dreg:$0x2]  }
0x5: {  	s4 =	rddreg [dreg:$0x3];
	s3 =	simm.s32 $0x0  }
0x6: {  	[smem:$0x7FF] =	sst s3  }
0x7: {  	s2 =	rddreg [dreg:$0x4];
	_ =	strace $0x80000047  }
0x8: {  	s7 =	srdreg.scid  }
0x9: {  	s1 =	stileid.u32;
	s6 =	sadd.s32 $0x3000, s6;
	s16 =	simm.s32 $0x800  }
0xa: {  	s18 =	simm.s32 $0x4E80;
	s19 =	simm.s32 $0x4F00;
	[dreg:$0x6] =	wrdreg s6  }
0xb: {  	s20 =	simm.s32 $0x4F80;
	s21 =	simm.s32 $0x100;
	[dreg:$0xa] =	wrdreg s16  }
0xc: {  	s22 =	simm.s32 $0x5000;
	s23 =	simm.s32 $0x180;
	[dreg:$0xb] =	wrdreg s18  }
0xd: {  	s25 =	simm.s32 $0x5080;
	s26 =	simm.s32 $0x200;
	[dreg:$0xc] =	wrdreg s19  }
0xe: {  	s11 =	simm.s32 $0x280;
	s28 =	simm.s32 $0x5580;
	[dreg:$0xd] =	wrdreg s20  }
0xf: {  	s29 =	simm.s32 $0x700;
	s31 =	simm.s32 $0x780;
	[dreg:$0xe] =	wrdreg s21  }
0x10: {  	s7 =	sand.u32 $0x1, s7;
	s8 =	sshll.u32 s1, $0x8;
	[dreg:$0xf] =	wrdreg s22  }
0x11: {  	s9 =	sshrl.u32 s1, $0x2;
	s30 =	smul.u32 $0x7D00, s1;
	[dreg:$0x10] =	wrdreg s23  }
0x12: {  	s6 =	simm.s32 $0x400;
	s24 =	sshll.u32 s1, $0x6;
	[dreg:$0x11] =	wrdreg s25  }
0x13: {  	[dreg:$0x12] =	wrdreg s26;
	s16 =	simm.s32 $0x5280;
	s18 =	simm.s32 $0x480  }
0x14: {  	s19 =	simm.s32 $0x5380;
	s20 =	simm.s32 $0x500;
	s21 =	simm.s32 $0x5400  }
0x15: {  	s22 =	simm.s32 $0x580;
	s23 =	simm.s32 $0x5480;
	s25 =	simm.s32 $0x5500  }
0x16: {  	s26 =	simm.s32 $0x680;
	s10 =	sshll.u32 s7, $0x7;
	s8 =	sand.u32 $0x300, s8  }
0x17: {  	s12 =	sshll.u32 s9, $0xE;
	s9 =	smul.u32 $0x3E800, s9;
	s15 =	ssub.s32 $0x2, s7  }
0x18: {  	s7 =	simm.s32 $0x1;
	s8 =	sor.u32 s10, s8;
	s14 =	sadd.s32 s30, s2  }
0x19: {  	s17 =	sshrl.u32 s15, $0x1;
	v0 =	vmov s30;
	s30 =	simm.s32 $0x5600;
	s10 =	sor.u32 s12, s8  }
0x1a: {  	s8 =	sor.u32 s9, s8;
	s9 =	sshrl.u32 s14, $0x3;
	s13 =	sshrl.u32 s10, $0x3  }
0x1b: {  	s12 =	simm.s32 $0x5180;
	s8 =	sshrl.u32 s8, $0x3;
	s5 =	sadd.s32 s5, s13  }
0x1c: {  	s14 =	simm.s32 $0x5200;
	s4 =	sadd.s32 s4, s8;
	[dreg:$0x7] =	wrdreg s5  }
0x1d: {  	s0 =	sadd.s32 s0, s13;
	s8 =	sor.u32 $0x1C01, s24;
	[dreg:$0x8] =	wrdreg s4  }
0x1e: {  	s13 =	simm.s32 $0x300;
	s24 =	simm.s32 $0x600;
	[dreg:$0x9] =	wrdreg s0  }
0x1f: {  	s4 =	ssub.s32 s15, s17;
	s5 =	simm.s32 $0x80;
	s15 =	simm.s32 $0x380  }
0x20: {  	s17 =	simm.s32 $0x5300;
	s0 =	simm.s32 $0x10;
	s4 =	smax.u32 s4, $0x1  }
.LBB2_2:
0x21: {  	s1 =	rddreg [dreg:$0x9]  }
0x22: {  	[tilespmem:s3], [sflag:$0x1] =	stream.strided.gather [hbm4b:s1+s5], $0x800, s6, s5, $0x38;
	[tilespmem:$0x5680] =	vst v63  }
0x23: {  	_ =	swait.ge [sflag:s7], $0x800  }
0x24: {  	s1 =	rddreg [dreg:$0x7];
	[sflag:s7] =	ssyncset.done $0x0  }
0x25: {  	s10 =	rddreg [dreg:$0xa];
	[sflag:s7] =	ssyncadd.s32 $0xFFFFF800  }
0x26: {  	[tilespmem:s10], [sflag:$0x1] =	stream.strided.gather [hbm4b:s1+s5], $0x800, s6, s5, $0x38;
	[tilespmem:$0x5680] =	vst v63  }
0x27: {  	_ =	swait.ge [sflag:s7], $0x800  }
0x28: {  	[sflag:s7] =	ssyncset.done $0x0  }
0x29: {  	s10 =	rddreg [dreg:$0x6];
	[sflag:s7] =	ssyncadd.s32 $0xFFFFF800  }
0x2a: {  	[spmem:s9], [sflag:s8] =	dma.local [hbm:s10], $0xFA0  }
0x2b: {  	_ =	swait.ge [sflag:s7], $0xFA0  }
0x2c: {  	[sflag:s7] =	ssyncset.done $0x0  }
0x2d: {  	[sflag:s7] =	ssyncadd.s32 $0xFFFFF060  }
0x2e: {  	v1 =	vld [tilespmem:$0x800]  }
0x2f: {  	v2 =	vld [tilespmem:$0x810]  }
0x30: {  	v3 =	vld [tilespmem:$0x820]  }
0x31: {  	v4 =	vld [tilespmem:$0x830]  }
0x32: {  	v5 =	vld [tilespmem:$0x840]  }
0x33: {  	v6 =	vld [tilespmem:$0x850];
	v1 =	vadd.s32 v0, v1  }
0x34: {  	[tilespmem:$0x4E80] =	vst v1;
	v1 =	vadd.s32 v0, v2;
	v2 =	vld [tilespmem:$0x860]  }
0x35: {  	[tilespmem:$0x4E90] =	vst v1;
	v1 =	vadd.s32 v0, v3;
	v3 =	vld [tilespmem:$0x870]  }
0x36: {  	v47 =	vld [tilespmem:$0x880];
	[tilespmem:$0x4EA0] =	vst v1;
	v1 =	vadd.s32 v0, v4  }
0x37: {  	v48 =	vld [tilespmem:$0x890];
	[tilespmem:$0x4EB0] =	vst v1;
	v1 =	vadd.s32 v0, v5  }
0x38: {  	v49 =	vld [tilespmem:$0x8A0];
	[tilespmem:$0x4EC0] =	vst v1;
	v1 =	vadd.s32 v0, v6  }
0x39: {  	[tilespmem:$0x4ED0] =	vst v1;
	v1 =	vadd.s32 v0, v2;
	v2 =	vld [tilespmem:$0x8B0]  }
0x3a: {  	[tilespmem:$0x4EE0] =	vst v1;
	v1 =	vadd.s32 v0, v3;
	v3 =	vld [tilespmem:$0x8C0]  }
0x3b: {  	v50 =	vld [tilespmem:$0x8D0];
	[tilespmem:$0x4EF0] =	vst v1;
	v1 =	vadd.s32 v0, v47  }
0x3c: {  	v51 =	vld [tilespmem:$0x8E0];
	[tilespmem:$0x4F00] =	vst v1;
	v1 =	vadd.s32 v0, v48  }
0x3d: {  	v52 =	vld [tilespmem:$0x8F0];
	[tilespmem:$0x4F10] =	vst v1;
	v1 =	vadd.s32 v0, v49  }
0x3e: {  	[tilespmem:$0x4F20] =	vst v1;
	v1 =	vadd.s32 v0, v2;
	v2 =	vld [tilespmem:$0x900]  }
0x3f: {  	[tilespmem:$0x4F30] =	vst v1;
	v1 =	vadd.s32 v0, v3;
	v3 =	vld [tilespmem:$0x910]  }
0x40: {  	v53 =	vld [tilespmem:$0x920];
	[tilespmem:$0x4F40] =	vst v1;
	v1 =	vadd.s32 v0, v50  }
0x41: {  	v54 =	vld [tilespmem:$0x930];
	[tilespmem:$0x4F50] =	vst v1;
	v1 =	vadd.s32 v0, v51  }
0x42: {  	v55 =	vld [tilespmem:$0x940];
	[tilespmem:$0x4F60] =	vst v1;
	v1 =	vadd.s32 v0, v52  }
0x43: {  	[tilespmem:$0x4F70] =	vst v1;
	v1 =	vadd.s32 v0, v2;
	v2 =	vld [tilespmem:$0x950]  }
0x44: {  	[tilespmem:$0x4F80] =	vst v1;
	v1 =	vadd.s32 v0, v3;
	v3 =	vld [tilespmem:$0x960]  }
0x45: {  	v56 =	vld [tilespmem:$0x970];
	[tilespmem:$0x4F90] =	vst v1;
	v1 =	vadd.s32 v0, v53  }
0x46: {  	v57 =	vld [tilespmem:$0x980];
	[tilespmem:$0x4FA0] =	vst v1;
	v1 =	vadd.s32 v0, v54  }
0x47: {  	v58 =	vld [tilespmem:$0x990];
	[tilespmem:$0x4FB0] =	vst v1;
	v1 =	vadd.s32 v0, v55  }
0x48: {  	[tilespmem:$0x4FC0] =	vst v1;
	v1 =	vadd.s32 v0, v2;
	v2 =	vld [tilespmem:$0x9A0]  }
0x49: {  	[tilespmem:$0x4FD0] =	vst v1;
	v1 =	vadd.s32 v0, v3;
	v3 =	vld [tilespmem:$0x9B0]  }
0x4a: {  	v59 =	vld [tilespmem:$0x9C0];
	[tilespmem:$0x4FE0] =	vst v1;
	v1 =	vadd.s32 v0, v56  }
0x4b: {  	v60 =	vld [tilespmem:$0x9D0];
	[tilespmem:$0x4FF0] =	vst v1;
	v1 =	vadd.s32 v0, v57  }
0x4c: {  	v61 =	vld [tilespmem:$0x9E0];
	[tilespmem:$0x5000] =	vst v1;
	v1 =	vadd.s32 v0, v58  }
0x4d: {  	[tilespmem:$0x5010] =	vst v1;
	v1 =	vadd.s32 v0, v2;
	v2 =	vld [tilespmem:$0x9F0]  }
0x4e: {  	[tilespmem:$0x5020] =	vst v1;
	v1 =	vadd.s32 v0, v3;
	v3 =	vld [tilespmem:$0xA00]  }
0x4f: {  	v62 =	vld [tilespmem:$0xA10];
	[tilespmem:$0x5030] =	vst v1;
	v1 =	vadd.s32 v0, v59  }
0x50: {  	v63 =	vld [tilespmem:$0xA20];
	[tilespmem:$0x5040] =	vst v1;
	v1 =	vadd.s32 v0, v60  }
0x51: {  	v9 =	vld [tilespmem:$0xA30];
	[tilespmem:$0x5050] =	vst v1;
	v1 =	vadd.s32 v0, v61  }
0x52: {  	[tilespmem:$0x5060] =	vst v1;
	v1 =	vadd.s32 v0, v2;
	v2 =	vld [tilespmem:$0xA40]  }
0x53: {  	[tilespmem:$0x5070] =	vst v1;
	v1 =	vadd.s32 v0, v3;
	v3 =	vld [tilespmem:$0xA50]  }
0x54: {  	v10 =	vld [tilespmem:$0xA60];
	[tilespmem:$0x5080] =	vst v1;
	v1 =	vadd.s32 v0, v62  }
0x55: {  	v11 =	vld [tilespmem:$0xA70];
	[tilespmem:$0x5090] =	vst v1;
	v1 =	vadd.s32 v0, v63  }
0x56: {  	v12 =	vld [tilespmem:$0xA80];
	[tilespmem:$0x50A0] =	vst v1;
	v1 =	vadd.s32 v0, v9  }
0x57: {  	[tilespmem:$0x50B0] =	vst v1;
	v1 =	vadd.s32 v0, v2;
	v2 =	vld [tilespmem:$0xA90]  }
0x58: {  	[tilespmem:$0x50C0] =	vst v1;
	v1 =	vadd.s32 v0, v3;
	v3 =	vld [tilespmem:$0xAA0]  }
0x59: {  	v13 =	vld [tilespmem:$0xAB0];
	[tilespmem:$0x50D0] =	vst v1;
	v1 =	vadd.s32 v0, v10  }
0x5a: {  	v14 =	vld [tilespmem:$0xAC0];
	[tilespmem:$0x50E0] =	vst v1;
	v1 =	vadd.s32 v0, v11  }
0x5b: {  	v15 =	vld [tilespmem:$0xAD0];
	[tilespmem:$0x50F0] =	vst v1;
	v1 =	vadd.s32 v0, v12  }
0x5c: {  	[tilespmem:$0x5100] =	vst v1;
	v1 =	vadd.s32 v0, v2;
	v2 =	vld [tilespmem:$0xAE0]  }
0x5d: {  	[tilespmem:$0x5110] =	vst v1;
	v1 =	vadd.s32 v0, v3;
	v3 =	vld [tilespmem:$0xAF0]  }
0x5e: {  	v16 =	vld [tilespmem:$0xB00];
	[tilespmem:$0x5120] =	vst v1;
	v1 =	vadd.s32 v0, v13  }
0x5f: {  	v17 =	vld [tilespmem:$0xB10];
	[tilespmem:$0x5130] =	vst v1;
	v1 =	vadd.s32 v0, v14  }
0x60: {  	v18 =	vld [tilespmem:$0xB20];
	[tilespmem:$0x5140] =	vst v1;
	v1 =	vadd.s32 v0, v15  }
0x61: {  	[tilespmem:$0x5150] =	vst v1;
	v1 =	vadd.s32 v0, v2;
	v2 =	vld [tilespmem:$0xB30]  }
0x62: {  	[tilespmem:$0x5160] =	vst v1;
	v1 =	vadd.s32 v0, v3;
	v3 =	vld [tilespmem:$0xB40]  }
0x63: {  	v19 =	vld [tilespmem:$0xB50];
	[tilespmem:$0x5170] =	vst v1;
	v1 =	vadd.s32 v0, v16  }
0x64: {  	v20 =	vld [tilespmem:$0xB60];
	[tilespmem:$0x5180] =	vst v1;
	v1 =	vadd.s32 v0, v17  }
0x65: {  	v21 =	vld [tilespmem:$0xB70];
	[tilespmem:$0x5190] =	vst v1;
	v1 =	vadd.s32 v0, v18  }
0x66: {  	[tilespmem:$0x51A0] =	vst v1;
	v1 =	vadd.s32 v0, v2;
	v2 =	vld [tilespmem:$0xB80]  }
0x67: {  	[tilespmem:$0x51B0] =	vst v1;
	v1 =	vadd.s32 v0, v3;
	v3 =	vld [tilespmem:$0xB90]  }
0x68: {  	v22 =	vld [tilespmem:$0xBA0];
	[tilespmem:$0x51C0] =	vst v1;
	v1 =	vadd.s32 v0, v19  }
0x69: {  	v23 =	vld [tilespmem:$0xBB0];
	[tilespmem:$0x51D0] =	vst v1;
	v1 =	vadd.s32 v0, v20  }
0x6a: {  	v24 =	vld [tilespmem:$0xBC0];
	[tilespmem:$0x51E0] =	vst v1;
	v1 =	vadd.s32 v0, v21  }
0x6b: {  	[tilespmem:$0x51F0] =	vst v1;
	v1 =	vadd.s32 v0, v2;
	v2 =	vld [tilespmem:$0xBD0]  }
0x6c: {  	[tilespmem:$0x5200] =	vst v1;
	v1 =	vadd.s32 v0, v3;
	v3 =	vld [tilespmem:$0xBE0]  }
0x6d: {  	v25 =	vld [tilespmem:$0xBF0];
	[tilespmem:$0x5210] =	vst v1;
	v1 =	vadd.s32 v0, v22  }
0x6e: {  	v26 =	vld [tilespmem:$0xC00];
	[tilespmem:$0x5220] =	vst v1;
	v1 =	vadd.s32 v0, v23  }
0x6f: {  	v27 =	vld [tilespmem:$0xC10];
	[tilespmem:$0x5230] =	vst v1;
	v1 =	vadd.s32 v0, v24  }
0x70: {  	[tilespmem:$0x5240] =	vst v1;
	v1 =	vadd.s32 v0, v2;
	v2 =	vld [tilespmem:$0xC20]  }
0x71: {  	[tilespmem:$0x5250] =	vst v1;
	v1 =	vadd.s32 v0, v3;
	v3 =	vld [tilespmem:$0xC30]  }
0x72: {  	v28 =	vld [tilespmem:$0xC40];
	[tilespmem:$0x5260] =	vst v1;
	v1 =	vadd.s32 v0, v25  }
0x73: {  	v29 =	vld [tilespmem:$0xC50];
	[tilespmem:$0x5270] =	vst v1;
	v1 =	vadd.s32 v0, v26  }
0x74: {  	v30 =	vld [tilespmem:$0xC60];
	[tilespmem:$0x5280] =	vst v1;
	v1 =	vadd.s32 v0, v27  }
0x75: {  	[tilespmem:$0x5290] =	vst v1;
	v1 =	vadd.s32 v0, v2;
	v2 =	vld [tilespmem:$0xC70]  }
0x76: {  	[tilespmem:$0x52A0] =	vst v1;
	v1 =	vadd.s32 v0, v3;
	v3 =	vld [tilespmem:$0xC80]  }
0x77: {  	v31 =	vld [tilespmem:$0xC90];
	[tilespmem:$0x52B0] =	vst v1;
	v1 =	vadd.s32 v0, v28  }
0x78: {  	v32 =	vld [tilespmem:$0xCA0];
	[tilespmem:$0x52C0] =	vst v1;
	v1 =	vadd.s32 v0, v29  }
0x79: {  	v33 =	vld [tilespmem:$0xCB0];
	[tilespmem:$0x52D0] =	vst v1;
	v1 =	vadd.s32 v0, v30  }
0x7a: {  	[tilespmem:$0x52E0] =	vst v1;
	v1 =	vadd.s32 v0, v2;
	v2 =	vld [tilespmem:$0xCC0]  }
0x7b: {  	[tilespmem:$0x52F0] =	vst v1;
	v1 =	vadd.s32 v0, v3;
	v3 =	vld [tilespmem:$0xCD0]  }
0x7c: {  	v34 =	vld [tilespmem:$0xCE0];
	[tilespmem:$0x5300] =	vst v1;
	v1 =	vadd.s32 v0, v31  }
0x7d: {  	v35 =	vld [tilespmem:$0xCF0];
	[tilespmem:$0x5310] =	vst v1;
	v1 =	vadd.s32 v0, v32  }
0x7e: {  	v36 =	vld [tilespmem:$0xD00];
	[tilespmem:$0x5320] =	vst v1;
	v1 =	vadd.s32 v0, v33  }
0x7f: {  	[tilespmem:$0x5330] =	vst v1;
	v1 =	vadd.s32 v0, v2;
	v2 =	vld [tilespmem:$0xD10]  }
0x80: {  	[tilespmem:$0x5340] =	vst v1;
	v1 =	vadd.s32 v0, v3;
	v3 =	vld [tilespmem:$0xD20]  }
0x81: {  	v37 =	vld [tilespmem:$0xD30];
	[tilespmem:$0x5350] =	vst v1;
	v1 =	vadd.s32 v0, v34  }
0x82: {  	v38 =	vld [tilespmem:$0xD40];
	[tilespmem:$0x5360] =	vst v1;
	v1 =	vadd.s32 v0, v35  }
0x83: {  	v39 =	vld [tilespmem:$0xD50];
	[tilespmem:$0x5370] =	vst v1;
	v1 =	vadd.s32 v0, v36  }
0x84: {  	[tilespmem:$0x5380] =	vst v1;
	v1 =	vadd.s32 v0, v2;
	v2 =	vld [tilespmem:$0xD60]  }
0x85: {  	[tilespmem:$0x5390] =	vst v1;
	v1 =	vadd.s32 v0, v3;
	v3 =	vld [tilespmem:$0xD70]  }
0x86: {  	v40 =	vld [tilespmem:$0xD80];
	[tilespmem:$0x53A0] =	vst v1;
	v1 =	vadd.s32 v0, v37  }
0x87: {  	v41 =	vld [tilespmem:$0xD90];
	[tilespmem:$0x53B0] =	vst v1;
	v1 =	vadd.s32 v0, v38  }
0x88: {  	v42 =	vld [tilespmem:$0xDA0];
	[tilespmem:$0x53C0] =	vst v1;
	v1 =	vadd.s32 v0, v39  }
0x89: {  	[tilespmem:$0x53D0] =	vst v1;
	v1 =	vadd.s32 v0, v2;
	v2 =	vld [tilespmem:$0xDB0]  }
0x8a: {  	[tilespmem:$0x53E0] =	vst v1;
	v1 =	vadd.s32 v0, v3;
	v3 =	vld [tilespmem:$0xDC0]  }
0x8b: {  	v43 =	vld [tilespmem:$0xDD0];
	[tilespmem:$0x53F0] =	vst v1;
	v1 =	vadd.s32 v0, v40  }
0x8c: {  	v44 =	vld [tilespmem:$0xDE0];
	[tilespmem:$0x5400] =	vst v1;
	v1 =	vadd.s32 v0, v41  }
0x8d: {  	v45 =	vld [tilespmem:$0xDF0];
	[tilespmem:$0x5410] =	vst v1;
	v1 =	vadd.s32 v0, v42  }
0x8e: {  	[tilespmem:$0x5420] =	vst v1;
	v1 =	vadd.s32 v0, v2;
	v2 =	vld [tilespmem:$0xE00]  }
0x8f: {  	[tilespmem:$0x5430] =	vst v1;
	v1 =	vadd.s32 v0, v3;
	v3 =	vld [tilespmem:$0xE10]  }
0x90: {  	v46 =	vld [tilespmem:$0xE20];
	[tilespmem:$0x5440] =	vst v1;
	v1 =	vadd.s32 v0, v43  }
0x91: {  	v47 =	vld [tilespmem:$0xE30];
	[tilespmem:$0x5450] =	vst v1;
	v1 =	vadd.s32 v0, v44  }
0x92: {  	v48 =	vld [tilespmem:$0xE40];
	[tilespmem:$0x5460] =	vst v1;
	v1 =	vadd.s32 v0, v45  }
0x93: {  	[tilespmem:$0x5470] =	vst v1;
	v1 =	vadd.s32 v0, v2;
	v2 =	vld [tilespmem:$0xE50]  }
0x94: {  	[tilespmem:$0x5480] =	vst v1;
	v1 =	vadd.s32 v0, v3;
	v3 =	vld [tilespmem:$0xE60]  }
0x95: {  	v49 =	vld [tilespmem:$0xE70];
	[tilespmem:$0x5490] =	vst v1;
	v1 =	vadd.s32 v0, v46  }
0x96: {  	v50 =	vld [tilespmem:$0xE80];
	[tilespmem:$0x54A0] =	vst v1;
	v1 =	vadd.s32 v0, v47  }
0x97: {  	v51 =	vld [tilespmem:$0xE90];
	[tilespmem:$0x54B0] =	vst v1;
	v1 =	vadd.s32 v0, v48  }
0x98: {  	[tilespmem:$0x54C0] =	vst v1;
	v1 =	vadd.s32 v0, v2;
	v2 =	vld [tilespmem:$0xEA0]  }
0x99: {  	[tilespmem:$0x54D0] =	vst v1;
	v1 =	vadd.s32 v0, v3;
	v3 =	vld [tilespmem:$0xEB0]  }
0x9a: {  	v52 =	vld [tilespmem:$0xEC0];
	[tilespmem:$0x54E0] =	vst v1;
	v1 =	vadd.s32 v0, v49  }
0x9b: {  	v53 =	vld [tilespmem:$0xED0];
	[tilespmem:$0x54F0] =	vst v1;
	v1 =	vadd.s32 v0, v50  }
0x9c: {  	v54 =	vld [tilespmem:$0xEE0];
	[tilespmem:$0x5500] =	vst v1;
	v1 =	vadd.s32 v0, v51  }
0x9d: {  	[tilespmem:$0x5510] =	vst v1;
	v1 =	vadd.s32 v0, v2;
	v2 =	vld [tilespmem:$0xEF0]  }
0x9e: {  	[tilespmem:$0x5520] =	vst v1;
	v1 =	vadd.s32 v0, v3;
	v3 =	vld [tilespmem:$0xF00]  }
0x9f: {  	v55 =	vld [tilespmem:$0xF10];
	[tilespmem:$0x5530] =	vst v1;
	v1 =	vadd.s32 v0, v52  }
0xa0: {  	v56 =	vld [tilespmem:$0xF20];
	[tilespmem:$0x5540] =	vst v1;
	v1 =	vadd.s32 v0, v53  }
0xa1: {  	v57 =	vld [tilespmem:$0xF30];
	[tilespmem:$0x5550] =	vst v1;
	v1 =	vadd.s32 v0, v54  }
0xa2: {  	[tilespmem:$0x5560] =	vst v1;
	v1 =	vadd.s32 v0, v2;
	v2 =	vld [tilespmem:$0xF40]  }
0xa3: {  	[tilespmem:$0x5570] =	vst v1;
	v1 =	vadd.s32 v0, v3;
	v3 =	vld [tilespmem:$0xF50]  }
0xa4: {  	v58 =	vld [tilespmem:$0xF60];
	[tilespmem:$0x5580] =	vst v1;
	v1 =	vadd.s32 v0, v55  }
0xa5: {  	v59 =	vld [tilespmem:$0xF70];
	[tilespmem:$0x5590] =	vst v1;
	v1 =	vadd.s32 v0, v56  }
0xa6: {  	v60 =	vld [tilespmem:$0xF80];
	[tilespmem:$0x55A0] =	vst v1;
	v1 =	vadd.s32 v0, v57  }
0xa7: {  	[tilespmem:$0x55B0] =	vst v1;
	v1 =	vadd.s32 v0, v2;
	v2 =	vld [tilespmem:$0xF90]  }
0xa8: {  	[tilespmem:$0x55C0] =	vst v1;
	v1 =	vadd.s32 v0, v3;
	v3 =	vld [tilespmem:$0xFA0]  }
0xa9: {  	v61 =	vld [tilespmem:$0xFB0];
	[tilespmem:$0x55D0] =	vst v1;
	v1 =	vadd.s32 v0, v58  }
0xaa: {  	v62 =	vld [tilespmem:$0xFC0];
	[tilespmem:$0x55E0] =	vst v1;
	v1 =	vadd.s32 v0, v59  }
0xab: {  	v63 =	vld [tilespmem:$0xFD0];
	[tilespmem:$0x55F0] =	vst v1;
	v1 =	vadd.s32 v0, v60  }
0xac: {  	[tilespmem:$0x5600] =	vst v1;
	v1 =	vadd.s32 v0, v2;
	v2 =	vld [tilespmem:$0xFE0]  }
0xad: {  	[tilespmem:$0x5610] =	vst v1;
	v1 =	vadd.s32 v0, v3;
	v3 =	vld [tilespmem:$0xFF0]  }
0xae: {  	[tilespmem:$0x5620] =	vst v1;
	v1 =	vadd.s32 v0, v61  }
0xaf: {  	[tilespmem:$0x5630] =	vst v1;
	v1 =	vadd.s32 v0, v62  }
0xb0: {  	[tilespmem:$0x5640] =	vst v1;
	v1 =	vadd.s32 v0, v63  }
0xb1: {  	[tilespmem:$0x5650] =	vst v1;
	v1 =	vadd.s32 v0, v2  }
0xb2: {  	[tilespmem:$0x5660] =	vst v1;
	v1 =	vadd.s32 v0, v3  }
0xb3: {  	s10 =	rddreg [dreg:$0xb];
	[tilespmem:$0x5670] =	vst v1  }
0xb4: {  	[spmem:s2] =	stream.indirect.scatter.add.f32 [tilespmem:s3], [sflag:$0x1], $0x1, s10, s5, $0xb8;
	[tilespmem:$0x5680] =	vst v63  }
0xb5: {  	_ =	swait.ge [sflag:s7], $0x80  }
0xb6: {  	[sflag:s7] =	ssyncset.done $0x0  }
0xb7: {  	s10 =	rddreg [dreg:$0xc];
	[sflag:s7] =	ssyncadd.s32 $0xFFFFFF80  }
0xb8: {  	[spmem:s2] =	stream.indirect.scatter.add.f32 [tilespmem:s5], [sflag:$0x1], $0x1, s10, s5, $0xb8;
	[tilespmem:$0x5680] =	vst v63  }
0xb9: {  	_ =	swait.ge [sflag:s7], $0x80  }
0xba: {  	s1 =	rddreg [dreg:$0xd];
	[sflag:s7] =	ssyncset.done $0x0  }
0xbb: {  	s10 =	rddreg [dreg:$0xe];
	[sflag:s7] =	ssyncadd.s32 $0xFFFFFF80  }
0xbc: {  	[spmem:s2] =	stream.indirect.scatter.add.f32 [tilespmem:s10], [sflag:$0x1], $0x1, s1, s5, $0xb8;
	[tilespmem:$0x5680] =	vst v63  }
0xbd: {  	_ =	swait.ge [sflag:s7], $0x80  }
0xbe: {  	s1 =	rddreg [dreg:$0xf];
	[sflag:s7] =	ssyncset.done $0x0  }
0xbf: {  	s10 =	rddreg [dreg:$0x10];
	[sflag:s7] =	ssyncadd.s32 $0xFFFFFF80  }
0xc0: {  	[spmem:s2] =	stream.indirect.scatter.add.f32 [tilespmem:s10], [sflag:$0x1], $0x1, s1, s5, $0xb8;
	[tilespmem:$0x5680] =	vst v63  }
0xc1: {  	_ =	swait.ge [sflag:s7], $0x80  }
0xc2: {  	s1 =	rddreg [dreg:$0x11];
	[sflag:s7] =	ssyncset.done $0x0  }
0xc3: {  	s10 =	rddreg [dreg:$0x12];
	[sflag:s7] =	ssyncadd.s32 $0xFFFFFF80  }
0xc4: {  	[spmem:s2] =	stream.indirect.scatter.add.f32 [tilespmem:s10], [sflag:$0x1], $0x1, s1, s5, $0xb8;
	[tilespmem:$0x5680] =	vst v63  }
0xc5: {  	_ =	swait.ge [sflag:s7], $0x80  }
0xc6: {  	[sflag:s7] =	ssyncset.done $0x0  }
0xc7: {  	s10 =	simm.s32 $0x5100;
	[sflag:s7] =	ssyncadd.s32 $0xFFFFFF80  }
0xc8: {  	[spmem:s2] =	stream.indirect.scatter.add.f32 [tilespmem:s11], [sflag:$0x1], $0x1, s10, s5, $0xb8;
	[tilespmem:$0x5680] =	vst v63  }
0xc9: {  	_ =	swait.ge [sflag:s7], $0x80  }
0xca: {  	[sflag:s7] =	ssyncset.done $0x0  }
0xcb: {  	[sflag:s7] =	ssyncadd.s32 $0xFFFFFF80  }
0xcc: {  	[spmem:s2] =	stream.indirect.scatter.add.f32 [tilespmem:s13], [sflag:$0x1], $0x1, s12, s5, $0xb8;
	[tilespmem:$0x5680] =	vst v63  }
0xcd: {  	_ =	swait.ge [sflag:s7], $0x80  }
0xce: {  	[sflag:s7] =	ssyncset.done $0x0  }
0xcf: {  	[sflag:s7] =	ssyncadd.s32 $0xFFFFFF80  }
0xd0: {  	[spmem:s2] =	stream.indirect.scatter.add.f32 [tilespmem:s15], [sflag:$0x1], $0x1, s14, s5, $0xb8;
	[tilespmem:$0x5680] =	vst v63  }
0xd1: {  	_ =	swait.ge [sflag:s7], $0x80  }
0xd2: {  	[sflag:s7] =	ssyncset.done $0x0  }
0xd3: {  	[sflag:s7] =	ssyncadd.s32 $0xFFFFFF80  }
0xd4: {  	[spmem:s2] =	stream.indirect.scatter.add.f32 [tilespmem:s6], [sflag:$0x1], $0x1, s16, s5, $0xb8;
	[tilespmem:$0x5680] =	vst v63  }
0xd5: {  	_ =	swait.ge [sflag:s7], $0x80  }
0xd6: {  	[sflag:s7] =	ssyncset.done $0x0  }
0xd7: {  	[sflag:s7] =	ssyncadd.s32 $0xFFFFFF80  }
0xd8: {  	[spmem:s2] =	stream.indirect.scatter.add.f32 [tilespmem:s18], [sflag:$0x1], $0x1, s17, s5, $0xb8;
	[tilespmem:$0x5680] =	vst v63  }
0xd9: {  	_ =	swait.ge [sflag:s7], $0x80  }
0xda: {  	[sflag:s7] =	ssyncset.done $0x0  }
0xdb: {  	[sflag:s7] =	ssyncadd.s32 $0xFFFFFF80  }
0xdc: {  	[spmem:s2] =	stream.indirect.scatter.add.f32 [tilespmem:s20], [sflag:$0x1], $0x1, s19, s5, $0xb8;
	[tilespmem:$0x5680] =	vst v63  }
0xdd: {  	_ =	swait.ge [sflag:s7], $0x80  }
0xde: {  	[sflag:s7] =	ssyncset.done $0x0  }
0xdf: {  	[sflag:s7] =	ssyncadd.s32 $0xFFFFFF80  }
0xe0: {  	[spmem:s2] =	stream.indirect.scatter.add.f32 [tilespmem:s22], [sflag:$0x1], $0x1, s21, s5, $0xb8;
	[tilespmem:$0x5680] =	vst v63  }
0xe1: {  	_ =	swait.ge [sflag:s7], $0x80  }
0xe2: {  	[sflag:s7] =	ssyncset.done $0x0  }
0xe3: {  	[sflag:s7] =	ssyncadd.s32 $0xFFFFFF80  }
0xe4: {  	[spmem:s2] =	stream.indirect.scatter.add.f32 [tilespmem:s24], [sflag:$0x1], $0x1, s23, s5, $0xb8;
	[tilespmem:$0x5680] =	vst v63  }
0xe5: {  	_ =	swait.ge [sflag:s7], $0x80  }
0xe6: {  	[sflag:s7] =	ssyncset.done $0x0  }
0xe7: {  	[sflag:s7] =	ssyncadd.s32 $0xFFFFFF80  }
0xe8: {  	[spmem:s2] =	stream.indirect.scatter.add.f32 [tilespmem:s26], [sflag:$0x1], $0x1, s25, s5, $0xb8;
	[tilespmem:$0x5680] =	vst v63  }
0xe9: {  	_ =	swait.ge [sflag:s7], $0x80  }
0xea: {  	[sflag:s7] =	ssyncset.done $0x0  }
0xeb: {  	[sflag:s7] =	ssyncadd.s32 $0xFFFFFF80  }
0xec: {  	[spmem:s2] =	stream.indirect.scatter.add.f32 [tilespmem:s29], [sflag:$0x1], $0x1, s28, s5, $0xb8;
	[tilespmem:$0x5680] =	vst v63  }
0xed: {  	_ =	swait.ge [sflag:s7], $0x80  }
0xee: {  	[sflag:s7] =	ssyncset.done $0x0  }
0xef: {  	[sflag:s7] =	ssyncadd.s32 $0xFFFFFF80  }
0xf0: {  	[spmem:s2] =	stream.indirect.scatter.add.f32 [tilespmem:s31], [sflag:$0x1], $0x1, s30, s5, $0xb8;
	[tilespmem:$0x5680] =	vst v63  }
0xf1: {  	_ =	swait.ge [sflag:s7], $0x80  }
0xf2: {  	p0 =	sne.s32 s4, $0x1;
	[sflag:s7] =	ssyncset.done $0x0  }
.Ltmp1:
0xf3: {  	s10 =	rddreg [dreg:$0x8];
	[sflag:s7] =	ssyncadd.s32 $0xFFFFFF80;
	(pc) =	sbr.rel @p0 .LBB2_2-.Ltmp1, $4  }
0xf4: {  	[hbm:s10@s5], [sflag:s8] =	dma.strided [spmem:s9@s0], $0xFA0, s7, $0x10   }
0xf5: {  	_ =	swait.ge [sflag:s7], $0xFA0  }
0xf6: {  	[sflag:s7] =	ssyncset.done $0x0  }
0xf7: {  	s4 =	sadd.s32 $0xFFFFFFFF, s4;
	[sflag:s7] =	ssyncadd.s32 $0xFFFFF060  }
.LBB2_3:
0xf8: {  	_ =	sfence.sel $0x180000  }
0xf9: {  	[bflag:$0x0] =	sbarrier.arrive $0xFFFF  }
0xfa: {  	_ =	strace $0x90000047  }
0xfb: {  	s0 =	stileid.u32;
	[bflag:$0x2] =	sbarrier.arrive $0xFFFF  }
0xfc: {  	p0 =	sne.s32 s0, $0x0;
	s0 =	rddreg [dreg:$0x5]  }
0xfd: {  	s0 =	sadd.s32 @!p0 $0x100000, s0  }
0xfe: {  	[sflag:s0] =	ssyncadd.tile.s32 @!p0 $0x1;
	_ =	shalt  }
.Lfunc_end2:
_tile_overlayer_lowered:
.L_overlay_start_2:
0xff: {  	(tag) =	ssettag $0x2  }
0x100: {  	s0 =	rddreg [dreg:$0x0];
	s2 =	stileid.u32  }
0x101: {  	s1 =	rddreg [dreg:$0x1];
	p0 =	sne.s32 s2, $0x0  }
0x102: {  	s3 =	rddreg [dreg:$0x2];
	[bflag:$0x3] =	sbarrier.arrive $0xFFFF;
	s2 =	simm.s32 @!p0 $0x1C01  }
0x103: {  	[timem:s3], [sflag:s2] =	dma.local @!p0 [hbm:s0], s1  }
0x104: {  	s0 =	simm.s32 @!p0 $0x1  }
0x105: {  	_ =	swait.ge @!p0 [sflag:s0], s1  }
0x106: {  	s1 =	ssub.s32 @!p0 $0x0, s1;
	[sflag:s0] =	ssyncset.done @!p0 $0x0  }
0x107: {  	[sflag:s0] =	ssyncadd.s32 @!p0 s1  }
0x108: {  	[bflag:$0x3] =	sbarrier.arrive $0xFFFF  }
0x109: {  	_ =	shalt  }

</sc_bundles>
